<compile_context>
chip_gen: v7x
topology: tpu7x:2x2x1
jax: 0.10.2.dev20260603
libtpu: 0.0.44.dev20260713+nightly
codegen_flags: <defaults>
</compile_context>

<pallas_src>
import functools

import jax
import jax.numpy as jnp
from jax import lax
from jax.experimental import pallas as pl
from jax.experimental.pallas import tpu as pltpu
from jax.experimental.pallas import tpu_sc as plsc

B, N, P, K = 16, 2048, 512, 16
CIN, COUT = 128, 256
TOT = float(B * P * K)
EPS = 1e-5


def _fps_body(xyzT_ref, newc_ref):
    xs = xyzT_ref[0]
    ys = xyzT_ref[1]
    zs = xyzT_ref[2]
    iotaN = lax.broadcasted_iota(jnp.int32, (B, N), 1)
    iotaP = lax.broadcasted_iota(jnp.int32, (B, P), 1)

    def body(i, st):
        dist, far, nx, ny, nz = st
        oh = (iotaN == far).astype(jnp.float32)
        cx = jnp.sum(xs * oh, axis=1, keepdims=True)
        cy = jnp.sum(ys * oh, axis=1, keepdims=True)
        cz = jnp.sum(zs * oh, axis=1, keepdims=True)
        ohp = (iotaP == i).astype(jnp.float32)
        nx = nx + ohp * cx
        ny = ny + ohp * cy
        nz = nz + ohp * cz
        d = (xs - cx) ** 2 + (ys - cy) ** 2 + (zs - cz) ** 2
        dist = jnp.minimum(dist, d)
        far = jnp.argmax(dist, axis=1).astype(jnp.int32)[:, None]
        return (dist, far, nx, ny, nz)

    dist0 = jnp.full((B, N), 1e10, jnp.float32)
    far0 = jnp.zeros((B, 1), jnp.int32)
    z = jnp.zeros((B, P), jnp.float32)
    _, _, nx, ny, nz = lax.fori_loop(0, P, body, (dist0, far0, z, z, z))
    newc_ref[:, 0:1, :] = nx[:, None, :]
    newc_ref[:, 1:2, :] = ny[:, None, :]
    newc_ref[:, 2:3, :] = nz[:, None, :]


def _fps(xyzT):
    return pl.pallas_call(
        _fps_body,
        out_shape=jax.ShapeDtypeStruct((B, 3, P), jnp.float32),
    )(xyzT)


def _knn_body(xyz_ref, newc_ref, idx_ref, cnt_ref):
    xyzb = xyz_ref[0]
    xc = xyzb[:, 0:1]
    yc = xyzb[:, 1:2]
    zc = xyzb[:, 2:3]
    nxr = newc_ref[0, 0:1, :]
    nyr = newc_ref[0, 1:2, :]
    nzr = newc_ref[0, 2:3, :]
    b2 = xc * xc + yc * yc + zc * zc
    a2 = nxr * nxr + nyr * nyr + nzr * nzr
    s = lax.dot_general(xyzb, newc_ref[0], (((1,), (0,)), ((), ())),
                        preferred_element_type=jnp.float32)
    dT = jnp.maximum(a2 + b2 - 2.0 * s, 0.0)
    iota_s = lax.broadcasted_iota(jnp.int32, (N, P), 0)
    for k in range(K):
        amin = jnp.argmin(dT, axis=0).astype(jnp.int32)[None, :]
        sel = iota_s == amin
        dT = jnp.where(sel, jnp.inf, dT)
        idx_ref[0:1, k : k + 1, :] = amin[None]
    cnt = jnp.sum(jnp.isinf(dT).astype(jnp.float32), axis=1, keepdims=True)
    cnt_ref[...] = cnt[None]


def _knn(xyz, newc):
    return pl.pallas_call(
        _knn_body,
        grid=(B,),
        in_specs=[
            pl.BlockSpec((1, N, 3), lambda b: (b, 0, 0)),
            pl.BlockSpec((1, 3, P), lambda b: (b, 0, 0)),
        ],
        out_specs=[
            pl.BlockSpec((1, K, P), lambda b: (b, 0, 0)),
            pl.BlockSpec((1, N, 1), lambda b: (b, 0, 0)),
        ],
        out_shape=[
            jax.ShapeDtypeStruct((B, K, P), jnp.int32),
            jax.ShapeDtypeStruct((B, N, 1), jnp.float32),
        ],
    )(xyz, newc)


def _conv1_body(x_ref, w_ref, b_ref, g_ref, be_ref, cnt_ref,
                f1_ref, s_ref, t_ref, acc_ref):
    b = pl.program_id(0)

    @pl.when(b == 0)
    def _():
        acc_ref[...] = jnp.zeros_like(acc_ref)

    x = x_ref[0]
    y = lax.dot_general(x, w_ref[...], (((1,), (1,)), ((), ())),
                        preferred_element_type=jnp.float32)
    y = y + b_ref[...]
    f1_ref[...] = y[None]
    c = cnt_ref[0]
    yc = y * c
    acc_ref[0:1, :] += jnp.sum(yc, axis=0, keepdims=True)
    acc_ref[1:2, :] += jnp.sum(yc * y, axis=0, keepdims=True)

    @pl.when(b == B - 1)
    def _():
        m = acc_ref[0:1, :] / TOT
        v = acc_ref[1:2, :] / TOT - m * m
        sc = g_ref[...] * lax.rsqrt(v + EPS)
        s_ref[...] = sc
        t_ref[...] = be_ref[...] - m * sc


def _conv1(features, W1, b1r, g1r, be1r, cnt3):
    return pl.pallas_call(
        _conv1_body,
        grid=(B,),
        in_specs=[
            pl.BlockSpec((1, N, CIN), lambda b: (b, 0, 0)),
            pl.BlockSpec((COUT, CIN), lambda b: (0, 0)),
            pl.BlockSpec((1, COUT), lambda b: (0, 0)),
            pl.BlockSpec((1, COUT), lambda b: (0, 0)),
            pl.BlockSpec((1, COUT), lambda b: (0, 0)),
            pl.BlockSpec((1, N, 1), lambda b: (b, 0, 0)),
        ],
        out_specs=[
            pl.BlockSpec((1, N, COUT), lambda b: (b, 0, 0)),
            pl.BlockSpec((1, COUT), lambda b: (0, 0)),
            pl.BlockSpec((1, COUT), lambda b: (0, 0)),
        ],
        out_shape=[
            jax.ShapeDtypeStruct((B, N, COUT), jnp.float32),
            jax.ShapeDtypeStruct((1, COUT), jnp.float32),
            jax.ShapeDtypeStruct((1, COUT), jnp.float32),
        ],
        scratch_shapes=[pltpu.VMEM((8, COUT), jnp.float32)],
    )(features, W1, b1r, g1r, be1r, cnt3)


def _conv2_body(f1_ref, s1_ref, t1_ref, w_ref, b_ref, g_ref, be_ref, cnt_ref,
                f2_ref, s_ref, t_ref, acc_ref):
    b = pl.program_id(0)

    @pl.when(b == 0)
    def _():
        acc_ref[...] = jnp.zeros_like(acc_ref)

    z = jnp.maximum(f1_ref[0] * s1_ref[...] + t1_ref[...], 0.0)
    y = lax.dot_general(z, w_ref[...], (((1,), (1,)), ((), ())),
                        preferred_element_type=jnp.float32)
    y = y + b_ref[...]
    f2_ref[...] = y[None]
    c = cnt_ref[0]
    yc = y * c
    acc_ref[0:1, :] += jnp.sum(yc, axis=0, keepdims=True)
    acc_ref[1:2, :] += jnp.sum(yc * y, axis=0, keepdims=True)

    @pl.when(b == B - 1)
    def _():
        m = acc_ref[0:1, :] / TOT
        v = acc_ref[1:2, :] / TOT - m * m
        sc = g_ref[...] * lax.rsqrt(v + EPS)
        s_ref[...] = sc
        t_ref[...] = be_ref[...] - m * sc


def _conv2(F1, s1, t1, W2, b2r, g2r, be2r, cnt3):
    return pl.pallas_call(
        _conv2_body,
        grid=(B,),
        in_specs=[
            pl.BlockSpec((1, N, COUT), lambda b: (b, 0, 0)),
            pl.BlockSpec((1, COUT), lambda b: (0, 0)),
            pl.BlockSpec((1, COUT), lambda b: (0, 0)),
            pl.BlockSpec((COUT, COUT), lambda b: (0, 0)),
            pl.BlockSpec((1, COUT), lambda b: (0, 0)),
            pl.BlockSpec((1, COUT), lambda b: (0, 0)),
            pl.BlockSpec((1, COUT), lambda b: (0, 0)),
            pl.BlockSpec((1, N, 1), lambda b: (b, 0, 0)),
        ],
        out_specs=[
            pl.BlockSpec((1, N, COUT), lambda b: (b, 0, 0)),
            pl.BlockSpec((1, COUT), lambda b: (0, 0)),
            pl.BlockSpec((1, COUT), lambda b: (0, 0)),
        ],
        out_shape=[
            jax.ShapeDtypeStruct((B, N, COUT), jnp.float32),
            jax.ShapeDtypeStruct((1, COUT), jnp.float32),
            jax.ShapeDtypeStruct((1, COUT), jnp.float32),
        ],
        scratch_shapes=[pltpu.VMEM((8, COUT), jnp.float32)],
    )(F1, s1, t1, W2, b2r, g2r, be2r, cnt3)


_NC = 2
_NW = _NC * 16
QW = (B * P) // _NW
CQ = 8
NCH = QW // CQ
ROWS = CQ * K


def _sc_gmax_body(f2_hbm, idx_hbm, s_hbm, t_hbm, out_hbm,
                  idx_v0, idx_v1, rows_v0, rows_v1, out_v, s_v, t_v,
                  sem0, sem1):
    wid = lax.axis_index("s") * _NC + lax.axis_index("c")
    pltpu.sync_copy(s_hbm, s_v)
    pltpu.sync_copy(t_hbm, t_v)

    def compute(qbase, rows_v):
        def col(v, _):
            sl = pl.ds(v * 16, 16)
            sv = s_v[sl]
            tv = t_v[sl]
            for q in range(CQ):
                acc = rows_v[q * K, sl]
                for r in range(1, K):
                    acc = jnp.maximum(acc, rows_v[q * K + r, sl])
                out_v[q, sl] = jnp.maximum(acc * sv + tv, 0.0)
            return 0

        lax.fori_loop(0, COUT // 16, col, 0)
        pltpu.sync_copy(out_v, out_hbm.at[pl.ds(qbase, CQ)])

    def pair(g, _):
        qb0 = wid * QW + (2 * g) * CQ
        qb1 = qb0 + CQ
        pltpu.sync_copy(idx_hbm.at[pl.ds(qb0 * K, ROWS)], idx_v0)
        pltpu.sync_copy(idx_hbm.at[pl.ds(qb1 * K, ROWS)], idx_v1)
        dma0 = pltpu.async_copy(f2_hbm.at[idx_v0], rows_v0, sem0)
        dma1 = pltpu.async_copy(f2_hbm.at[idx_v1], rows_v1, sem1)
        dma0.wait()
        compute(qb0, rows_v0)
        dma1.wait()
        compute(qb1, rows_v1)
        return 0

    lax.fori_loop(0, NCH // 2, pair, 0)


@functools.cache
def _sc_gmax():
    return functools.partial(
        pl.kernel,
        mesh=plsc.VectorSubcoreMesh(core_axis_name="c", subcore_axis_name="s"),
        out_type=jax.ShapeDtypeStruct((B * P, COUT), jnp.float32),
        scratch_types=[
            pltpu.VMEM((ROWS,), jnp.int32),
            pltpu.VMEM((ROWS,), jnp.int32),
            pltpu.VMEM((ROWS, COUT), jnp.float32),
            pltpu.VMEM((ROWS, COUT), jnp.float32),
            pltpu.VMEM((CQ, COUT), jnp.float32),
            pltpu.VMEM((COUT,), jnp.float32),
            pltpu.VMEM((COUT,), jnp.float32),
            pltpu.SemaphoreType.DMA,
            pltpu.SemaphoreType.DMA,
        ],
    )(_sc_gmax_body)


def kernel(xyz, features, W1, b1, g1, be1, W2, b2, g2, be2):
    xyzT = jnp.transpose(xyz, (2, 0, 1))
    newc = _fps(xyzT)
    idxKP, cnt3 = _knn(xyz, newc)
    F1, s1, t1 = _conv1(features, W1, b1.reshape(1, COUT), g1.reshape(1, COUT),
                        be1.reshape(1, COUT), cnt3)
    F2, s2, t2 = _conv2(F1, s1, t1, W2, b2.reshape(1, COUT),
                        g2.reshape(1, COUT), be2.reshape(1, COUT), cnt3)
    gidx = idxKP + (jnp.arange(B, dtype=jnp.int32) * N)[:, None, None]
    gidx = jnp.transpose(gidx, (0, 2, 1)).reshape(B * P * K)
    outf = _sc_gmax()(F2.reshape(B * N, COUT), gidx,
                      s2.reshape(COUT), t2.reshape(COUT))
    new_xyz = jnp.transpose(newc, (0, 2, 1))
    return (new_xyz, outf.reshape(B, P, COUT))

# --- scband reference (transcript-rebuilt; emitter-appended) ---
"""Pipeline reference for scband-transition-down-layer-56427280335320 (READ-ONLY COPY).

The authoritative reference and input builder live on the scoring server;
editing this copy changes nothing except your own understanding.
"""

import jax, jax.numpy as jnp
import numpy as np

NPOINT = 512
K = 16


def farthest_point_sample(points, npoint):
    B, N, _ = points.shape
    def body(i, state):
        centroids, distance, farthest = state
        centroids = centroids.at[:, i].set(farthest)
        centroid = points[jnp.arange(B), farthest, :].reshape(B, 1, 3)
        dist = jnp.sum((points - centroid) ** 2, -1)
        distance = jnp.minimum(distance, dist)
        farthest = jnp.argmax(distance, -1).astype(jnp.int32)
        return (centroids, distance, farthest)
    centroids = jnp.zeros((B, npoint), dtype=jnp.int32)
    distance = jnp.full((B, N), 1e10, dtype=points.dtype)
    # deterministic start index 0 (torch uses randint; choice of seed point only
    # affects which well-spread subset is picked, math is identical)
    farthest = jnp.zeros((B,), dtype=jnp.int32)
    centroids, _, _ = jax.lax.fori_loop(0, npoint, body, (centroids, distance, farthest))
    return centroids


def points_from_idx(points, idx):
    raw_shape = idx.shape
    B = raw_shape[0]
    flat = idx.reshape(B, -1)
    res = jnp.take_along_axis(points, flat[..., None], axis=1)
    return res.reshape(*raw_shape, points.shape[-1])


def sq_cdist(a, b):
    a2 = jnp.sum(a * a, -1)[:, :, None]
    b2 = jnp.sum(b * b, -1)[:, None, :]
    d = a2 + b2 - 2.0 * jnp.einsum('bnd,bmd->bnm', a, b)
    return jnp.maximum(d, 0.0)


def conv_bn_relu(x, W, b, gamma, beta, eps=1e-5):
    # x: [B, C_in, k, npoint]; 1x1 conv == channel matmul
    y = jnp.einsum('bckn,oc->bokn', x, W) + b[None, :, None, None]
    # BatchNorm2d in training mode (fresh torch module forward uses batch stats)
    mean = jnp.mean(y, axis=(0, 2, 3), keepdims=True)
    var = jnp.var(y, axis=(0, 2, 3), keepdims=True)
    y = (y - mean) / jnp.sqrt(var + eps)
    y = y * gamma[None, :, None, None] + beta[None, :, None, None]
    return jax.nn.relu(y)


def setup_inputs(seed: int = 0):
    key = jax.random.key(seed)
    ks = jax.random.split(key, 4)
    B, N, Cin, Cout = 16, 2048, 128, 256
    xyz = jax.random.normal(ks[0], (B, N, 3), dtype=jnp.float32)
    features = jax.random.normal(ks[1], (B, N, Cin), dtype=jnp.float32)
    W1 = jax.random.normal(ks[2], (Cout, Cin), dtype=jnp.float32) * (1.0 / np.sqrt(Cin))
    b1 = jnp.zeros((Cout,), dtype=jnp.float32)
    g1 = jnp.ones((Cout,), dtype=jnp.float32)
    be1 = jnp.zeros((Cout,), dtype=jnp.float32)
    W2 = jax.random.normal(ks[3], (Cout, Cout), dtype=jnp.float32) * (1.0 / np.sqrt(Cout))
    b2 = jnp.zeros((Cout,), dtype=jnp.float32)
    g2 = jnp.ones((Cout,), dtype=jnp.float32)
    be2 = jnp.zeros((Cout,), dtype=jnp.float32)
    return {'xyz': xyz, 'features': features, 'W1': W1, 'b1': b1, 'g1': g1, 'be1': be1,
            'W2': W2, 'b2': b2, 'g2': g2, 'be2': be2}


def reference(xyz, features, W1, b1, g1, be1, W2, b2, g2, be2):
    fps_idx = farthest_point_sample(xyz, NPOINT)
    new_xyz = points_from_idx(xyz, fps_idx)                 # [B, npoint, 3]
    dists = sq_cdist(new_xyz, xyz)                          # [B, npoint, N]
    _, idx = jax.lax.top_k(-dists, K)                       # kNN indices (ascending dist)
    grouped_xyz = points_from_idx(xyz, idx)                 # computed (unused), faithful
    new_features = points_from_idx(features, idx)           # [B, npoint, k, Cin]
    new_features = jnp.transpose(new_features, (0, 3, 2, 1))  # [B, Cin, k, npoint]
    new_features = conv_bn_relu(new_features, W1, b1, g1, be1)
    new_features = conv_bn_relu(new_features, W2, b2, g2, be2)
    new_features = jnp.max(new_features, axis=2)            # [B, Cout, npoint]
    new_features = jnp.swapaxes(new_features, 1, 2)         # [B, npoint, Cout]
    return (new_xyz, new_features)

if __name__ == "__main__":
    import jax
    _d = setup_inputs()
    print(jax.jit(kernel)(*tuple(_d.values())))

</pallas_src>

<mosaic_0001>
#map = affine_map<(d0, d1) -> (0, 0)>
#map1 = affine_map<(d0, d1) -> (0)>
module attributes {stable_mosaic.version = 14 : i64} {
  func.func @_sc_gmax_body(%arg0: i32, %arg1: i32, %arg2: memref<32768x256xf32, #tpu.memory_space<hbm>>, %arg3: memref<131072xi32, #tpu.memory_space<hbm>>, %arg4: memref<256xf32, #tpu.memory_space<hbm>>, %arg5: memref<256xf32, #tpu.memory_space<hbm>>, %arg6: memref<8192x256xf32, #tpu.memory_space<hbm>>, %arg7: memref<128xi32, #tpu.memory_space<vmem>>, %arg8: memref<128xi32, #tpu.memory_space<vmem>>, %arg9: memref<128x256xf32, #tpu.memory_space<vmem>>, %arg10: memref<128x256xf32, #tpu.memory_space<vmem>>, %arg11: memref<8x256xf32, #tpu.memory_space<vmem>>, %arg12: memref<256xf32, #tpu.memory_space<vmem>>, %arg13: memref<256xf32, #tpu.memory_space<vmem>>, %arg14: memref<!tpu.dma_semaphore, #tpu.memory_space<semaphore_mem>>, %arg15: memref<!tpu.dma_semaphore, #tpu.memory_space<semaphore_mem>>) attributes {dimension_semantics = [#tpu.dimension_semantics<core_parallel>, #tpu.dimension_semantics<subcore_parallel>], iteration_bounds = array<i64: 2, 16>, scalar_prefetch = 0 : i64, scratch_operands = 9 : i64, tpu.core_type = #tpu.core_type<sc_vector_subcore>, window_params = [{transform_indices = #map}, {transform_indices = #map1}, {transform_indices = #map1}, {transform_indices = #map1}, {transform_indices = #map}]} {
    %mul3A = arith.constant 2 : i32
    %mul3A_0 = arith.muli %arg1, %mul3A : i32
    %add3A = arith.addi %mul3A_0, %arg0 : i32
    "tpu.region"() ({
      %run_scoped3A = tpu.sem_alloc : memref<!tpu.dma_semaphore, #tpu.memory_space<semaphore_mem>>
      tpu.enqueue_dma source(%arg4 : memref<256xf32, #tpu.memory_space<hbm>>) target(%arg12 : memref<256xf32, #tpu.memory_space<vmem>>) target_semaphore(%run_scoped3A : memref<!tpu.dma_semaphore, #tpu.memory_space<semaphore_mem>>)
      tpu.wait_dma2 semaphore(%run_scoped3A : memref<!tpu.dma_semaphore, #tpu.memory_space<semaphore_mem>>) src(%arg4 : memref<256xf32, #tpu.memory_space<hbm>>) dst(%arg12 : memref<256xf32, #tpu.memory_space<vmem>>)
      tpu.yield
    }) : () -> ()
    "tpu.region"() ({
      %run_scoped3A = tpu.sem_alloc : memref<!tpu.dma_semaphore, #tpu.memory_space<semaphore_mem>>
      tpu.enqueue_dma source(%arg5 : memref<256xf32, #tpu.memory_space<hbm>>) target(%arg13 : memref<256xf32, #tpu.memory_space<vmem>>) target_semaphore(%run_scoped3A : memref<!tpu.dma_semaphore, #tpu.memory_space<semaphore_mem>>)
      tpu.wait_dma2 semaphore(%run_scoped3A : memref<!tpu.dma_semaphore, #tpu.memory_space<semaphore_mem>>) src(%arg5 : memref<256xf32, #tpu.memory_space<hbm>>) dst(%arg13 : memref<256xf32, #tpu.memory_space<vmem>>)
      tpu.yield
    }) : () -> ()
    %scan3A = arith.constant 0 : i32
    %scan3A_1 = arith.constant 0 : i32
    %scan3A_2 = arith.constant 16 : i32
    %scan3A_3 = arith.addi %scan3A_1, %scan3A_2 : i32
    %scan3A_4 = arith.constant 1 : i32
    %scan3A_5 = scf.for %scan3A_7 = %scan3A_1 to %scan3A_3 step %scan3A_4 iter_args(%scan3A_8 = %scan3A) -> (i32)  : i32 {
      %mul3A_9 = arith.constant 256 : i32
      %mul3A_10 = arith.muli %add3A, %mul3A_9 : i32
      %mul3A_11 = arith.constant 2 : i32
      %mul3A_12 = arith.muli %mul3A_11, %scan3A_7 : i32
      %mul3A_13 = arith.constant 8 : i32
      %mul3A_14 = arith.muli %mul3A_12, %mul3A_13 : i32
      %add3A_15 = arith.addi %mul3A_10, %mul3A_14 : i32
      %add3A_16 = arith.constant 8 : i32
      %add3A_17 = arith.addi %add3A_15, %add3A_16 : i32
      %mul3A_18 = arith.constant 16 : i32
      %mul3A_19 = arith.muli %add3A_15, %mul3A_18 : i32
      "tpu.region"() ({
        %run_scoped3A = tpu.sem_alloc : memref<!tpu.dma_semaphore, #tpu.memory_space<semaphore_mem>>
        %dma_start3A_47 = tpu.memref_slice %arg3[%mul3A_19] : memref<131072xi32, #tpu.memory_space<hbm>> -> memref<128xi32, #tpu.memory_space<hbm>>
        %dma_start3A_48 = tpu.memref_slice %arg3[%mul3A_19] : memref<131072xi32, #tpu.memory_space<hbm>> -> memref<128xi32, #tpu.memory_space<hbm>>
        tpu.enqueue_dma source(%dma_start3A_48 : memref<128xi32, #tpu.memory_space<hbm>>) target(%arg7 : memref<128xi32, #tpu.memory_space<vmem>>) target_semaphore(%run_scoped3A : memref<!tpu.dma_semaphore, #tpu.memory_space<semaphore_mem>>)
        %dma_wait3A_49 = tpu.memref_slice %arg3[%mul3A_19] : memref<131072xi32, #tpu.memory_space<hbm>> -> memref<128xi32, #tpu.memory_space<hbm>>
        %dma_wait3A_50 = tpu.memref_slice %arg3[%mul3A_19] : memref<131072xi32, #tpu.memory_space<hbm>> -> memref<128xi32, #tpu.memory_space<hbm>>
        tpu.wait_dma2 semaphore(%run_scoped3A : memref<!tpu.dma_semaphore, #tpu.memory_space<semaphore_mem>>) src(%dma_wait3A_50 : memref<128xi32, #tpu.memory_space<hbm>>) dst(%arg7 : memref<128xi32, #tpu.memory_space<vmem>>)
        tpu.yield
      }) : () -> ()
      %mul3A_20 = arith.constant 16 : i32
      %mul3A_21 = arith.muli %add3A_17, %mul3A_20 : i32
      "tpu.region"() ({
        %run_scoped3A = tpu.sem_alloc : memref<!tpu.dma_semaphore, #tpu.memory_space<semaphore_mem>>
        %dma_start3A_47 = tpu.memref_slice %arg3[%mul3A_21] : memref<131072xi32, #tpu.memory_space<hbm>> -> memref<128xi32, #tpu.memory_space<hbm>>
        %dma_start3A_48 = tpu.memref_slice %arg3[%mul3A_21] : memref<131072xi32, #tpu.memory_space<hbm>> -> memref<128xi32, #tpu.memory_space<hbm>>
        tpu.enqueue_dma source(%dma_start3A_48 : memref<128xi32, #tpu.memory_space<hbm>>) target(%arg8 : memref<128xi32, #tpu.memory_space<vmem>>) target_semaphore(%run_scoped3A : memref<!tpu.dma_semaphore, #tpu.memory_space<semaphore_mem>>)
        %dma_wait3A_49 = tpu.memref_slice %arg3[%mul3A_21] : memref<131072xi32, #tpu.memory_space<hbm>> -> memref<128xi32, #tpu.memory_space<hbm>>
        %dma_wait3A_50 = tpu.memref_slice %arg3[%mul3A_21] : memref<131072xi32, #tpu.memory_space<hbm>> -> memref<128xi32, #tpu.memory_space<hbm>>
        tpu.wait_dma2 semaphore(%run_scoped3A : memref<!tpu.dma_semaphore, #tpu.memory_space<semaphore_mem>>) src(%dma_wait3A_50 : memref<128xi32, #tpu.memory_space<hbm>>) dst(%arg8 : memref<128xi32, #tpu.memory_space<vmem>>)
        tpu.yield
      }) : () -> ()
      %dma_start3A = arith.constant 0 : i32
      %dma_start3A_22 = arith.constant 0 : i32
      %dma_start3A_23 = tpu.memref_slice %arg2[%dma_start3A, %dma_start3A_22] : memref<32768x256xf32, #tpu.memory_space<hbm>> -> memref<32768x256xf32, #tpu.memory_space<hbm>>
      tpu.enqueue_indirect_dma source(%dma_start3A_23 : memref<32768x256xf32, #tpu.memory_space<hbm>>) target(%arg9 : memref<128x256xf32, #tpu.memory_space<vmem>>) offsets(%arg7 : memref<128xi32, #tpu.memory_space<vmem>>) semaphore(%arg14 : memref<!tpu.dma_semaphore, #tpu.memory_space<semaphore_mem>>)
      %dma_start3A_24 = arith.constant 0 : i32
      %dma_start3A_25 = arith.constant 0 : i32
      %dma_start3A_26 = tpu.memref_slice %arg2[%dma_start3A_24, %dma_start3A_25] : memref<32768x256xf32, #tpu.memory_space<hbm>> -> memref<32768x256xf32, #tpu.memory_space<hbm>>
      tpu.enqueue_indirect_dma source(%dma_start3A_26 : memref<32768x256xf32, #tpu.memory_space<hbm>>) target(%arg10 : memref<128x256xf32, #tpu.memory_space<vmem>>) offsets(%arg8 : memref<128xi32, #tpu.memory_space<vmem>>) semaphore(%arg15 : memref<!tpu.dma_semaphore, #tpu.memory_space<semaphore_mem>>)
      %dma_wait3A = arith.constant 0 : i32
      %dma_wait3A_27 = arith.constant 0 : i32
      %dma_wait3A_28 = tpu.memref_slice %arg2[%dma_wait3A, %dma_wait3A_27] : memref<32768x256xf32, #tpu.memory_space<hbm>> -> memref<32768x256xf32, #tpu.memory_space<hbm>>
      tpu.wait_indirect_dma semaphore(%arg14 : memref<!tpu.dma_semaphore, #tpu.memory_space<semaphore_mem>>) src(%dma_wait3A_28 : memref<32768x256xf32, #tpu.memory_space<hbm>>) dst(%arg9 : memref<128x256xf32, #tpu.memory_space<vmem>>)
      %scan3A_29 = arith.constant 0 : i32
      %scan3A_30 = arith.constant 0 : i32
      %scan3A_31 = arith.constant 16 : i32
      %scan3A_32 = arith.addi %scan3A_30, %scan3A_31 : i32
      %scan3A_33 = arith.constant 1 : i32
      %scan3A_34 = scf.for %scan3A_47 = %scan3A_30 to %scan3A_32 step %scan3A_33 iter_args(%scan3A_48 = %scan3A_29) -> (i32)  : i32 {
        %mul3A_49 = arith.constant 16 : i32
        %mul3A_50 = arith.muli %scan3A_47, %mul3A_49 : i32
        %get3A = arith.index_cast %mul3A_50 : i32 to index
        %get3A_51 = tpu.vector_load %arg12[%get3A] {strides = array<i32>} : memref<256xf32, #tpu.memory_space<vmem>>, vector<16xf32>,
        %get3A_52 = vector.shape_cast %get3A_51 : vector<16xf32> to vector<16xf32>
        %get3A_53 = arith.index_cast %mul3A_50 : i32 to index
        %get3A_54 = tpu.vector_load %arg13[%get3A_53] {strides = array<i32>} : memref<256xf32, #tpu.memory_space<vmem>>, vector<16xf32>,
        %get3A_55 = vector.shape_cast %get3A_54 : vector<16xf32> to vector<16xf32>
        %get3A_56 = arith.constant 0 : i32
        %get3A_57 = arith.index_cast %get3A_56 : i32 to index
        %get3A_58 = arith.index_cast %mul3A_50 : i32 to index
        %get3A_59 = tpu.vector_load %arg9[%get3A_57, %get3A_58] {strides = array<i32>} : memref<128x256xf32, #tpu.memory_space<vmem>>, vector<1x16xf32>,
        %get3A_60 = vector.shape_cast %get3A_59 : vector<1x16xf32> to vector<16xf32>
        %get3A_61 = arith.constant 1 : i32
        %get3A_62 = arith.index_cast %get3A_61 : i32 to index
        %get3A_63 = arith.index_cast %mul3A_50 : i32 to index
        %get3A_64 = tpu.vector_load %arg9[%get3A_62, %get3A_63] {strides = array<i32>} : memref<128x256xf32, #tpu.memory_space<vmem>>, vector<1x16xf32>,
        %get3A_65 = vector.shape_cast %get3A_64 : vector<1x16xf32> to vector<16xf32>
        %max3A = arith.maximumf %get3A_60, %get3A_65 : vector<16xf32>
        %get3A_66 = arith.constant 2 : i32
        %get3A_67 = arith.index_cast %get3A_66 : i32 to index
        %get3A_68 = arith.index_cast %mul3A_50 : i32 to index
        %get3A_69 = tpu.vector_load %arg9[%get3A_67, %get3A_68] {strides = array<i32>} : memref<128x256xf32, #tpu.memory_space<vmem>>, vector<1x16xf32>,
        %get3A_70 = vector.shape_cast %get3A_69 : vector<1x16xf32> to vector<16xf32>
        %max3A_71 = arith.maximumf %max3A, %get3A_70 : vector<16xf32>
        %get3A_72 = arith.constant 3 : i32
        %get3A_73 = arith.index_cast %get3A_72 : i32 to index
        %get3A_74 = arith.index_cast %mul3A_50 : i32 to index
        %get3A_75 = tpu.vector_load %arg9[%get3A_73, %get3A_74] {strides = array<i32>} : memref<128x256xf32, #tpu.memory_space<vmem>>, vector<1x16xf32>,
        %get3A_76 = vector.shape_cast %get3A_75 : vector<1x16xf32> to vector<16xf32>
        %max3A_77 = arith.maximumf %max3A_71, %get3A_76 : vector<16xf32>
        %get3A_78 = arith.constant 4 : i32
        %get3A_79 = arith.index_cast %get3A_78 : i32 to index
        %get3A_80 = arith.index_cast %mul3A_50 : i32 to index
        %get3A_81 = tpu.vector_load %arg9[%get3A_79, %get3A_80] {strides = array<i32>} : memref<128x256xf32, #tpu.memory_space<vmem>>, vector<1x16xf32>,
        %get3A_82 = vector.shape_cast %get3A_81 : vector<1x16xf32> to vector<16xf32>
        %max3A_83 = arith.maximumf %max3A_77, %get3A_82 : vector<16xf32>
        %get3A_84 = arith.constant 5 : i32
        %get3A_85 = arith.index_cast %get3A_84 : i32 to index
        %get3A_86 = arith.index_cast %mul3A_50 : i32 to index
        %get3A_87 = tpu.vector_load %arg9[%get3A_85, %get3A_86] {strides = array<i32>} : memref<128x256xf32, #tpu.memory_space<vmem>>, vector<1x16xf32>,
        %get3A_88 = vector.shape_cast %get3A_87 : vector<1x16xf32> to vector<16xf32>
        %max3A_89 = arith.maximumf %max3A_83, %get3A_88 : vector<16xf32>
        %get3A_90 = arith.constant 6 : i32
        %get3A_91 = arith.index_cast %get3A_90 : i32 to index
        %get3A_92 = arith.index_cast %mul3A_50 : i32 to index
        %get3A_93 = tpu.vector_load %arg9[%get3A_91, %get3A_92] {strides = array<i32>} : memref<128x256xf32, #tpu.memory_space<vmem>>, vector<1x16xf32>,
        %get3A_94 = vector.shape_cast %get3A_93 : vector<1x16xf32> to vector<16xf32>
        %max3A_95 = arith.maximumf %max3A_89, %get3A_94 : vector<16xf32>
        %get3A_96 = arith.constant 7 : i32
        %get3A_97 = arith.index_cast %get3A_96 : i32 to index
        %get3A_98 = arith.index_cast %mul3A_50 : i32 to index
        %get3A_99 = tpu.vector_load %arg9[%get3A_97, %get3A_98] {strides = array<i32>} : memref<128x256xf32, #tpu.memory_space<vmem>>, vector<1x16xf32>,
        %get3A_100 = vector.shape_cast %get3A_99 : vector<1x16xf32> to vector<16xf32>
        %max3A_101 = arith.maximumf %max3A_95, %get3A_100 : vector<16xf32>
        %get3A_102 = arith.constant 8 : i32
        %get3A_103 = arith.index_cast %get3A_102 : i32 to index
        %get3A_104 = arith.index_cast %mul3A_50 : i32 to index
        %get3A_105 = tpu.vector_load %arg9[%get3A_103, %get3A_104] {strides = array<i32>} : memref<128x256xf32, #tpu.memory_space<vmem>>, vector<1x16xf32>,
        %get3A_106 = vector.shape_cast %get3A_105 : vector<1x16xf32> to vector<16xf32>
        %max3A_107 = arith.maximumf %max3A_101, %get3A_106 : vector<16xf32>
        %get3A_108 = arith.constant 9 : i32
        %get3A_109 = arith.index_cast %get3A_108 : i32 to index
        %get3A_110 = arith.index_cast %mul3A_50 : i32 to index
        %get3A_111 = tpu.vector_load %arg9[%get3A_109, %get3A_110] {strides = array<i32>} : memref<128x256xf32, #tpu.memory_space<vmem>>, vector<1x16xf32>,
        %get3A_112 = vector.shape_cast %get3A_111 : vector<1x16xf32> to vector<16xf32>
        %max3A_113 = arith.maximumf %max3A_107, %get3A_112 : vector<16xf32>
        %get3A_114 = arith.constant 10 : i32
        %get3A_115 = arith.index_cast %get3A_114 : i32 to index
        %get3A_116 = arith.index_cast %mul3A_50 : i32 to index
        %get3A_117 = tpu.vector_load %arg9[%get3A_115, %get3A_116] {strides = array<i32>} : memref<128x256xf32, #tpu.memory_space<vmem>>, vector<1x16xf32>,
        %get3A_118 = vector.shape_cast %get3A_117 : vector<1x16xf32> to vector<16xf32>
        %max3A_119 = arith.maximumf %max3A_113, %get3A_118 : vector<16xf32>
        %get3A_120 = arith.constant 11 : i32
        %get3A_121 = arith.index_cast %get3A_120 : i32 to index
        %get3A_122 = arith.index_cast %mul3A_50 : i32 to index
        %get3A_123 = tpu.vector_load %arg9[%get3A_121, %get3A_122] {strides = array<i32>} : memref<128x256xf32, #tpu.memory_space<vmem>>, vector<1x16xf32>,
        %get3A_124 = vector.shape_cast %get3A_123 : vector<1x16xf32> to vector<16xf32>
        %max3A_125 = arith.maximumf %max3A_119, %get3A_124 : vector<16xf32>
        %get3A_126 = arith.constant 12 : i32
        %get3A_127 = arith.index_cast %get3A_126 : i32 to index
        %get3A_128 = arith.index_cast %mul3A_50 : i32 to index
        %get3A_129 = tpu.vector_load %arg9[%get3A_127, %get3A_128] {strides = array<i32>} : memref<128x256xf32, #tpu.memory_space<vmem>>, vector<1x16xf32>,
        %get3A_130 = vector.shape_cast %get3A_129 : vector<1x16xf32> to vector<16xf32>
        %max3A_131 = arith.maximumf %max3A_125, %get3A_130 : vector<16xf32>
        %get3A_132 = arith.constant 13 : i32
        %get3A_133 = arith.index_cast %get3A_132 : i32 to index
        %get3A_134 = arith.index_cast %mul3A_50 : i32 to index
        %get3A_135 = tpu.vector_load %arg9[%get3A_133, %get3A_134] {strides = array<i32>} : memref<128x256xf32, #tpu.memory_space<vmem>>, vector<1x16xf32>,
        %get3A_136 = vector.shape_cast %get3A_135 : vector<1x16xf32> to vector<16xf32>
        %max3A_137 = arith.maximumf %max3A_131, %get3A_136 : vector<16xf32>
        %get3A_138 = arith.constant 14 : i32
        %get3A_139 = arith.index_cast %get3A_138 : i32 to index
        %get3A_140 = arith.index_cast %mul3A_50 : i32 to index
        %get3A_141 = tpu.vector_load %arg9[%get3A_139, %get3A_140] {strides = array<i32>} : memref<128x256xf32, #tpu.memory_space<vmem>>, vector<1x16xf32>,
        %get3A_142 = vector.shape_cast %get3A_141 : vector<1x16xf32> to vector<16xf32>
        %max3A_143 = arith.maximumf %max3A_137, %get3A_142 : vector<16xf32>
        %get3A_144 = arith.constant 15 : i32
        %get3A_145 = arith.index_cast %get3A_144 : i32 to index
        %get3A_146 = arith.index_cast %mul3A_50 : i32 to index
        %get3A_147 = tpu.vector_load %arg9[%get3A_145, %get3A_146] {strides = array<i32>} : memref<128x256xf32, #tpu.memory_space<vmem>>, vector<1x16xf32>,
        %get3A_148 = vector.shape_cast %get3A_147 : vector<1x16xf32> to vector<16xf32>
        %max3A_149 = arith.maximumf %max3A_143, %get3A_148 : vector<16xf32>
        %mul3A_150 = arith.mulf %max3A_149, %get3A_52 : vector<16xf32>
        %add3A_151 = arith.addf %mul3A_150, %get3A_55 : vector<16xf32>
        %max3A_152 = arith.constant 0.000000e+00 : f32
        %max3A_153 = vector.broadcast %max3A_152 : f32 to vector<16xf32>
        %max3A_154 = arith.maximumf %add3A_151, %max3A_153 : vector<16xf32>
        %swap3A = arith.constant 0 : i32
        %swap3A_155 = arith.index_cast %swap3A : i32 to index
        %swap3A_156 = arith.index_cast %mul3A_50 : i32 to index
        %swap3A_157 = tpu.vector_load %arg11[%swap3A_155, %swap3A_156] {strides = array<i32>} : memref<8x256xf32, #tpu.memory_space<vmem>>, vector<1x16xf32>,
        %swap3A_158 = vector.shape_cast %swap3A_157 : vector<1x16xf32> to vector<16xf32>
        %swap3A_159 = vector.shape_cast %max3A_154 : vector<16xf32> to vector<1x16xf32>
        tpu.vector_store %arg11[%swap3A_155, %swap3A_156], %swap3A_159 {strides = array<i32>} : memref<8x256xf32, #tpu.memory_space<vmem>>, vector<1x16xf32>,
        %get3A_160 = arith.constant 16 : i32
        %get3A_161 = arith.index_cast %get3A_160 : i32 to index
        %get3A_162 = arith.index_cast %mul3A_50 : i32 to index
        %get3A_163 = tpu.vector_load %arg9[%get3A_161, %get3A_162] {strides = array<i32>} : memref<128x256xf32, #tpu.memory_space<vmem>>, vector<1x16xf32>,
        %get3A_164 = vector.shape_cast %get3A_163 : vector<1x16xf32> to vector<16xf32>
        %get3A_165 = arith.constant 17 : i32
        %get3A_166 = arith.index_cast %get3A_165 : i32 to index
        %get3A_167 = arith.index_cast %mul3A_50 : i32 to index
        %get3A_168 = tpu.vector_load %arg9[%get3A_166, %get3A_167] {strides = array<i32>} : memref<128x256xf32, #tpu.memory_space<vmem>>, vector<1x16xf32>,
        %get3A_169 = vector.shape_cast %get3A_168 : vector<1x16xf32> to vector<16xf32>
        %max3A_170 = arith.maximumf %get3A_164, %get3A_169 : vector<16xf32>
        %get3A_171 = arith.constant 18 : i32
        %get3A_172 = arith.index_cast %get3A_171 : i32 to index
        %get3A_173 = arith.index_cast %mul3A_50 : i32 to index
        %get3A_174 = tpu.vector_load %arg9[%get3A_172, %get3A_173] {strides = array<i32>} : memref<128x256xf32, #tpu.memory_space<vmem>>, vector<1x16xf32>,
        %get3A_175 = vector.shape_cast %get3A_174 : vector<1x16xf32> to vector<16xf32>
        %max3A_176 = arith.maximumf %max3A_170, %get3A_175 : vector<16xf32>
        %get3A_177 = arith.constant 19 : i32
        %get3A_178 = arith.index_cast %get3A_177 : i32 to index
        %get3A_179 = arith.index_cast %mul3A_50 : i32 to index
        %get3A_180 = tpu.vector_load %arg9[%get3A_178, %get3A_179] {strides = array<i32>} : memref<128x256xf32, #tpu.memory_space<vmem>>, vector<1x16xf32>,
        %get3A_181 = vector.shape_cast %get3A_180 : vector<1x16xf32> to vector<16xf32>
        %max3A_182 = arith.maximumf %max3A_176, %get3A_181 : vector<16xf32>
        %get3A_183 = arith.constant 20 : i32
        %get3A_184 = arith.index_cast %get3A_183 : i32 to index
        %get3A_185 = arith.index_cast %mul3A_50 : i32 to index
        %get3A_186 = tpu.vector_load %arg9[%get3A_184, %get3A_185] {strides = array<i32>} : memref<128x256xf32, #tpu.memory_space<vmem>>, vector<1x16xf32>,
        %get3A_187 = vector.shape_cast %get3A_186 : vector<1x16xf32> to vector<16xf32>
        %max3A_188 = arith.maximumf %max3A_182, %get3A_187 : vector<16xf32>
        %get3A_189 = arith.constant 21 : i32
        %get3A_190 = arith.index_cast %get3A_189 : i32 to index
        %get3A_191 = arith.index_cast %mul3A_50 : i32 to index
        %get3A_192 = tpu.vector_load %arg9[%get3A_190, %get3A_191] {strides = array<i32>} : memref<128x256xf32, #tpu.memory_space<vmem>>, vector<1x16xf32>,
        %get3A_193 = vector.shape_cast %get3A_192 : vector<1x16xf32> to vector<16xf32>
        %max3A_194 = arith.maximumf %max3A_188, %get3A_193 : vector<16xf32>
        %get3A_195 = arith.constant 22 : i32
        %get3A_196 = arith.index_cast %get3A_195 : i32 to index
        %get3A_197 = arith.index_cast %mul3A_50 : i32 to index
        %get3A_198 = tpu.vector_load %arg9[%get3A_196, %get3A_197] {strides = array<i32>} : memref<128x256xf32, #tpu.memory_space<vmem>>, vector<1x16xf32>,
        %get3A_199 = vector.shape_cast %get3A_198 : vector<1x16xf32> to vector<16xf32>
        %max3A_200 = arith.maximumf %max3A_194, %get3A_199 : vector<16xf32>
        %get3A_201 = arith.constant 23 : i32
        %get3A_202 = arith.index_cast %get3A_201 : i32 to index
        %get3A_203 = arith.index_cast %mul3A_50 : i32 to index
        %get3A_204 = tpu.vector_load %arg9[%get3A_202, %get3A_203] {strides = array<i32>} : memref<128x256xf32, #tpu.memory_space<vmem>>, vector<1x16xf32>,
        %get3A_205 = vector.shape_cast %get3A_204 : vector<1x16xf32> to vector<16xf32>
        %max3A_206 = arith.maximumf %max3A_200, %get3A_205 : vector<16xf32>
        %get3A_207 = arith.constant 24 : i32
        %get3A_208 = arith.index_cast %get3A_207 : i32 to index
        %get3A_209 = arith.index_cast %mul3A_50 : i32 to index
        %get3A_210 = tpu.vector_load %arg9[%get3A_208, %get3A_209] {strides = array<i32>} : memref<128x256xf32, #tpu.memory_space<vmem>>, vector<1x16xf32>,
        %get3A_211 = vector.shape_cast %get3A_210 : vector<1x16xf32> to vector<16xf32>
        %max3A_212 = arith.maximumf %max3A_206, %get3A_211 : vector<16xf32>
        %get3A_213 = arith.constant 25 : i32
        %get3A_214 = arith.index_cast %get3A_213 : i32 to index
        %get3A_215 = arith.index_cast %mul3A_50 : i32 to index
        %get3A_216 = tpu.vector_load %arg9[%get3A_214, %get3A_215] {strides = array<i32>} : memref<128x256xf32, #tpu.memory_space<vmem>>, vector<1x16xf32>,
        %get3A_217 = vector.shape_cast %get3A_216 : vector<1x16xf32> to vector<16xf32>
        %max3A_218 = arith.maximumf %max3A_212, %get3A_217 : vector<16xf32>
        %get3A_219 = arith.constant 26 : i32
        %get3A_220 = arith.index_cast %get3A_219 : i32 to index
        %get3A_221 = arith.index_cast %mul3A_50 : i32 to index
        %get3A_222 = tpu.vector_load %arg9[%get3A_220, %get3A_221] {strides = array<i32>} : memref<128x256xf32, #tpu.memory_space<vmem>>, vector<1x16xf32>,
        %get3A_223 = vector.shape_cast %get3A_222 : vector<1x16xf32> to vector<16xf32>
        %max3A_224 = arith.maximumf %max3A_218, %get3A_223 : vector<16xf32>
        %get3A_225 = arith.constant 27 : i32
        %get3A_226 = arith.index_cast %get3A_225 : i32 to index
        %get3A_227 = arith.index_cast %mul3A_50 : i32 to index
        %get3A_228 = tpu.vector_load %arg9[%get3A_226, %get3A_227] {strides = array<i32>} : memref<128x256xf32, #tpu.memory_space<vmem>>, vector<1x16xf32>,
        %get3A_229 = vector.shape_cast %get3A_228 : vector<1x16xf32> to vector<16xf32>
        %max3A_230 = arith.maximumf %max3A_224, %get3A_229 : vector<16xf32>
        %get3A_231 = arith.constant 28 : i32
        %get3A_232 = arith.index_cast %get3A_231 : i32 to index
        %get3A_233 = arith.index_cast %mul3A_50 : i32 to index
        %get3A_234 = tpu.vector_load %arg9[%get3A_232, %get3A_233] {strides = array<i32>} : memref<128x256xf32, #tpu.memory_space<vmem>>, vector<1x16xf32>,
        %get3A_235 = vector.shape_cast %get3A_234 : vector<1x16xf32> to vector<16xf32>
        %max3A_236 = arith.maximumf %max3A_230, %get3A_235 : vector<16xf32>
        %get3A_237 = arith.constant 29 : i32
        %get3A_238 = arith.index_cast %get3A_237 : i32 to index
        %get3A_239 = arith.index_cast %mul3A_50 : i32 to index
        %get3A_240 = tpu.vector_load %arg9[%get3A_238, %get3A_239] {strides = array<i32>} : memref<128x256xf32, #tpu.memory_space<vmem>>, vector<1x16xf32>,
        %get3A_241 = vector.shape_cast %get3A_240 : vector<1x16xf32> to vector<16xf32>
        %max3A_242 = arith.maximumf %max3A_236, %get3A_241 : vector<16xf32>
        %get3A_243 = arith.constant 30 : i32
        %get3A_244 = arith.index_cast %get3A_243 : i32 to index
        %get3A_245 = arith.index_cast %mul3A_50 : i32 to index
        %get3A_246 = tpu.vector_load %arg9[%get3A_244, %get3A_245] {strides = array<i32>} : memref<128x256xf32, #tpu.memory_space<vmem>>, vector<1x16xf32>,
        %get3A_247 = vector.shape_cast %get3A_246 : vector<1x16xf32> to vector<16xf32>
        %max3A_248 = arith.maximumf %max3A_242, %get3A_247 : vector<16xf32>
        %get3A_249 = arith.constant 31 : i32
        %get3A_250 = arith.index_cast %get3A_249 : i32 to index
        %get3A_251 = arith.index_cast %mul3A_50 : i32 to index
        %get3A_252 = tpu.vector_load %arg9[%get3A_250, %get3A_251] {strides = array<i32>} : memref<128x256xf32, #tpu.memory_space<vmem>>, vector<1x16xf32>,
        %get3A_253 = vector.shape_cast %get3A_252 : vector<1x16xf32> to vector<16xf32>
        %max3A_254 = arith.maximumf %max3A_248, %get3A_253 : vector<16xf32>
        %mul3A_255 = arith.mulf %max3A_254, %get3A_52 : vector<16xf32>
        %add3A_256 = arith.addf %mul3A_255, %get3A_55 : vector<16xf32>
        %max3A_257 = arith.constant 0.000000e+00 : f32
        %max3A_258 = vector.broadcast %max3A_257 : f32 to vector<16xf32>
        %max3A_259 = arith.maximumf %add3A_256, %max3A_258 : vector<16xf32>
        %swap3A_260 = arith.constant 1 : i32
        %swap3A_261 = arith.index_cast %swap3A_260 : i32 to index
        %swap3A_262 = arith.index_cast %mul3A_50 : i32 to index
        %swap3A_263 = tpu.vector_load %arg11[%swap3A_261, %swap3A_262] {strides = array<i32>} : memref<8x256xf32, #tpu.memory_space<vmem>>, vector<1x16xf32>,
        %swap3A_264 = vector.shape_cast %swap3A_263 : vector<1x16xf32> to vector<16xf32>
        %swap3A_265 = vector.shape_cast %max3A_259 : vector<16xf32> to vector<1x16xf32>
        tpu.vector_store %arg11[%swap3A_261, %swap3A_262], %swap3A_265 {strides = array<i32>} : memref<8x256xf32, #tpu.memory_space<vmem>>, vector<1x16xf32>,
        %get3A_266 = arith.constant 32 : i32
        %get3A_267 = arith.index_cast %get3A_266 : i32 to index
        %get3A_268 = arith.index_cast %mul3A_50 : i32 to index
        %get3A_269 = tpu.vector_load %arg9[%get3A_267, %get3A_268] {strides = array<i32>} : memref<128x256xf32, #tpu.memory_space<vmem>>, vector<1x16xf32>,
        %get3A_270 = vector.shape_cast %get3A_269 : vector<1x16xf32> to vector<16xf32>
        %get3A_271 = arith.constant 33 : i32
        %get3A_272 = arith.index_cast %get3A_271 : i32 to index
        %get3A_273 = arith.index_cast %mul3A_50 : i32 to index
        %get3A_274 = tpu.vector_load %arg9[%get3A_272, %get3A_273] {strides = array<i32>} : memref<128x256xf32, #tpu.memory_space<vmem>>, vector<1x16xf32>,
        %get3A_275 = vector.shape_cast %get3A_274 : vector<1x16xf32> to vector<16xf32>
        %max3A_276 = arith.maximumf %get3A_270, %get3A_275 : vector<16xf32>
        %get3A_277 = arith.constant 34 : i32
        %get3A_278 = arith.index_cast %get3A_277 : i32 to index
        %get3A_279 = arith.index_cast %mul3A_50 : i32 to index
        %get3A_280 = tpu.vector_load %arg9[%get3A_278, %get3A_279] {strides = array<i32>} : memref<128x256xf32, #tpu.memory_space<vmem>>, vector<1x16xf32>,
        %get3A_281 = vector.shape_cast %get3A_280 : vector<1x16xf32> to vector<16xf32>
        %max3A_282 = arith.maximumf %max3A_276, %get3A_281 : vector<16xf32>
        %get3A_283 = arith.constant 35 : i32
        %get3A_284 = arith.index_cast %get3A_283 : i32 to index
        %get3A_285 = arith.index_cast %mul3A_50 : i32 to index
        %get3A_286 = tpu.vector_load %arg9[%get3A_284, %get3A_285] {strides = array<i32>} : memref<128x256xf32, #tpu.memory_space<vmem>>, vector<1x16xf32>,
        %get3A_287 = vector.shape_cast %get3A_286 : vector<1x16xf32> to vector<16xf32>
        %max3A_288 = arith.maximumf %max3A_282, %get3A_287 : vector<16xf32>
        %get3A_289 = arith.constant 36 : i32
        %get3A_290 = arith.index_cast %get3A_289 : i32 to index
        %get3A_291 = arith.index_cast %mul3A_50 : i32 to index
        %get3A_292 = tpu.vector_load %arg9[%get3A_290, %get3A_291] {strides = array<i32>} : memref<128x256xf32, #tpu.memory_space<vmem>>, vector<1x16xf32>,
        %get3A_293 = vector.shape_cast %get3A_292 : vector<1x16xf32> to vector<16xf32>
        %max3A_294 = arith.maximumf %max3A_288, %get3A_293 : vector<16xf32>
        %get3A_295 = arith.constant 37 : i32
        %get3A_296 = arith.index_cast %get3A_295 : i32 to index
        %get3A_297 = arith.index_cast %mul3A_50 : i32 to index
        %get3A_298 = tpu.vector_load %arg9[%get3A_296, %get3A_297] {strides = array<i32>} : memref<128x256xf32, #tpu.memory_space<vmem>>, vector<1x16xf32>,
        %get3A_299 = vector.shape_cast %get3A_298 : vector<1x16xf32> to vector<16xf32>
        %max3A_300 = arith.maximumf %max3A_294, %get3A_299 : vector<16xf32>
        %get3A_301 = arith.constant 38 : i32
        %get3A_302 = arith.index_cast %get3A_301 : i32 to index
        %get3A_303 = arith.index_cast %mul3A_50 : i32 to index
        %get3A_304 = tpu.vector_load %arg9[%get3A_302, %get3A_303] {strides = array<i32>} : memref<128x256xf32, #tpu.memory_space<vmem>>, vector<1x16xf32>,
        %get3A_305 = vector.shape_cast %get3A_304 : vector<1x16xf32> to vector<16xf32>
        %max3A_306 = arith.maximumf %max3A_300, %get3A_305 : vector<16xf32>
        %get3A_307 = arith.constant 39 : i32
        %get3A_308 = arith.index_cast %get3A_307 : i32 to index
        %get3A_309 = arith.index_cast %mul3A_50 : i32 to index
        %get3A_310 = tpu.vector_load %arg9[%get3A_308, %get3A_309] {strides = array<i32>} : memref<128x256xf32, #tpu.memory_space<vmem>>, vector<1x16xf32>,
        %get3A_311 = vector.shape_cast %get3A_310 : vector<1x16xf32> to vector<16xf32>
        %max3A_312 = arith.maximumf %max3A_306, %get3A_311 : vector<16xf32>
        %get3A_313 = arith.constant 40 : i32
        %get3A_314 = arith.index_cast %get3A_313 : i32 to index
        %get3A_315 = arith.index_cast %mul3A_50 : i32 to index
        %get3A_316 = tpu.vector_load %arg9[%get3A_314, %get3A_315] {strides = array<i32>} : memref<128x256xf32, #tpu.memory_space<vmem>>, vector<1x16xf32>,
        %get3A_317 = vector.shape_cast %get3A_316 : vector<1x16xf32> to vector<16xf32>
        %max3A_318 = arith.maximumf %max3A_312, %get3A_317 : vector<16xf32>
        %get3A_319 = arith.constant 41 : i32
        %get3A_320 = arith.index_cast %get3A_319 : i32 to index
        %get3A_321 = arith.index_cast %mul3A_50 : i32 to index
        %get3A_322 = tpu.vector_load %arg9[%get3A_320, %get3A_321] {strides = array<i32>} : memref<128x256xf32, #tpu.memory_space<vmem>>, vector<1x16xf32>,
        %get3A_323 = vector.shape_cast %get3A_322 : vector<1x16xf32> to vector<16xf32>
        %max3A_324 = arith.maximumf %max3A_318, %get3A_323 : vector<16xf32>
        %get3A_325 = arith.constant 42 : i32
        %get3A_326 = arith.index_cast %get3A_325 : i32 to index
        %get3A_327 = arith.index_cast %mul3A_50 : i32 to index
        %get3A_328 = tpu.vector_load %arg9[%get3A_326, %get3A_327] {strides = array<i32>} : memref<128x256xf32, #tpu.memory_space<vmem>>, vector<1x16xf32>,
        %get3A_329 = vector.shape_cast %get3A_328 : vector<1x16xf32> to vector<16xf32>
        %max3A_330 = arith.maximumf %max3A_324, %get3A_329 : vector<16xf32>
        %get3A_331 = arith.constant 43 : i32
        %get3A_332 = arith.index_cast %get3A_331 : i32 to index
        %get3A_333 = arith.index_cast %mul3A_50 : i32 to index
        %get3A_334 = tpu.vector_load %arg9[%get3A_332, %get3A_333] {strides = array<i32>} : memref<128x256xf32, #tpu.memory_space<vmem>>, vector<1x16xf32>,
        %get3A_335 = vector.shape_cast %get3A_334 : vector<1x16xf32> to vector<16xf32>
        %max3A_336 = arith.maximumf %max3A_330, %get3A_335 : vector<16xf32>
        %get3A_337 = arith.constant 44 : i32
        %get3A_338 = arith.index_cast %get3A_337 : i32 to index
        %get3A_339 = arith.index_cast %mul3A_50 : i32 to index
        %get3A_340 = tpu.vector_load %arg9[%get3A_338, %get3A_339] {strides = array<i32>} : memref<128x256xf32, #tpu.memory_space<vmem>>, vector<1x16xf32>,
        %get3A_341 = vector.shape_cast %get3A_340 : vector<1x16xf32> to vector<16xf32>
        %max3A_342 = arith.maximumf %max3A_336, %get3A_341 : vector<16xf32>
        %get3A_343 = arith.constant 45 : i32
        %get3A_344 = arith.index_cast %get3A_343 : i32 to index
        %get3A_345 = arith.index_cast %mul3A_50 : i32 to index
        %get3A_346 = tpu.vector_load %arg9[%get3A_344, %get3A_345] {strides = array<i32>} : memref<128x256xf32, #tpu.memory_space<vmem>>, vector<1x16xf32>,
        %get3A_347 = vector.shape_cast %get3A_346 : vector<1x16xf32> to vector<16xf32>
        %max3A_348 = arith.maximumf %max3A_342, %get3A_347 : vector<16xf32>
        %get3A_349 = arith.constant 46 : i32
        %get3A_350 = arith.index_cast %get3A_349 : i32 to index
        %get3A_351 = arith.index_cast %mul3A_50 : i32 to index
        %get3A_352 = tpu.vector_load %arg9[%get3A_350, %get3A_351] {strides = array<i32>} : memref<128x256xf32, #tpu.memory_space<vmem>>, vector<1x16xf32>,
        %get3A_353 = vector.shape_cast %get3A_352 : vector<1x16xf32> to vector<16xf32>
        %max3A_354 = arith.maximumf %max3A_348, %get3A_353 : vector<16xf32>
        %get3A_355 = arith.constant 47 : i32
        %get3A_356 = arith.index_cast %get3A_355 : i32 to index
        %get3A_357 = arith.index_cast %mul3A_50 : i32 to index
        %get3A_358 = tpu.vector_load %arg9[%get3A_356, %get3A_357] {strides = array<i32>} : memref<128x256xf32, #tpu.memory_space<vmem>>, vector<1x16xf32>,
        %get3A_359 = vector.shape_cast %get3A_358 : vector<1x16xf32> to vector<16xf32>
        %max3A_360 = arith.maximumf %max3A_354, %get3A_359 : vector<16xf32>
        %mul3A_361 = arith.mulf %max3A_360, %get3A_52 : vector<16xf32>
        %add3A_362 = arith.addf %mul3A_361, %get3A_55 : vector<16xf32>
        %max3A_363 = arith.constant 0.000000e+00 : f32
        %max3A_364 = vector.broadcast %max3A_363 : f32 to vector<16xf32>
        %max3A_365 = arith.maximumf %add3A_362, %max3A_364 : vector<16xf32>
        %swap3A_366 = arith.constant 2 : i32
        %swap3A_367 = arith.index_cast %swap3A_366 : i32 to index
        %swap3A_368 = arith.index_cast %mul3A_50 : i32 to index
        %swap3A_369 = tpu.vector_load %arg11[%swap3A_367, %swap3A_368] {strides = array<i32>} : memref<8x256xf32, #tpu.memory_space<vmem>>, vector<1x16xf32>,
        %swap3A_370 = vector.shape_cast %swap3A_369 : vector<1x16xf32> to vector<16xf32>
        %swap3A_371 = vector.shape_cast %max3A_365 : vector<16xf32> to vector<1x16xf32>
        tpu.vector_store %arg11[%swap3A_367, %swap3A_368], %swap3A_371 {strides = array<i32>} : memref<8x256xf32, #tpu.memory_space<vmem>>, vector<1x16xf32>,
        %get3A_372 = arith.constant 48 : i32
        %get3A_373 = arith.index_cast %get3A_372 : i32 to index
        %get3A_374 = arith.index_cast %mul3A_50 : i32 to index
        %get3A_375 = tpu.vector_load %arg9[%get3A_373, %get3A_374] {strides = array<i32>} : memref<128x256xf32, #tpu.memory_space<vmem>>, vector<1x16xf32>,
        %get3A_376 = vector.shape_cast %get3A_375 : vector<1x16xf32> to vector<16xf32>
        %get3A_377 = arith.constant 49 : i32
        %get3A_378 = arith.index_cast %get3A_377 : i32 to index
        %get3A_379 = arith.index_cast %mul3A_50 : i32 to index
        %get3A_380 = tpu.vector_load %arg9[%get3A_378, %get3A_379] {strides = array<i32>} : memref<128x256xf32, #tpu.memory_space<vmem>>, vector<1x16xf32>,
        %get3A_381 = vector.shape_cast %get3A_380 : vector<1x16xf32> to vector<16xf32>
        %max3A_382 = arith.maximumf %get3A_376, %get3A_381 : vector<16xf32>
        %get3A_383 = arith.constant 50 : i32
        %get3A_384 = arith.index_cast %get3A_383 : i32 to index
        %get3A_385 = arith.index_cast %mul3A_50 : i32 to index
        %get3A_386 = tpu.vector_load %arg9[%get3A_384, %get3A_385] {strides = array<i32>} : memref<128x256xf32, #tpu.memory_space<vmem>>, vector<1x16xf32>,
        %get3A_387 = vector.shape_cast %get3A_386 : vector<1x16xf32> to vector<16xf32>
        %max3A_388 = arith.maximumf %max3A_382, %get3A_387 : vector<16xf32>
        %get3A_389 = arith.constant 51 : i32
        %get3A_390 = arith.index_cast %get3A_389 : i32 to index
        %get3A_391 = arith.index_cast %mul3A_50 : i32 to index
        %get3A_392 = tpu.vector_load %arg9[%get3A_390, %get3A_391] {strides = array<i32>} : memref<128x256xf32, #tpu.memory_space<vmem>>, vector<1x16xf32>,
        %get3A_393 = vector.shape_cast %get3A_392 : vector<1x16xf32> to vector<16xf32>
        %max3A_394 = arith.maximumf %max3A_388, %get3A_393 : vector<16xf32>
        %get3A_395 = arith.constant 52 : i32
        %get3A_396 = arith.index_cast %get3A_395 : i32 to index
        %get3A_397 = arith.index_cast %mul3A_50 : i32 to index
        %get3A_398 = tpu.vector_load %arg9[%get3A_396, %get3A_397] {strides = array<i32>} : memref<128x256xf32, #tpu.memory_space<vmem>>, vector<1x16xf32>,
        %get3A_399 = vector.shape_cast %get3A_398 : vector<1x16xf32> to vector<16xf32>
        %max3A_400 = arith.maximumf %max3A_394, %get3A_399 : vector<16xf32>
        %get3A_401 = arith.constant 53 : i32
        %get3A_402 = arith.index_cast %get3A_401 : i32 to index
        %get3A_403 = arith.index_cast %mul3A_50 : i32 to index
        %get3A_404 = tpu.vector_load %arg9[%get3A_402, %get3A_403] {strides = array<i32>} : memref<128x256xf32, #tpu.memory_space<vmem>>, vector<1x16xf32>,
        %get3A_405 = vector.shape_cast %get3A_404 : vector<1x16xf32> to vector<16xf32>
        %max3A_406 = arith.maximumf %max3A_400, %get3A_405 : vector<16xf32>
        %get3A_407 = arith.constant 54 : i32
        %get3A_408 = arith.index_cast %get3A_407 : i32 to index
        %get3A_409 = arith.index_cast %mul3A_50 : i32 to index
        %get3A_410 = tpu.vector_load %arg9[%get3A_408, %get3A_409] {strides = array<i32>} : memref<128x256xf32, #tpu.memory_space<vmem>>, vector<1x16xf32>,
        %get3A_411 = vector.shape_cast %get3A_410 : vector<1x16xf32> to vector<16xf32>
        %max3A_412 = arith.maximumf %max3A_406, %get3A_411 : vector<16xf32>
        %get3A_413 = arith.constant 55 : i32
        %get3A_414 = arith.index_cast %get3A_413 : i32 to index
        %get3A_415 = arith.index_cast %mul3A_50 : i32 to index
        %get3A_416 = tpu.vector_load %arg9[%get3A_414, %get3A_415] {strides = array<i32>} : memref<128x256xf32, #tpu.memory_space<vmem>>, vector<1x16xf32>,
        %get3A_417 = vector.shape_cast %get3A_416 : vector<1x16xf32> to vector<16xf32>
        %max3A_418 = arith.maximumf %max3A_412, %get3A_417 : vector<16xf32>
        %get3A_419 = arith.constant 56 : i32
        %get3A_420 = arith.index_cast %get3A_419 : i32 to index
        %get3A_421 = arith.index_cast %mul3A_50 : i32 to index
        %get3A_422 = tpu.vector_load %arg9[%get3A_420, %get3A_421] {strides = array<i32>} : memref<128x256xf32, #tpu.memory_space<vmem>>, vector<1x16xf32>,
        %get3A_423 = vector.shape_cast %get3A_422 : vector<1x16xf32> to vector<16xf32>
        %max3A_424 = arith.maximumf %max3A_418, %get3A_423 : vector<16xf32>
        %get3A_425 = arith.constant 57 : i32
        %get3A_426 = arith.index_cast %get3A_425 : i32 to index
        %get3A_427 = arith.index_cast %mul3A_50 : i32 to index
        %get3A_428 = tpu.vector_load %arg9[%get3A_426, %get3A_427] {strides = array<i32>} : memref<128x256xf32, #tpu.memory_space<vmem>>, vector<1x16xf32>,
        %get3A_429 = vector.shape_cast %get3A_428 : vector<1x16xf32> to vector<16xf32>
        %max3A_430 = arith.maximumf %max3A_424, %get3A_429 : vector<16xf32>
        %get3A_431 = arith.constant 58 : i32
        %get3A_432 = arith.index_cast %get3A_431 : i32 to index
        %get3A_433 = arith.index_cast %mul3A_50 : i32 to index
        %get3A_434 = tpu.vector_load %arg9[%get3A_432, %get3A_433] {strides = array<i32>} : memref<128x256xf32, #tpu.memory_space<vmem>>, vector<1x16xf32>,
        %get3A_435 = vector.shape_cast %get3A_434 : vector<1x16xf32> to vector<16xf32>
        %max3A_436 = arith.maximumf %max3A_430, %get3A_435 : vector<16xf32>
        %get3A_437 = arith.constant 59 : i32
        %get3A_438 = arith.index_cast %get3A_437 : i32 to index
        %get3A_439 = arith.index_cast %mul3A_50 : i32 to index
        %get3A_440 = tpu.vector_load %arg9[%get3A_438, %get3A_439] {strides = array<i32>} : memref<128x256xf32, #tpu.memory_space<vmem>>, vector<1x16xf32>,
        %get3A_441 = vector.shape_cast %get3A_440 : vector<1x16xf32> to vector<16xf32>
        %max3A_442 = arith.maximumf %max3A_436, %get3A_441 : vector<16xf32>
        %get3A_443 = arith.constant 60 : i32
        %get3A_444 = arith.index_cast %get3A_443 : i32 to index
        %get3A_445 = arith.index_cast %mul3A_50 : i32 to index
        %get3A_446 = tpu.vector_load %arg9[%get3A_444, %get3A_445] {strides = array<i32>} : memref<128x256xf32, #tpu.memory_space<vmem>>, vector<1x16xf32>,
        %get3A_447 = vector.shape_cast %get3A_446 : vector<1x16xf32> to vector<16xf32>
        %max3A_448 = arith.maximumf %max3A_442, %get3A_447 : vector<16xf32>
        %get3A_449 = arith.constant 61 : i32
        %get3A_450 = arith.index_cast %get3A_449 : i32 to index
        %get3A_451 = arith.index_cast %mul3A_50 : i32 to index
        %get3A_452 = tpu.vector_load %arg9[%get3A_450, %get3A_451] {strides = array<i32>} : memref<128x256xf32, #tpu.memory_space<vmem>>, vector<1x16xf32>,
        %get3A_453 = vector.shape_cast %get3A_452 : vector<1x16xf32> to vector<16xf32>
        %max3A_454 = arith.maximumf %max3A_448, %get3A_453 : vector<16xf32>
        %get3A_455 = arith.constant 62 : i32
        %get3A_456 = arith.index_cast %get3A_455 : i32 to index
        %get3A_457 = arith.index_cast %mul3A_50 : i32 to index
        %get3A_458 = tpu.vector_load %arg9[%get3A_456, %get3A_457] {strides = array<i32>} : memref<128x256xf32, #tpu.memory_space<vmem>>, vector<1x16xf32>,
        %get3A_459 = vector.shape_cast %get3A_458 : vector<1x16xf32> to vector<16xf32>
        %max3A_460 = arith.maximumf %max3A_454, %get3A_459 : vector<16xf32>
        %get3A_461 = arith.constant 63 : i32
        %get3A_462 = arith.index_cast %get3A_461 : i32 to index
        %get3A_463 = arith.index_cast %mul3A_50 : i32 to index
        %get3A_464 = tpu.vector_load %arg9[%get3A_462, %get3A_463] {strides = array<i32>} : memref<128x256xf32, #tpu.memory_space<vmem>>, vector<1x16xf32>,
        %get3A_465 = vector.shape_cast %get3A_464 : vector<1x16xf32> to vector<16xf32>
        %max3A_466 = arith.maximumf %max3A_460, %get3A_465 : vector<16xf32>
        %mul3A_467 = arith.mulf %max3A_466, %get3A_52 : vector<16xf32>
        %add3A_468 = arith.addf %mul3A_467, %get3A_55 : vector<16xf32>
        %max3A_469 = arith.constant 0.000000e+00 : f32
        %max3A_470 = vector.broadcast %max3A_469 : f32 to vector<16xf32>
        %max3A_471 = arith.maximumf %add3A_468, %max3A_470 : vector<16xf32>
        %swap3A_472 = arith.constant 3 : i32
        %swap3A_473 = arith.index_cast %swap3A_472 : i32 to index
        %swap3A_474 = arith.index_cast %mul3A_50 : i32 to index
        %swap3A_475 = tpu.vector_load %arg11[%swap3A_473, %swap3A_474] {strides = array<i32>} : memref<8x256xf32, #tpu.memory_space<vmem>>, vector<1x16xf32>,
        %swap3A_476 = vector.shape_cast %swap3A_475 : vector<1x16xf32> to vector<16xf32>
        %swap3A_477 = vector.shape_cast %max3A_471 : vector<16xf32> to vector<1x16xf32>
        tpu.vector_store %arg11[%swap3A_473, %swap3A_474], %swap3A_477 {strides = array<i32>} : memref<8x256xf32, #tpu.memory_space<vmem>>, vector<1x16xf32>,
        %get3A_478 = arith.constant 64 : i32
        %get3A_479 = arith.index_cast %get3A_478 : i32 to index
        %get3A_480 = arith.index_cast %mul3A_50 : i32 to index
        %get3A_481 = tpu.vector_load %arg9[%get3A_479, %get3A_480] {strides = array<i32>} : memref<128x256xf32, #tpu.memory_space<vmem>>, vector<1x16xf32>,
        %get3A_482 = vector.shape_cast %get3A_481 : vector<1x16xf32> to vector<16xf32>
        %get3A_483 = arith.constant 65 : i32
        %get3A_484 = arith.index_cast %get3A_483 : i32 to index
        %get3A_485 = arith.index_cast %mul3A_50 : i32 to index
        %get3A_486 = tpu.vector_load %arg9[%get3A_484, %get3A_485] {strides = array<i32>} : memref<128x256xf32, #tpu.memory_space<vmem>>, vector<1x16xf32>,
        %get3A_487 = vector.shape_cast %get3A_486 : vector<1x16xf32> to vector<16xf32>
        %max3A_488 = arith.maximumf %get3A_482, %get3A_487 : vector<16xf32>
        %get3A_489 = arith.constant 66 : i32
        %get3A_490 = arith.index_cast %get3A_489 : i32 to index
        %get3A_491 = arith.index_cast %mul3A_50 : i32 to index
        %get3A_492 = tpu.vector_load %arg9[%get3A_490, %get3A_491] {strides = array<i32>} : memref<128x256xf32, #tpu.memory_space<vmem>>, vector<1x16xf32>,
        %get3A_493 = vector.shape_cast %get3A_492 : vector<1x16xf32> to vector<16xf32>
        %max3A_494 = arith.maximumf %max3A_488, %get3A_493 : vector<16xf32>
        %get3A_495 = arith.constant 67 : i32
        %get3A_496 = arith.index_cast %get3A_495 : i32 to index
        %get3A_497 = arith.index_cast %mul3A_50 : i32 to index
        %get3A_498 = tpu.vector_load %arg9[%get3A_496, %get3A_497] {strides = array<i32>} : memref<128x256xf32, #tpu.memory_space<vmem>>, vector<1x16xf32>,
        %get3A_499 = vector.shape_cast %get3A_498 : vector<1x16xf32> to vector<16xf32>
        %max3A_500 = arith.maximumf %max3A_494, %get3A_499 : vector<16xf32>
        %get3A_501 = arith.constant 68 : i32
        %get3A_502 = arith.index_cast %get3A_501 : i32 to index
        %get3A_503 = arith.index_cast %mul3A_50 : i32 to index
        %get3A_504 = tpu.vector_load %arg9[%get3A_502, %get3A_503] {strides = array<i32>} : memref<128x256xf32, #tpu.memory_space<vmem>>, vector<1x16xf32>,
        %get3A_505 = vector.shape_cast %get3A_504 : vector<1x16xf32> to vector<16xf32>
        %max3A_506 = arith.maximumf %max3A_500, %get3A_505 : vector<16xf32>
        %get3A_507 = arith.constant 69 : i32
        %get3A_508 = arith.index_cast %get3A_507 : i32 to index
        %get3A_509 = arith.index_cast %mul3A_50 : i32 to index
        %get3A_510 = tpu.vector_load %arg9[%get3A_508, %get3A_509] {strides = array<i32>} : memref<128x256xf32, #tpu.memory_space<vmem>>, vector<1x16xf32>,
        %get3A_511 = vector.shape_cast %get3A_510 : vector<1x16xf32> to vector<16xf32>
        %max3A_512 = arith.maximumf %max3A_506, %get3A_511 : vector<16xf32>
        %get3A_513 = arith.constant 70 : i32
        %get3A_514 = arith.index_cast %get3A_513 : i32 to index
        %get3A_515 = arith.index_cast %mul3A_50 : i32 to index
        %get3A_516 = tpu.vector_load %arg9[%get3A_514, %get3A_515] {strides = array<i32>} : memref<128x256xf32, #tpu.memory_space<vmem>>, vector<1x16xf32>,
        %get3A_517 = vector.shape_cast %get3A_516 : vector<1x16xf32> to vector<16xf32>
        %max3A_518 = arith.maximumf %max3A_512, %get3A_517 : vector<16xf32>
        %get3A_519 = arith.constant 71 : i32
        %get3A_520 = arith.index_cast %get3A_519 : i32 to index
        %get3A_521 = arith.index_cast %mul3A_50 : i32 to index
        %get3A_522 = tpu.vector_load %arg9[%get3A_520, %get3A_521] {strides = array<i32>} : memref<128x256xf32, #tpu.memory_space<vmem>>, vector<1x16xf32>,
        %get3A_523 = vector.shape_cast %get3A_522 : vector<1x16xf32> to vector<16xf32>
        %max3A_524 = arith.maximumf %max3A_518, %get3A_523 : vector<16xf32>
        %get3A_525 = arith.constant 72 : i32
        %get3A_526 = arith.index_cast %get3A_525 : i32 to index
        %get3A_527 = arith.index_cast %mul3A_50 : i32 to index
        %get3A_528 = tpu.vector_load %arg9[%get3A_526, %get3A_527] {strides = array<i32>} : memref<128x256xf32, #tpu.memory_space<vmem>>, vector<1x16xf32>,
        %get3A_529 = vector.shape_cast %get3A_528 : vector<1x16xf32> to vector<16xf32>
        %max3A_530 = arith.maximumf %max3A_524, %get3A_529 : vector<16xf32>
        %get3A_531 = arith.constant 73 : i32
        %get3A_532 = arith.index_cast %get3A_531 : i32 to index
        %get3A_533 = arith.index_cast %mul3A_50 : i32 to index
        %get3A_534 = tpu.vector_load %arg9[%get3A_532, %get3A_533] {strides = array<i32>} : memref<128x256xf32, #tpu.memory_space<vmem>>, vector<1x16xf32>,
        %get3A_535 = vector.shape_cast %get3A_534 : vector<1x16xf32> to vector<16xf32>
        %max3A_536 = arith.maximumf %max3A_530, %get3A_535 : vector<16xf32>
        %get3A_537 = arith.constant 74 : i32
        %get3A_538 = arith.index_cast %get3A_537 : i32 to index
        %get3A_539 = arith.index_cast %mul3A_50 : i32 to index
        %get3A_540 = tpu.vector_load %arg9[%get3A_538, %get3A_539] {strides = array<i32>} : memref<128x256xf32, #tpu.memory_space<vmem>>, vector<1x16xf32>,
        %get3A_541 = vector.shape_cast %get3A_540 : vector<1x16xf32> to vector<16xf32>
        %max3A_542 = arith.maximumf %max3A_536, %get3A_541 : vector<16xf32>
        %get3A_543 = arith.constant 75 : i32
        %get3A_544 = arith.index_cast %get3A_543 : i32 to index
        %get3A_545 = arith.index_cast %mul3A_50 : i32 to index
        %get3A_546 = tpu.vector_load %arg9[%get3A_544, %get3A_545] {strides = array<i32>} : memref<128x256xf32, #tpu.memory_space<vmem>>, vector<1x16xf32>,
        %get3A_547 = vector.shape_cast %get3A_546 : vector<1x16xf32> to vector<16xf32>
        %max3A_548 = arith.maximumf %max3A_542, %get3A_547 : vector<16xf32>
        %get3A_549 = arith.constant 76 : i32
        %get3A_550 = arith.index_cast %get3A_549 : i32 to index
        %get3A_551 = arith.index_cast %mul3A_50 : i32 to index
        %get3A_552 = tpu.vector_load %arg9[%get3A_550, %get3A_551] {strides = array<i32>} : memref<128x256xf32, #tpu.memory_space<vmem>>, vector<1x16xf32>,
        %get3A_553 = vector.shape_cast %get3A_552 : vector<1x16xf32> to vector<16xf32>
        %max3A_554 = arith.maximumf %max3A_548, %get3A_553 : vector<16xf32>
        %get3A_555 = arith.constant 77 : i32
        %get3A_556 = arith.index_cast %get3A_555 : i32 to index
        %get3A_557 = arith.index_cast %mul3A_50 : i32 to index
        %get3A_558 = tpu.vector_load %arg9[%get3A_556, %get3A_557] {strides = array<i32>} : memref<128x256xf32, #tpu.memory_space<vmem>>, vector<1x16xf32>,
        %get3A_559 = vector.shape_cast %get3A_558 : vector<1x16xf32> to vector<16xf32>
        %max3A_560 = arith.maximumf %max3A_554, %get3A_559 : vector<16xf32>
        %get3A_561 = arith.constant 78 : i32
        %get3A_562 = arith.index_cast %get3A_561 : i32 to index
        %get3A_563 = arith.index_cast %mul3A_50 : i32 to index
        %get3A_564 = tpu.vector_load %arg9[%get3A_562, %get3A_563] {strides = array<i32>} : memref<128x256xf32, #tpu.memory_space<vmem>>, vector<1x16xf32>,
        %get3A_565 = vector.shape_cast %get3A_564 : vector<1x16xf32> to vector<16xf32>
        %max3A_566 = arith.maximumf %max3A_560, %get3A_565 : vector<16xf32>
        %get3A_567 = arith.constant 79 : i32
        %get3A_568 = arith.index_cast %get3A_567 : i32 to index
        %get3A_569 = arith.index_cast %mul3A_50 : i32 to index
        %get3A_570 = tpu.vector_load %arg9[%get3A_568, %get3A_569] {strides = array<i32>} : memref<128x256xf32, #tpu.memory_space<vmem>>, vector<1x16xf32>,
        %get3A_571 = vector.shape_cast %get3A_570 : vector<1x16xf32> to vector<16xf32>
        %max3A_572 = arith.maximumf %max3A_566, %get3A_571 : vector<16xf32>
        %mul3A_573 = arith.mulf %max3A_572, %get3A_52 : vector<16xf32>
        %add3A_574 = arith.addf %mul3A_573, %get3A_55 : vector<16xf32>
        %max3A_575 = arith.constant 0.000000e+00 : f32
        %max3A_576 = vector.broadcast %max3A_575 : f32 to vector<16xf32>
        %max3A_577 = arith.maximumf %add3A_574, %max3A_576 : vector<16xf32>
        %swap3A_578 = arith.constant 4 : i32
        %swap3A_579 = arith.index_cast %swap3A_578 : i32 to index
        %swap3A_580 = arith.index_cast %mul3A_50 : i32 to index
        %swap3A_581 = tpu.vector_load %arg11[%swap3A_579, %swap3A_580] {strides = array<i32>} : memref<8x256xf32, #tpu.memory_space<vmem>>, vector<1x16xf32>,
        %swap3A_582 = vector.shape_cast %swap3A_581 : vector<1x16xf32> to vector<16xf32>
        %swap3A_583 = vector.shape_cast %max3A_577 : vector<16xf32> to vector<1x16xf32>
        tpu.vector_store %arg11[%swap3A_579, %swap3A_580], %swap3A_583 {strides = array<i32>} : memref<8x256xf32, #tpu.memory_space<vmem>>, vector<1x16xf32>,
        %get3A_584 = arith.constant 80 : i32
        %get3A_585 = arith.index_cast %get3A_584 : i32 to index
        %get3A_586 = arith.index_cast %mul3A_50 : i32 to index
        %get3A_587 = tpu.vector_load %arg9[%get3A_585, %get3A_586] {strides = array<i32>} : memref<128x256xf32, #tpu.memory_space<vmem>>, vector<1x16xf32>,
        %get3A_588 = vector.shape_cast %get3A_587 : vector<1x16xf32> to vector<16xf32>
        %get3A_589 = arith.constant 81 : i32
        %get3A_590 = arith.index_cast %get3A_589 : i32 to index
        %get3A_591 = arith.index_cast %mul3A_50 : i32 to index
        %get3A_592 = tpu.vector_load %arg9[%get3A_590, %get3A_591] {strides = array<i32>} : memref<128x256xf32, #tpu.memory_space<vmem>>, vector<1x16xf32>,
        %get3A_593 = vector.shape_cast %get3A_592 : vector<1x16xf32> to vector<16xf32>
        %max3A_594 = arith.maximumf %get3A_588, %get3A_593 : vector<16xf32>
        %get3A_595 = arith.constant 82 : i32
        %get3A_596 = arith.index_cast %get3A_595 : i32 to index
        %get3A_597 = arith.index_cast %mul3A_50 : i32 to index
        %get3A_598 = tpu.vector_load %arg9[%get3A_596, %get3A_597] {strides = array<i32>} : memref<128x256xf32, #tpu.memory_space<vmem>>, vector<1x16xf32>,
        %get3A_599 = vector.shape_cast %get3A_598 : vector<1x16xf32> to vector<16xf32>
        %max3A_600 = arith.maximumf %max3A_594, %get3A_599 : vector<16xf32>
        %get3A_601 = arith.constant 83 : i32
        %get3A_602 = arith.index_cast %get3A_601 : i32 to index
        %get3A_603 = arith.index_cast %mul3A_50 : i32 to index
        %get3A_604 = tpu.vector_load %arg9[%get3A_602, %get3A_603] {strides = array<i32>} : memref<128x256xf32, #tpu.memory_space<vmem>>, vector<1x16xf32>,
        %get3A_605 = vector.shape_cast %get3A_604 : vector<1x16xf32> to vector<16xf32>
        %max3A_606 = arith.maximumf %max3A_600, %get3A_605 : vector<16xf32>
        %get3A_607 = arith.constant 84 : i32
        %get3A_608 = arith.index_cast %get3A_607 : i32 to index
        %get3A_609 = arith.index_cast %mul3A_50 : i32 to index
        %get3A_610 = tpu.vector_load %arg9[%get3A_608, %get3A_609] {strides = array<i32>} : memref<128x256xf32, #tpu.memory_space<vmem>>, vector<1x16xf32>,
        %get3A_611 = vector.shape_cast %get3A_610 : vector<1x16xf32> to vector<16xf32>
        %max3A_612 = arith.maximumf %max3A_606, %get3A_611 : vector<16xf32>
        %get3A_613 = arith.constant 85 : i32
        %get3A_614 = arith.index_cast %get3A_613 : i32 to index
        %get3A_615 = arith.index_cast %mul3A_50 : i32 to index
        %get3A_616 = tpu.vector_load %arg9[%get3A_614, %get3A_615] {strides = array<i32>} : memref<128x256xf32, #tpu.memory_space<vmem>>, vector<1x16xf32>,
        %get3A_617 = vector.shape_cast %get3A_616 : vector<1x16xf32> to vector<16xf32>
        %max3A_618 = arith.maximumf %max3A_612, %get3A_617 : vector<16xf32>
        %get3A_619 = arith.constant 86 : i32
        %get3A_620 = arith.index_cast %get3A_619 : i32 to index
        %get3A_621 = arith.index_cast %mul3A_50 : i32 to index
        %get3A_622 = tpu.vector_load %arg9[%get3A_620, %get3A_621] {strides = array<i32>} : memref<128x256xf32, #tpu.memory_space<vmem>>, vector<1x16xf32>,
        %get3A_623 = vector.shape_cast %get3A_622 : vector<1x16xf32> to vector<16xf32>
        %max3A_624 = arith.maximumf %max3A_618, %get3A_623 : vector<16xf32>
        %get3A_625 = arith.constant 87 : i32
        %get3A_626 = arith.index_cast %get3A_625 : i32 to index
        %get3A_627 = arith.index_cast %mul3A_50 : i32 to index
        %get3A_628 = tpu.vector_load %arg9[%get3A_626, %get3A_627] {strides = array<i32>} : memref<128x256xf32, #tpu.memory_space<vmem>>, vector<1x16xf32>,
        %get3A_629 = vector.shape_cast %get3A_628 : vector<1x16xf32> to vector<16xf32>
        %max3A_630 = arith.maximumf %max3A_624, %get3A_629 : vector<16xf32>
        %get3A_631 = arith.constant 88 : i32
        %get3A_632 = arith.index_cast %get3A_631 : i32 to index
        %get3A_633 = arith.index_cast %mul3A_50 : i32 to index
        %get3A_634 = tpu.vector_load %arg9[%get3A_632, %get3A_633] {strides = array<i32>} : memref<128x256xf32, #tpu.memory_space<vmem>>, vector<1x16xf32>,
        %get3A_635 = vector.shape_cast %get3A_634 : vector<1x16xf32> to vector<16xf32>
        %max3A_636 = arith.maximumf %max3A_630, %get3A_635 : vector<16xf32>
        %get3A_637 = arith.constant 89 : i32
        %get3A_638 = arith.index_cast %get3A_637 : i32 to index
        %get3A_639 = arith.index_cast %mul3A_50 : i32 to index
        %get3A_640 = tpu.vector_load %arg9[%get3A_638, %get3A_639] {strides = array<i32>} : memref<128x256xf32, #tpu.memory_space<vmem>>, vector<1x16xf32>,
        %get3A_641 = vector.shape_cast %get3A_640 : vector<1x16xf32> to vector<16xf32>
        %max3A_642 = arith.maximumf %max3A_636, %get3A_641 : vector<16xf32>
        %get3A_643 = arith.constant 90 : i32
        %get3A_644 = arith.index_cast %get3A_643 : i32 to index
        %get3A_645 = arith.index_cast %mul3A_50 : i32 to index
        %get3A_646 = tpu.vector_load %arg9[%get3A_644, %get3A_645] {strides = array<i32>} : memref<128x256xf32, #tpu.memory_space<vmem>>, vector<1x16xf32>,
        %get3A_647 = vector.shape_cast %get3A_646 : vector<1x16xf32> to vector<16xf32>
        %max3A_648 = arith.maximumf %max3A_642, %get3A_647 : vector<16xf32>
        %get3A_649 = arith.constant 91 : i32
        %get3A_650 = arith.index_cast %get3A_649 : i32 to index
        %get3A_651 = arith.index_cast %mul3A_50 : i32 to index
        %get3A_652 = tpu.vector_load %arg9[%get3A_650, %get3A_651] {strides = array<i32>} : memref<128x256xf32, #tpu.memory_space<vmem>>, vector<1x16xf32>,
        %get3A_653 = vector.shape_cast %get3A_652 : vector<1x16xf32> to vector<16xf32>
        %max3A_654 = arith.maximumf %max3A_648, %get3A_653 : vector<16xf32>
        %get3A_655 = arith.constant 92 : i32
        %get3A_656 = arith.index_cast %get3A_655 : i32 to index
        %get3A_657 = arith.index_cast %mul3A_50 : i32 to index
        %get3A_658 = tpu.vector_load %arg9[%get3A_656, %get3A_657] {strides = array<i32>} : memref<128x256xf32, #tpu.memory_space<vmem>>, vector<1x16xf32>,
        %get3A_659 = vector.shape_cast %get3A_658 : vector<1x16xf32> to vector<16xf32>
        %max3A_660 = arith.maximumf %max3A_654, %get3A_659 : vector<16xf32>
        %get3A_661 = arith.constant 93 : i32
        %get3A_662 = arith.index_cast %get3A_661 : i32 to index
        %get3A_663 = arith.index_cast %mul3A_50 : i32 to index
        %get3A_664 = tpu.vector_load %arg9[%get3A_662, %get3A_663] {strides = array<i32>} : memref<128x256xf32, #tpu.memory_space<vmem>>, vector<1x16xf32>,
        %get3A_665 = vector.shape_cast %get3A_664 : vector<1x16xf32> to vector<16xf32>
        %max3A_666 = arith.maximumf %max3A_660, %get3A_665 : vector<16xf32>
        %get3A_667 = arith.constant 94 : i32
        %get3A_668 = arith.index_cast %get3A_667 : i32 to index
        %get3A_669 = arith.index_cast %mul3A_50 : i32 to index
        %get3A_670 = tpu.vector_load %arg9[%get3A_668, %get3A_669] {strides = array<i32>} : memref<128x256xf32, #tpu.memory_space<vmem>>, vector<1x16xf32>,
        %get3A_671 = vector.shape_cast %get3A_670 : vector<1x16xf32> to vector<16xf32>
        %max3A_672 = arith.maximumf %max3A_666, %get3A_671 : vector<16xf32>
        %get3A_673 = arith.constant 95 : i32
        %get3A_674 = arith.index_cast %get3A_673 : i32 to index
        %get3A_675 = arith.index_cast %mul3A_50 : i32 to index
        %get3A_676 = tpu.vector_load %arg9[%get3A_674, %get3A_675] {strides = array<i32>} : memref<128x256xf32, #tpu.memory_space<vmem>>, vector<1x16xf32>,
        %get3A_677 = vector.shape_cast %get3A_676 : vector<1x16xf32> to vector<16xf32>
        %max3A_678 = arith.maximumf %max3A_672, %get3A_677 : vector<16xf32>
        %mul3A_679 = arith.mulf %max3A_678, %get3A_52 : vector<16xf32>
        %add3A_680 = arith.addf %mul3A_679, %get3A_55 : vector<16xf32>
        %max3A_681 = arith.constant 0.000000e+00 : f32
        %max3A_682 = vector.broadcast %max3A_681 : f32 to vector<16xf32>
        %max3A_683 = arith.maximumf %add3A_680, %max3A_682 : vector<16xf32>
        %swap3A_684 = arith.constant 5 : i32
        %swap3A_685 = arith.index_cast %swap3A_684 : i32 to index
        %swap3A_686 = arith.index_cast %mul3A_50 : i32 to index
        %swap3A_687 = tpu.vector_load %arg11[%swap3A_685, %swap3A_686] {strides = array<i32>} : memref<8x256xf32, #tpu.memory_space<vmem>>, vector<1x16xf32>,
        %swap3A_688 = vector.shape_cast %swap3A_687 : vector<1x16xf32> to vector<16xf32>
        %swap3A_689 = vector.shape_cast %max3A_683 : vector<16xf32> to vector<1x16xf32>
        tpu.vector_store %arg11[%swap3A_685, %swap3A_686], %swap3A_689 {strides = array<i32>} : memref<8x256xf32, #tpu.memory_space<vmem>>, vector<1x16xf32>,
        %get3A_690 = arith.constant 96 : i32
        %get3A_691 = arith.index_cast %get3A_690 : i32 to index
        %get3A_692 = arith.index_cast %mul3A_50 : i32 to index
        %get3A_693 = tpu.vector_load %arg9[%get3A_691, %get3A_692] {strides = array<i32>} : memref<128x256xf32, #tpu.memory_space<vmem>>, vector<1x16xf32>,
        %get3A_694 = vector.shape_cast %get3A_693 : vector<1x16xf32> to vector<16xf32>
        %get3A_695 = arith.constant 97 : i32
        %get3A_696 = arith.index_cast %get3A_695 : i32 to index
        %get3A_697 = arith.index_cast %mul3A_50 : i32 to index
        %get3A_698 = tpu.vector_load %arg9[%get3A_696, %get3A_697] {strides = array<i32>} : memref<128x256xf32, #tpu.memory_space<vmem>>, vector<1x16xf32>,
        %get3A_699 = vector.shape_cast %get3A_698 : vector<1x16xf32> to vector<16xf32>
        %max3A_700 = arith.maximumf %get3A_694, %get3A_699 : vector<16xf32>
        %get3A_701 = arith.constant 98 : i32
        %get3A_702 = arith.index_cast %get3A_701 : i32 to index
        %get3A_703 = arith.index_cast %mul3A_50 : i32 to index
        %get3A_704 = tpu.vector_load %arg9[%get3A_702, %get3A_703] {strides = array<i32>} : memref<128x256xf32, #tpu.memory_space<vmem>>, vector<1x16xf32>,
        %get3A_705 = vector.shape_cast %get3A_704 : vector<1x16xf32> to vector<16xf32>
        %max3A_706 = arith.maximumf %max3A_700, %get3A_705 : vector<16xf32>
        %get3A_707 = arith.constant 99 : i32
        %get3A_708 = arith.index_cast %get3A_707 : i32 to index
        %get3A_709 = arith.index_cast %mul3A_50 : i32 to index
        %get3A_710 = tpu.vector_load %arg9[%get3A_708, %get3A_709] {strides = array<i32>} : memref<128x256xf32, #tpu.memory_space<vmem>>, vector<1x16xf32>,
        %get3A_711 = vector.shape_cast %get3A_710 : vector<1x16xf32> to vector<16xf32>
        %max3A_712 = arith.maximumf %max3A_706, %get3A_711 : vector<16xf32>
        %get3A_713 = arith.constant 100 : i32
        %get3A_714 = arith.index_cast %get3A_713 : i32 to index
        %get3A_715 = arith.index_cast %mul3A_50 : i32 to index
        %get3A_716 = tpu.vector_load %arg9[%get3A_714, %get3A_715] {strides = array<i32>} : memref<128x256xf32, #tpu.memory_space<vmem>>, vector<1x16xf32>,
        %get3A_717 = vector.shape_cast %get3A_716 : vector<1x16xf32> to vector<16xf32>
        %max3A_718 = arith.maximumf %max3A_712, %get3A_717 : vector<16xf32>
        %get3A_719 = arith.constant 101 : i32
        %get3A_720 = arith.index_cast %get3A_719 : i32 to index
        %get3A_721 = arith.index_cast %mul3A_50 : i32 to index
        %get3A_722 = tpu.vector_load %arg9[%get3A_720, %get3A_721] {strides = array<i32>} : memref<128x256xf32, #tpu.memory_space<vmem>>, vector<1x16xf32>,
        %get3A_723 = vector.shape_cast %get3A_722 : vector<1x16xf32> to vector<16xf32>
        %max3A_724 = arith.maximumf %max3A_718, %get3A_723 : vector<16xf32>
        %get3A_725 = arith.constant 102 : i32
        %get3A_726 = arith.index_cast %get3A_725 : i32 to index
        %get3A_727 = arith.index_cast %mul3A_50 : i32 to index
        %get3A_728 = tpu.vector_load %arg9[%get3A_726, %get3A_727] {strides = array<i32>} : memref<128x256xf32, #tpu.memory_space<vmem>>, vector<1x16xf32>,
        %get3A_729 = vector.shape_cast %get3A_728 : vector<1x16xf32> to vector<16xf32>
        %max3A_730 = arith.maximumf %max3A_724, %get3A_729 : vector<16xf32>
        %get3A_731 = arith.constant 103 : i32
        %get3A_732 = arith.index_cast %get3A_731 : i32 to index
        %get3A_733 = arith.index_cast %mul3A_50 : i32 to index
        %get3A_734 = tpu.vector_load %arg9[%get3A_732, %get3A_733] {strides = array<i32>} : memref<128x256xf32, #tpu.memory_space<vmem>>, vector<1x16xf32>,
        %get3A_735 = vector.shape_cast %get3A_734 : vector<1x16xf32> to vector<16xf32>
        %max3A_736 = arith.maximumf %max3A_730, %get3A_735 : vector<16xf32>
        %get3A_737 = arith.constant 104 : i32
        %get3A_738 = arith.index_cast %get3A_737 : i32 to index
        %get3A_739 = arith.index_cast %mul3A_50 : i32 to index
        %get3A_740 = tpu.vector_load %arg9[%get3A_738, %get3A_739] {strides = array<i32>} : memref<128x256xf32, #tpu.memory_space<vmem>>, vector<1x16xf32>,
        %get3A_741 = vector.shape_cast %get3A_740 : vector<1x16xf32> to vector<16xf32>
        %max3A_742 = arith.maximumf %max3A_736, %get3A_741 : vector<16xf32>
        %get3A_743 = arith.constant 105 : i32
        %get3A_744 = arith.index_cast %get3A_743 : i32 to index
        %get3A_745 = arith.index_cast %mul3A_50 : i32 to index
        %get3A_746 = tpu.vector_load %arg9[%get3A_744, %get3A_745] {strides = array<i32>} : memref<128x256xf32, #tpu.memory_space<vmem>>, vector<1x16xf32>,
        %get3A_747 = vector.shape_cast %get3A_746 : vector<1x16xf32> to vector<16xf32>
        %max3A_748 = arith.maximumf %max3A_742, %get3A_747 : vector<16xf32>
        %get3A_749 = arith.constant 106 : i32
        %get3A_750 = arith.index_cast %get3A_749 : i32 to index
        %get3A_751 = arith.index_cast %mul3A_50 : i32 to index
        %get3A_752 = tpu.vector_load %arg9[%get3A_750, %get3A_751] {strides = array<i32>} : memref<128x256xf32, #tpu.memory_space<vmem>>, vector<1x16xf32>,
        %get3A_753 = vector.shape_cast %get3A_752 : vector<1x16xf32> to vector<16xf32>
        %max3A_754 = arith.maximumf %max3A_748, %get3A_753 : vector<16xf32>
        %get3A_755 = arith.constant 107 : i32
        %get3A_756 = arith.index_cast %get3A_755 : i32 to index
        %get3A_757 = arith.index_cast %mul3A_50 : i32 to index
        %get3A_758 = tpu.vector_load %arg9[%get3A_756, %get3A_757] {strides = array<i32>} : memref<128x256xf32, #tpu.memory_space<vmem>>, vector<1x16xf32>,
        %get3A_759 = vector.shape_cast %get3A_758 : vector<1x16xf32> to vector<16xf32>
        %max3A_760 = arith.maximumf %max3A_754, %get3A_759 : vector<16xf32>
        %get3A_761 = arith.constant 108 : i32
        %get3A_762 = arith.index_cast %get3A_761 : i32 to index
        %get3A_763 = arith.index_cast %mul3A_50 : i32 to index
        %get3A_764 = tpu.vector_load %arg9[%get3A_762, %get3A_763] {strides = array<i32>} : memref<128x256xf32, #tpu.memory_space<vmem>>, vector<1x16xf32>,
        %get3A_765 = vector.shape_cast %get3A_764 : vector<1x16xf32> to vector<16xf32>
        %max3A_766 = arith.maximumf %max3A_760, %get3A_765 : vector<16xf32>
        %get3A_767 = arith.constant 109 : i32
        %get3A_768 = arith.index_cast %get3A_767 : i32 to index
        %get3A_769 = arith.index_cast %mul3A_50 : i32 to index
        %get3A_770 = tpu.vector_load %arg9[%get3A_768, %get3A_769] {strides = array<i32>} : memref<128x256xf32, #tpu.memory_space<vmem>>, vector<1x16xf32>,
        %get3A_771 = vector.shape_cast %get3A_770 : vector<1x16xf32> to vector<16xf32>
        %max3A_772 = arith.maximumf %max3A_766, %get3A_771 : vector<16xf32>
        %get3A_773 = arith.constant 110 : i32
        %get3A_774 = arith.index_cast %get3A_773 : i32 to index
        %get3A_775 = arith.index_cast %mul3A_50 : i32 to index
        %get3A_776 = tpu.vector_load %arg9[%get3A_774, %get3A_775] {strides = array<i32>} : memref<128x256xf32, #tpu.memory_space<vmem>>, vector<1x16xf32>,
        %get3A_777 = vector.shape_cast %get3A_776 : vector<1x16xf32> to vector<16xf32>
        %max3A_778 = arith.maximumf %max3A_772, %get3A_777 : vector<16xf32>
        %get3A_779 = arith.constant 111 : i32
        %get3A_780 = arith.index_cast %get3A_779 : i32 to index
        %get3A_781 = arith.index_cast %mul3A_50 : i32 to index
        %get3A_782 = tpu.vector_load %arg9[%get3A_780, %get3A_781] {strides = array<i32>} : memref<128x256xf32, #tpu.memory_space<vmem>>, vector<1x16xf32>,
        %get3A_783 = vector.shape_cast %get3A_782 : vector<1x16xf32> to vector<16xf32>
        %max3A_784 = arith.maximumf %max3A_778, %get3A_783 : vector<16xf32>
        %mul3A_785 = arith.mulf %max3A_784, %get3A_52 : vector<16xf32>
        %add3A_786 = arith.addf %mul3A_785, %get3A_55 : vector<16xf32>
        %max3A_787 = arith.constant 0.000000e+00 : f32
        %max3A_788 = vector.broadcast %max3A_787 : f32 to vector<16xf32>
        %max3A_789 = arith.maximumf %add3A_786, %max3A_788 : vector<16xf32>
        %swap3A_790 = arith.constant 6 : i32
        %swap3A_791 = arith.index_cast %swap3A_790 : i32 to index
        %swap3A_792 = arith.index_cast %mul3A_50 : i32 to index
        %swap3A_793 = tpu.vector_load %arg11[%swap3A_791, %swap3A_792] {strides = array<i32>} : memref<8x256xf32, #tpu.memory_space<vmem>>, vector<1x16xf32>,
        %swap3A_794 = vector.shape_cast %swap3A_793 : vector<1x16xf32> to vector<16xf32>
        %swap3A_795 = vector.shape_cast %max3A_789 : vector<16xf32> to vector<1x16xf32>
        tpu.vector_store %arg11[%swap3A_791, %swap3A_792], %swap3A_795 {strides = array<i32>} : memref<8x256xf32, #tpu.memory_space<vmem>>, vector<1x16xf32>,
        %get3A_796 = arith.constant 112 : i32
        %get3A_797 = arith.index_cast %get3A_796 : i32 to index
        %get3A_798 = arith.index_cast %mul3A_50 : i32 to index
        %get3A_799 = tpu.vector_load %arg9[%get3A_797, %get3A_798] {strides = array<i32>} : memref<128x256xf32, #tpu.memory_space<vmem>>, vector<1x16xf32>,
        %get3A_800 = vector.shape_cast %get3A_799 : vector<1x16xf32> to vector<16xf32>
        %get3A_801 = arith.constant 113 : i32
        %get3A_802 = arith.index_cast %get3A_801 : i32 to index
        %get3A_803 = arith.index_cast %mul3A_50 : i32 to index
        %get3A_804 = tpu.vector_load %arg9[%get3A_802, %get3A_803] {strides = array<i32>} : memref<128x256xf32, #tpu.memory_space<vmem>>, vector<1x16xf32>,
        %get3A_805 = vector.shape_cast %get3A_804 : vector<1x16xf32> to vector<16xf32>
        %max3A_806 = arith.maximumf %get3A_800, %get3A_805 : vector<16xf32>
        %get3A_807 = arith.constant 114 : i32
        %get3A_808 = arith.index_cast %get3A_807 : i32 to index
        %get3A_809 = arith.index_cast %mul3A_50 : i32 to index
        %get3A_810 = tpu.vector_load %arg9[%get3A_808, %get3A_809] {strides = array<i32>} : memref<128x256xf32, #tpu.memory_space<vmem>>, vector<1x16xf32>,
        %get3A_811 = vector.shape_cast %get3A_810 : vector<1x16xf32> to vector<16xf32>
        %max3A_812 = arith.maximumf %max3A_806, %get3A_811 : vector<16xf32>
        %get3A_813 = arith.constant 115 : i32
        %get3A_814 = arith.index_cast %get3A_813 : i32 to index
        %get3A_815 = arith.index_cast %mul3A_50 : i32 to index
        %get3A_816 = tpu.vector_load %arg9[%get3A_814, %get3A_815] {strides = array<i32>} : memref<128x256xf32, #tpu.memory_space<vmem>>, vector<1x16xf32>,
        %get3A_817 = vector.shape_cast %get3A_816 : vector<1x16xf32> to vector<16xf32>
        %max3A_818 = arith.maximumf %max3A_812, %get3A_817 : vector<16xf32>
        %get3A_819 = arith.constant 116 : i32
        %get3A_820 = arith.index_cast %get3A_819 : i32 to index
        %get3A_821 = arith.index_cast %mul3A_50 : i32 to index
        %get3A_822 = tpu.vector_load %arg9[%get3A_820, %get3A_821] {strides = array<i32>} : memref<128x256xf32, #tpu.memory_space<vmem>>, vector<1x16xf32>,
        %get3A_823 = vector.shape_cast %get3A_822 : vector<1x16xf32> to vector<16xf32>
        %max3A_824 = arith.maximumf %max3A_818, %get3A_823 : vector<16xf32>
        %get3A_825 = arith.constant 117 : i32
        %get3A_826 = arith.index_cast %get3A_825 : i32 to index
        %get3A_827 = arith.index_cast %mul3A_50 : i32 to index
        %get3A_828 = tpu.vector_load %arg9[%get3A_826, %get3A_827] {strides = array<i32>} : memref<128x256xf32, #tpu.memory_space<vmem>>, vector<1x16xf32>,
        %get3A_829 = vector.shape_cast %get3A_828 : vector<1x16xf32> to vector<16xf32>
        %max3A_830 = arith.maximumf %max3A_824, %get3A_829 : vector<16xf32>
        %get3A_831 = arith.constant 118 : i32
        %get3A_832 = arith.index_cast %get3A_831 : i32 to index
        %get3A_833 = arith.index_cast %mul3A_50 : i32 to index
        %get3A_834 = tpu.vector_load %arg9[%get3A_832, %get3A_833] {strides = array<i32>} : memref<128x256xf32, #tpu.memory_space<vmem>>, vector<1x16xf32>,
        %get3A_835 = vector.shape_cast %get3A_834 : vector<1x16xf32> to vector<16xf32>
        %max3A_836 = arith.maximumf %max3A_830, %get3A_835 : vector<16xf32>
        %get3A_837 = arith.constant 119 : i32
        %get3A_838 = arith.index_cast %get3A_837 : i32 to index
        %get3A_839 = arith.index_cast %mul3A_50 : i32 to index
        %get3A_840 = tpu.vector_load %arg9[%get3A_838, %get3A_839] {strides = array<i32>} : memref<128x256xf32, #tpu.memory_space<vmem>>, vector<1x16xf32>,
        %get3A_841 = vector.shape_cast %get3A_840 : vector<1x16xf32> to vector<16xf32>
        %max3A_842 = arith.maximumf %max3A_836, %get3A_841 : vector<16xf32>
        %get3A_843 = arith.constant 120 : i32
        %get3A_844 = arith.index_cast %get3A_843 : i32 to index
        %get3A_845 = arith.index_cast %mul3A_50 : i32 to index
        %get3A_846 = tpu.vector_load %arg9[%get3A_844, %get3A_845] {strides = array<i32>} : memref<128x256xf32, #tpu.memory_space<vmem>>, vector<1x16xf32>,
        %get3A_847 = vector.shape_cast %get3A_846 : vector<1x16xf32> to vector<16xf32>
        %max3A_848 = arith.maximumf %max3A_842, %get3A_847 : vector<16xf32>
        %get3A_849 = arith.constant 121 : i32
        %get3A_850 = arith.index_cast %get3A_849 : i32 to index
        %get3A_851 = arith.index_cast %mul3A_50 : i32 to index
        %get3A_852 = tpu.vector_load %arg9[%get3A_850, %get3A_851] {strides = array<i32>} : memref<128x256xf32, #tpu.memory_space<vmem>>, vector<1x16xf32>,
        %get3A_853 = vector.shape_cast %get3A_852 : vector<1x16xf32> to vector<16xf32>
        %max3A_854 = arith.maximumf %max3A_848, %get3A_853 : vector<16xf32>
        %get3A_855 = arith.constant 122 : i32
        %get3A_856 = arith.index_cast %get3A_855 : i32 to index
        %get3A_857 = arith.index_cast %mul3A_50 : i32 to index
        %get3A_858 = tpu.vector_load %arg9[%get3A_856, %get3A_857] {strides = array<i32>} : memref<128x256xf32, #tpu.memory_space<vmem>>, vector<1x16xf32>,
        %get3A_859 = vector.shape_cast %get3A_858 : vector<1x16xf32> to vector<16xf32>
        %max3A_860 = arith.maximumf %max3A_854, %get3A_859 : vector<16xf32>
        %get3A_861 = arith.constant 123 : i32
        %get3A_862 = arith.index_cast %get3A_861 : i32 to index
        %get3A_863 = arith.index_cast %mul3A_50 : i32 to index
        %get3A_864 = tpu.vector_load %arg9[%get3A_862, %get3A_863] {strides = array<i32>} : memref<128x256xf32, #tpu.memory_space<vmem>>, vector<1x16xf32>,
        %get3A_865 = vector.shape_cast %get3A_864 : vector<1x16xf32> to vector<16xf32>
        %max3A_866 = arith.maximumf %max3A_860, %get3A_865 : vector<16xf32>
        %get3A_867 = arith.constant 124 : i32
        %get3A_868 = arith.index_cast %get3A_867 : i32 to index
        %get3A_869 = arith.index_cast %mul3A_50 : i32 to index
        %get3A_870 = tpu.vector_load %arg9[%get3A_868, %get3A_869] {strides = array<i32>} : memref<128x256xf32, #tpu.memory_space<vmem>>, vector<1x16xf32>,
        %get3A_871 = vector.shape_cast %get3A_870 : vector<1x16xf32> to vector<16xf32>
        %max3A_872 = arith.maximumf %max3A_866, %get3A_871 : vector<16xf32>
        %get3A_873 = arith.constant 125 : i32
        %get3A_874 = arith.index_cast %get3A_873 : i32 to index
        %get3A_875 = arith.index_cast %mul3A_50 : i32 to index
        %get3A_876 = tpu.vector_load %arg9[%get3A_874, %get3A_875] {strides = array<i32>} : memref<128x256xf32, #tpu.memory_space<vmem>>, vector<1x16xf32>,
        %get3A_877 = vector.shape_cast %get3A_876 : vector<1x16xf32> to vector<16xf32>
        %max3A_878 = arith.maximumf %max3A_872, %get3A_877 : vector<16xf32>
        %get3A_879 = arith.constant 126 : i32
        %get3A_880 = arith.index_cast %get3A_879 : i32 to index
        %get3A_881 = arith.index_cast %mul3A_50 : i32 to index
        %get3A_882 = tpu.vector_load %arg9[%get3A_880, %get3A_881] {strides = array<i32>} : memref<128x256xf32, #tpu.memory_space<vmem>>, vector<1x16xf32>,
        %get3A_883 = vector.shape_cast %get3A_882 : vector<1x16xf32> to vector<16xf32>
        %max3A_884 = arith.maximumf %max3A_878, %get3A_883 : vector<16xf32>
        %get3A_885 = arith.constant 127 : i32
        %get3A_886 = arith.index_cast %get3A_885 : i32 to index
        %get3A_887 = arith.index_cast %mul3A_50 : i32 to index
        %get3A_888 = tpu.vector_load %arg9[%get3A_886, %get3A_887] {strides = array<i32>} : memref<128x256xf32, #tpu.memory_space<vmem>>, vector<1x16xf32>,
        %get3A_889 = vector.shape_cast %get3A_888 : vector<1x16xf32> to vector<16xf32>
        %max3A_890 = arith.maximumf %max3A_884, %get3A_889 : vector<16xf32>
        %mul3A_891 = arith.mulf %max3A_890, %get3A_52 : vector<16xf32>
        %add3A_892 = arith.addf %mul3A_891, %get3A_55 : vector<16xf32>
        %max3A_893 = arith.constant 0.000000e+00 : f32
        %max3A_894 = vector.broadcast %max3A_893 : f32 to vector<16xf32>
        %max3A_895 = arith.maximumf %add3A_892, %max3A_894 : vector<16xf32>
        %swap3A_896 = arith.constant 7 : i32
        %swap3A_897 = arith.index_cast %swap3A_896 : i32 to index
        %swap3A_898 = arith.index_cast %mul3A_50 : i32 to index
        %swap3A_899 = tpu.vector_load %arg11[%swap3A_897, %swap3A_898] {strides = array<i32>} : memref<8x256xf32, #tpu.memory_space<vmem>>, vector<1x16xf32>,
        %swap3A_900 = vector.shape_cast %swap3A_899 : vector<1x16xf32> to vector<16xf32>
        %swap3A_901 = vector.shape_cast %max3A_895 : vector<16xf32> to vector<1x16xf32>
        tpu.vector_store %arg11[%swap3A_897, %swap3A_898], %swap3A_901 {strides = array<i32>} : memref<8x256xf32, #tpu.memory_space<vmem>>, vector<1x16xf32>,
        %scan3A_902 = arith.constant 0 : i32
        scf.yield %scan3A_902 : i32
      }
      %scan3A_35 = arith.constant 16 : i32
      "tpu.region"() ({
        %run_scoped3A = tpu.sem_alloc : memref<!tpu.dma_semaphore, #tpu.memory_space<semaphore_mem>>
        %dma_start3A_47 = arith.constant 0 : i32
        %dma_start3A_48 = tpu.memref_slice %arg6[%add3A_15, %dma_start3A_47] : memref<8192x256xf32, #tpu.memory_space<hbm>> -> memref<8x256xf32, #tpu.memory_space<hbm>>
        %dma_start3A_49 = arith.constant 0 : i32
        %dma_start3A_50 = tpu.memref_slice %arg6[%add3A_15, %dma_start3A_49] : memref<8192x256xf32, #tpu.memory_space<hbm>> -> memref<8x256xf32, #tpu.memory_space<hbm>>
        tpu.enqueue_dma source(%arg11 : memref<8x256xf32, #tpu.memory_space<vmem>>) target(%dma_start3A_50 : memref<8x256xf32, #tpu.memory_space<hbm>>) target_semaphore(%run_scoped3A : memref<!tpu.dma_semaphore, #tpu.memory_space<semaphore_mem>>)
        %dma_wait3A_51 = arith.constant 0 : i32
        %dma_wait3A_52 = tpu.memref_slice %arg6[%add3A_15, %dma_wait3A_51] : memref<8192x256xf32, #tpu.memory_space<hbm>> -> memref<8x256xf32, #tpu.memory_space<hbm>>
        %dma_wait3A_53 = arith.constant 0 : i32
        %dma_wait3A_54 = tpu.memref_slice %arg6[%add3A_15, %dma_wait3A_53] : memref<8192x256xf32, #tpu.memory_space<hbm>> -> memref<8x256xf32, #tpu.memory_space<hbm>>
        tpu.wait_dma2 semaphore(%run_scoped3A : memref<!tpu.dma_semaphore, #tpu.memory_space<semaphore_mem>>) src(%arg11 : memref<8x256xf32, #tpu.memory_space<vmem>>) dst(%dma_wait3A_54 : memref<8x256xf32, #tpu.memory_space<hbm>>)
        tpu.yield
      }) : () -> ()
      %dma_wait3A_36 = arith.constant 0 : i32
      %dma_wait3A_37 = arith.constant 0 : i32
      %dma_wait3A_38 = tpu.memref_slice %arg2[%dma_wait3A_36, %dma_wait3A_37] : memref<32768x256xf32, #tpu.memory_space<hbm>> -> memref<32768x256xf32, #tpu.memory_space<hbm>>
      tpu.wait_indirect_dma semaphore(%arg15 : memref<!tpu.dma_semaphore, #tpu.memory_space<semaphore_mem>>) src(%dma_wait3A_38 : memref<32768x256xf32, #tpu.memory_space<hbm>>) dst(%arg10 : memref<128x256xf32, #tpu.memory_space<vmem>>)
      %scan3A_39 = arith.constant 0 : i32
      %scan3A_40 = arith.constant 0 : i32
      %scan3A_41 = arith.constant 16 : i32
      %scan3A_42 = arith.addi %scan3A_40, %scan3A_41 : i32
      %scan3A_43 = arith.constant 1 : i32
      %scan3A_44 = scf.for %scan3A_47 = %scan3A_40 to %scan3A_42 step %scan3A_43 iter_args(%scan3A_48 = %scan3A_39) -> (i32)  : i32 {
        %mul3A_49 = arith.constant 16 : i32
        %mul3A_50 = arith.muli %scan3A_47, %mul3A_49 : i32
        %get3A = arith.index_cast %mul3A_50 : i32 to index
        %get3A_51 = tpu.vector_load %arg12[%get3A] {strides = array<i32>} : memref<256xf32, #tpu.memory_space<vmem>>, vector<16xf32>,
        %get3A_52 = vector.shape_cast %get3A_51 : vector<16xf32> to vector<16xf32>
        %get3A_53 = arith.index_cast %mul3A_50 : i32 to index
        %get3A_54 = tpu.vector_load %arg13[%get3A_53] {strides = array<i32>} : memref<256xf32, #tpu.memory_space<vmem>>, vector<16xf32>,
        %get3A_55 = vector.shape_cast %get3A_54 : vector<16xf32> to vector<16xf32>
        %get3A_56 = arith.constant 0 : i32
        %get3A_57 = arith.index_cast %get3A_56 : i32 to index
        %get3A_58 = arith.index_cast %mul3A_50 : i32 to index
        %get3A_59 = tpu.vector_load %arg10[%get3A_57, %get3A_58] {strides = array<i32>} : memref<128x256xf32, #tpu.memory_space<vmem>>, vector<1x16xf32>,
        %get3A_60 = vector.shape_cast %get3A_59 : vector<1x16xf32> to vector<16xf32>
        %get3A_61 = arith.constant 1 : i32
        %get3A_62 = arith.index_cast %get3A_61 : i32 to index
        %get3A_63 = arith.index_cast %mul3A_50 : i32 to index
        %get3A_64 = tpu.vector_load %arg10[%get3A_62, %get3A_63] {strides = array<i32>} : memref<128x256xf32, #tpu.memory_space<vmem>>, vector<1x16xf32>,
        %get3A_65 = vector.shape_cast %get3A_64 : vector<1x16xf32> to vector<16xf32>
        %max3A = arith.maximumf %get3A_60, %get3A_65 : vector<16xf32>
        %get3A_66 = arith.constant 2 : i32
        %get3A_67 = arith.index_cast %get3A_66 : i32 to index
        %get3A_68 = arith.index_cast %mul3A_50 : i32 to index
        %get3A_69 = tpu.vector_load %arg10[%get3A_67, %get3A_68] {strides = array<i32>} : memref<128x256xf32, #tpu.memory_space<vmem>>, vector<1x16xf32>,
        %get3A_70 = vector.shape_cast %get3A_69 : vector<1x16xf32> to vector<16xf32>
        %max3A_71 = arith.maximumf %max3A, %get3A_70 : vector<16xf32>
        %get3A_72 = arith.constant 3 : i32
        %get3A_73 = arith.index_cast %get3A_72 : i32 to index
        %get3A_74 = arith.index_cast %mul3A_50 : i32 to index
        %get3A_75 = tpu.vector_load %arg10[%get3A_73, %get3A_74] {strides = array<i32>} : memref<128x256xf32, #tpu.memory_space<vmem>>, vector<1x16xf32>,
        %get3A_76 = vector.shape_cast %get3A_75 : vector<1x16xf32> to vector<16xf32>
        %max3A_77 = arith.maximumf %max3A_71, %get3A_76 : vector<16xf32>
        %get3A_78 = arith.constant 4 : i32
        %get3A_79 = arith.index_cast %get3A_78 : i32 to index
        %get3A_80 = arith.index_cast %mul3A_50 : i32 to index
        %get3A_81 = tpu.vector_load %arg10[%get3A_79, %get3A_80] {strides = array<i32>} : memref<128x256xf32, #tpu.memory_space<vmem>>, vector<1x16xf32>,
        %get3A_82 = vector.shape_cast %get3A_81 : vector<1x16xf32> to vector<16xf32>
        %max3A_83 = arith.maximumf %max3A_77, %get3A_82 : vector<16xf32>
        %get3A_84 = arith.constant 5 : i32
        %get3A_85 = arith.index_cast %get3A_84 : i32 to index
        %get3A_86 = arith.index_cast %mul3A_50 : i32 to index
        %get3A_87 = tpu.vector_load %arg10[%get3A_85, %get3A_86] {strides = array<i32>} : memref<128x256xf32, #tpu.memory_space<vmem>>, vector<1x16xf32>,
        %get3A_88 = vector.shape_cast %get3A_87 : vector<1x16xf32> to vector<16xf32>
        %max3A_89 = arith.maximumf %max3A_83, %get3A_88 : vector<16xf32>
        %get3A_90 = arith.constant 6 : i32
        %get3A_91 = arith.index_cast %get3A_90 : i32 to index
        %get3A_92 = arith.index_cast %mul3A_50 : i32 to index
        %get3A_93 = tpu.vector_load %arg10[%get3A_91, %get3A_92] {strides = array<i32>} : memref<128x256xf32, #tpu.memory_space<vmem>>, vector<1x16xf32>,
        %get3A_94 = vector.shape_cast %get3A_93 : vector<1x16xf32> to vector<16xf32>
        %max3A_95 = arith.maximumf %max3A_89, %get3A_94 : vector<16xf32>
        %get3A_96 = arith.constant 7 : i32
        %get3A_97 = arith.index_cast %get3A_96 : i32 to index
        %get3A_98 = arith.index_cast %mul3A_50 : i32 to index
        %get3A_99 = tpu.vector_load %arg10[%get3A_97, %get3A_98] {strides = array<i32>} : memref<128x256xf32, #tpu.memory_space<vmem>>, vector<1x16xf32>,
        %get3A_100 = vector.shape_cast %get3A_99 : vector<1x16xf32> to vector<16xf32>
        %max3A_101 = arith.maximumf %max3A_95, %get3A_100 : vector<16xf32>
        %get3A_102 = arith.constant 8 : i32
        %get3A_103 = arith.index_cast %get3A_102 : i32 to index
        %get3A_104 = arith.index_cast %mul3A_50 : i32 to index
        %get3A_105 = tpu.vector_load %arg10[%get3A_103, %get3A_104] {strides = array<i32>} : memref<128x256xf32, #tpu.memory_space<vmem>>, vector<1x16xf32>,
        %get3A_106 = vector.shape_cast %get3A_105 : vector<1x16xf32> to vector<16xf32>
        %max3A_107 = arith.maximumf %max3A_101, %get3A_106 : vector<16xf32>
        %get3A_108 = arith.constant 9 : i32
        %get3A_109 = arith.index_cast %get3A_108 : i32 to index
        %get3A_110 = arith.index_cast %mul3A_50 : i32 to index
        %get3A_111 = tpu.vector_load %arg10[%get3A_109, %get3A_110] {strides = array<i32>} : memref<128x256xf32, #tpu.memory_space<vmem>>, vector<1x16xf32>,
        %get3A_112 = vector.shape_cast %get3A_111 : vector<1x16xf32> to vector<16xf32>
        %max3A_113 = arith.maximumf %max3A_107, %get3A_112 : vector<16xf32>
        %get3A_114 = arith.constant 10 : i32
        %get3A_115 = arith.index_cast %get3A_114 : i32 to index
        %get3A_116 = arith.index_cast %mul3A_50 : i32 to index
        %get3A_117 = tpu.vector_load %arg10[%get3A_115, %get3A_116] {strides = array<i32>} : memref<128x256xf32, #tpu.memory_space<vmem>>, vector<1x16xf32>,
        %get3A_118 = vector.shape_cast %get3A_117 : vector<1x16xf32> to vector<16xf32>
        %max3A_119 = arith.maximumf %max3A_113, %get3A_118 : vector<16xf32>
        %get3A_120 = arith.constant 11 : i32
        %get3A_121 = arith.index_cast %get3A_120 : i32 to index
        %get3A_122 = arith.index_cast %mul3A_50 : i32 to index
        %get3A_123 = tpu.vector_load %arg10[%get3A_121, %get3A_122] {strides = array<i32>} : memref<128x256xf32, #tpu.memory_space<vmem>>, vector<1x16xf32>,
        %get3A_124 = vector.shape_cast %get3A_123 : vector<1x16xf32> to vector<16xf32>
        %max3A_125 = arith.maximumf %max3A_119, %get3A_124 : vector<16xf32>
        %get3A_126 = arith.constant 12 : i32
        %get3A_127 = arith.index_cast %get3A_126 : i32 to index
        %get3A_128 = arith.index_cast %mul3A_50 : i32 to index
        %get3A_129 = tpu.vector_load %arg10[%get3A_127, %get3A_128] {strides = array<i32>} : memref<128x256xf32, #tpu.memory_space<vmem>>, vector<1x16xf32>,
        %get3A_130 = vector.shape_cast %get3A_129 : vector<1x16xf32> to vector<16xf32>
        %max3A_131 = arith.maximumf %max3A_125, %get3A_130 : vector<16xf32>
        %get3A_132 = arith.constant 13 : i32
        %get3A_133 = arith.index_cast %get3A_132 : i32 to index
        %get3A_134 = arith.index_cast %mul3A_50 : i32 to index
        %get3A_135 = tpu.vector_load %arg10[%get3A_133, %get3A_134] {strides = array<i32>} : memref<128x256xf32, #tpu.memory_space<vmem>>, vector<1x16xf32>,
        %get3A_136 = vector.shape_cast %get3A_135 : vector<1x16xf32> to vector<16xf32>
        %max3A_137 = arith.maximumf %max3A_131, %get3A_136 : vector<16xf32>
        %get3A_138 = arith.constant 14 : i32
        %get3A_139 = arith.index_cast %get3A_138 : i32 to index
        %get3A_140 = arith.index_cast %mul3A_50 : i32 to index
        %get3A_141 = tpu.vector_load %arg10[%get3A_139, %get3A_140] {strides = array<i32>} : memref<128x256xf32, #tpu.memory_space<vmem>>, vector<1x16xf32>,
        %get3A_142 = vector.shape_cast %get3A_141 : vector<1x16xf32> to vector<16xf32>
        %max3A_143 = arith.maximumf %max3A_137, %get3A_142 : vector<16xf32>
        %get3A_144 = arith.constant 15 : i32
        %get3A_145 = arith.index_cast %get3A_144 : i32 to index
        %get3A_146 = arith.index_cast %mul3A_50 : i32 to index
        %get3A_147 = tpu.vector_load %arg10[%get3A_145, %get3A_146] {strides = array<i32>} : memref<128x256xf32, #tpu.memory_space<vmem>>, vector<1x16xf32>,
        %get3A_148 = vector.shape_cast %get3A_147 : vector<1x16xf32> to vector<16xf32>
        %max3A_149 = arith.maximumf %max3A_143, %get3A_148 : vector<16xf32>
        %mul3A_150 = arith.mulf %max3A_149, %get3A_52 : vector<16xf32>
        %add3A_151 = arith.addf %mul3A_150, %get3A_55 : vector<16xf32>
        %max3A_152 = arith.constant 0.000000e+00 : f32
        %max3A_153 = vector.broadcast %max3A_152 : f32 to vector<16xf32>
        %max3A_154 = arith.maximumf %add3A_151, %max3A_153 : vector<16xf32>
        %swap3A = arith.constant 0 : i32
        %swap3A_155 = arith.index_cast %swap3A : i32 to index
        %swap3A_156 = arith.index_cast %mul3A_50 : i32 to index
        %swap3A_157 = tpu.vector_load %arg11[%swap3A_155, %swap3A_156] {strides = array<i32>} : memref<8x256xf32, #tpu.memory_space<vmem>>, vector<1x16xf32>,
        %swap3A_158 = vector.shape_cast %swap3A_157 : vector<1x16xf32> to vector<16xf32>
        %swap3A_159 = vector.shape_cast %max3A_154 : vector<16xf32> to vector<1x16xf32>
        tpu.vector_store %arg11[%swap3A_155, %swap3A_156], %swap3A_159 {strides = array<i32>} : memref<8x256xf32, #tpu.memory_space<vmem>>, vector<1x16xf32>,
        %get3A_160 = arith.constant 16 : i32
        %get3A_161 = arith.index_cast %get3A_160 : i32 to index
        %get3A_162 = arith.index_cast %mul3A_50 : i32 to index
        %get3A_163 = tpu.vector_load %arg10[%get3A_161, %get3A_162] {strides = array<i32>} : memref<128x256xf32, #tpu.memory_space<vmem>>, vector<1x16xf32>,
        %get3A_164 = vector.shape_cast %get3A_163 : vector<1x16xf32> to vector<16xf32>
        %get3A_165 = arith.constant 17 : i32
        %get3A_166 = arith.index_cast %get3A_165 : i32 to index
        %get3A_167 = arith.index_cast %mul3A_50 : i32 to index
        %get3A_168 = tpu.vector_load %arg10[%get3A_166, %get3A_167] {strides = array<i32>} : memref<128x256xf32, #tpu.memory_space<vmem>>, vector<1x16xf32>,
        %get3A_169 = vector.shape_cast %get3A_168 : vector<1x16xf32> to vector<16xf32>
        %max3A_170 = arith.maximumf %get3A_164, %get3A_169 : vector<16xf32>
        %get3A_171 = arith.constant 18 : i32
        %get3A_172 = arith.index_cast %get3A_171 : i32 to index
        %get3A_173 = arith.index_cast %mul3A_50 : i32 to index
        %get3A_174 = tpu.vector_load %arg10[%get3A_172, %get3A_173] {strides = array<i32>} : memref<128x256xf32, #tpu.memory_space<vmem>>, vector<1x16xf32>,
        %get3A_175 = vector.shape_cast %get3A_174 : vector<1x16xf32> to vector<16xf32>
        %max3A_176 = arith.maximumf %max3A_170, %get3A_175 : vector<16xf32>
        %get3A_177 = arith.constant 19 : i32
        %get3A_178 = arith.index_cast %get3A_177 : i32 to index
        %get3A_179 = arith.index_cast %mul3A_50 : i32 to index
        %get3A_180 = tpu.vector_load %arg10[%get3A_178, %get3A_179] {strides = array<i32>} : memref<128x256xf32, #tpu.memory_space<vmem>>, vector<1x16xf32>,
        %get3A_181 = vector.shape_cast %get3A_180 : vector<1x16xf32> to vector<16xf32>
        %max3A_182 = arith.maximumf %max3A_176, %get3A_181 : vector<16xf32>
        %get3A_183 = arith.constant 20 : i32
        %get3A_184 = arith.index_cast %get3A_183 : i32 to index
        %get3A_185 = arith.index_cast %mul3A_50 : i32 to index
        %get3A_186 = tpu.vector_load %arg10[%get3A_184, %get3A_185] {strides = array<i32>} : memref<128x256xf32, #tpu.memory_space<vmem>>, vector<1x16xf32>,
        %get3A_187 = vector.shape_cast %get3A_186 : vector<1x16xf32> to vector<16xf32>
        %max3A_188 = arith.maximumf %max3A_182, %get3A_187 : vector<16xf32>
        %get3A_189 = arith.constant 21 : i32
        %get3A_190 = arith.index_cast %get3A_189 : i32 to index
        %get3A_191 = arith.index_cast %mul3A_50 : i32 to index
        %get3A_192 = tpu.vector_load %arg10[%get3A_190, %get3A_191] {strides = array<i32>} : memref<128x256xf32, #tpu.memory_space<vmem>>, vector<1x16xf32>,
        %get3A_193 = vector.shape_cast %get3A_192 : vector<1x16xf32> to vector<16xf32>
        %max3A_194 = arith.maximumf %max3A_188, %get3A_193 : vector<16xf32>
        %get3A_195 = arith.constant 22 : i32
        %get3A_196 = arith.index_cast %get3A_195 : i32 to index
        %get3A_197 = arith.index_cast %mul3A_50 : i32 to index
        %get3A_198 = tpu.vector_load %arg10[%get3A_196, %get3A_197] {strides = array<i32>} : memref<128x256xf32, #tpu.memory_space<vmem>>, vector<1x16xf32>,
        %get3A_199 = vector.shape_cast %get3A_198 : vector<1x16xf32> to vector<16xf32>
        %max3A_200 = arith.maximumf %max3A_194, %get3A_199 : vector<16xf32>
        %get3A_201 = arith.constant 23 : i32
        %get3A_202 = arith.index_cast %get3A_201 : i32 to index
        %get3A_203 = arith.index_cast %mul3A_50 : i32 to index
        %get3A_204 = tpu.vector_load %arg10[%get3A_202, %get3A_203] {strides = array<i32>} : memref<128x256xf32, #tpu.memory_space<vmem>>, vector<1x16xf32>,
        %get3A_205 = vector.shape_cast %get3A_204 : vector<1x16xf32> to vector<16xf32>
        %max3A_206 = arith.maximumf %max3A_200, %get3A_205 : vector<16xf32>
        %get3A_207 = arith.constant 24 : i32
        %get3A_208 = arith.index_cast %get3A_207 : i32 to index
        %get3A_209 = arith.index_cast %mul3A_50 : i32 to index
        %get3A_210 = tpu.vector_load %arg10[%get3A_208, %get3A_209] {strides = array<i32>} : memref<128x256xf32, #tpu.memory_space<vmem>>, vector<1x16xf32>,
        %get3A_211 = vector.shape_cast %get3A_210 : vector<1x16xf32> to vector<16xf32>
        %max3A_212 = arith.maximumf %max3A_206, %get3A_211 : vector<16xf32>
        %get3A_213 = arith.constant 25 : i32
        %get3A_214 = arith.index_cast %get3A_213 : i32 to index
        %get3A_215 = arith.index_cast %mul3A_50 : i32 to index
        %get3A_216 = tpu.vector_load %arg10[%get3A_214, %get3A_215] {strides = array<i32>} : memref<128x256xf32, #tpu.memory_space<vmem>>, vector<1x16xf32>,
        %get3A_217 = vector.shape_cast %get3A_216 : vector<1x16xf32> to vector<16xf32>
        %max3A_218 = arith.maximumf %max3A_212, %get3A_217 : vector<16xf32>
        %get3A_219 = arith.constant 26 : i32
        %get3A_220 = arith.index_cast %get3A_219 : i32 to index
        %get3A_221 = arith.index_cast %mul3A_50 : i32 to index
        %get3A_222 = tpu.vector_load %arg10[%get3A_220, %get3A_221] {strides = array<i32>} : memref<128x256xf32, #tpu.memory_space<vmem>>, vector<1x16xf32>,
        %get3A_223 = vector.shape_cast %get3A_222 : vector<1x16xf32> to vector<16xf32>
        %max3A_224 = arith.maximumf %max3A_218, %get3A_223 : vector<16xf32>
        %get3A_225 = arith.constant 27 : i32
        %get3A_226 = arith.index_cast %get3A_225 : i32 to index
        %get3A_227 = arith.index_cast %mul3A_50 : i32 to index
        %get3A_228 = tpu.vector_load %arg10[%get3A_226, %get3A_227] {strides = array<i32>} : memref<128x256xf32, #tpu.memory_space<vmem>>, vector<1x16xf32>,
        %get3A_229 = vector.shape_cast %get3A_228 : vector<1x16xf32> to vector<16xf32>
        %max3A_230 = arith.maximumf %max3A_224, %get3A_229 : vector<16xf32>
        %get3A_231 = arith.constant 28 : i32
        %get3A_232 = arith.index_cast %get3A_231 : i32 to index
        %get3A_233 = arith.index_cast %mul3A_50 : i32 to index
        %get3A_234 = tpu.vector_load %arg10[%get3A_232, %get3A_233] {strides = array<i32>} : memref<128x256xf32, #tpu.memory_space<vmem>>, vector<1x16xf32>,
        %get3A_235 = vector.shape_cast %get3A_234 : vector<1x16xf32> to vector<16xf32>
        %max3A_236 = arith.maximumf %max3A_230, %get3A_235 : vector<16xf32>
        %get3A_237 = arith.constant 29 : i32
        %get3A_238 = arith.index_cast %get3A_237 : i32 to index
        %get3A_239 = arith.index_cast %mul3A_50 : i32 to index
        %get3A_240 = tpu.vector_load %arg10[%get3A_238, %get3A_239] {strides = array<i32>} : memref<128x256xf32, #tpu.memory_space<vmem>>, vector<1x16xf32>,
        %get3A_241 = vector.shape_cast %get3A_240 : vector<1x16xf32> to vector<16xf32>
        %max3A_242 = arith.maximumf %max3A_236, %get3A_241 : vector<16xf32>
        %get3A_243 = arith.constant 30 : i32
        %get3A_244 = arith.index_cast %get3A_243 : i32 to index
        %get3A_245 = arith.index_cast %mul3A_50 : i32 to index
        %get3A_246 = tpu.vector_load %arg10[%get3A_244, %get3A_245] {strides = array<i32>} : memref<128x256xf32, #tpu.memory_space<vmem>>, vector<1x16xf32>,
        %get3A_247 = vector.shape_cast %get3A_246 : vector<1x16xf32> to vector<16xf32>
        %max3A_248 = arith.maximumf %max3A_242, %get3A_247 : vector<16xf32>
        %get3A_249 = arith.constant 31 : i32
        %get3A_250 = arith.index_cast %get3A_249 : i32 to index
        %get3A_251 = arith.index_cast %mul3A_50 : i32 to index
        %get3A_252 = tpu.vector_load %arg10[%get3A_250, %get3A_251] {strides = array<i32>} : memref<128x256xf32, #tpu.memory_space<vmem>>, vector<1x16xf32>,
        %get3A_253 = vector.shape_cast %get3A_252 : vector<1x16xf32> to vector<16xf32>
        %max3A_254 = arith.maximumf %max3A_248, %get3A_253 : vector<16xf32>
        %mul3A_255 = arith.mulf %max3A_254, %get3A_52 : vector<16xf32>
        %add3A_256 = arith.addf %mul3A_255, %get3A_55 : vector<16xf32>
        %max3A_257 = arith.constant 0.000000e+00 : f32
        %max3A_258 = vector.broadcast %max3A_257 : f32 to vector<16xf32>
        %max3A_259 = arith.maximumf %add3A_256, %max3A_258 : vector<16xf32>
        %swap3A_260 = arith.constant 1 : i32
        %swap3A_261 = arith.index_cast %swap3A_260 : i32 to index
        %swap3A_262 = arith.index_cast %mul3A_50 : i32 to index
        %swap3A_263 = tpu.vector_load %arg11[%swap3A_261, %swap3A_262] {strides = array<i32>} : memref<8x256xf32, #tpu.memory_space<vmem>>, vector<1x16xf32>,
        %swap3A_264 = vector.shape_cast %swap3A_263 : vector<1x16xf32> to vector<16xf32>
        %swap3A_265 = vector.shape_cast %max3A_259 : vector<16xf32> to vector<1x16xf32>
        tpu.vector_store %arg11[%swap3A_261, %swap3A_262], %swap3A_265 {strides = array<i32>} : memref<8x256xf32, #tpu.memory_space<vmem>>, vector<1x16xf32>,
        %get3A_266 = arith.constant 32 : i32
        %get3A_267 = arith.index_cast %get3A_266 : i32 to index
        %get3A_268 = arith.index_cast %mul3A_50 : i32 to index
        %get3A_269 = tpu.vector_load %arg10[%get3A_267, %get3A_268] {strides = array<i32>} : memref<128x256xf32, #tpu.memory_space<vmem>>, vector<1x16xf32>,
        %get3A_270 = vector.shape_cast %get3A_269 : vector<1x16xf32> to vector<16xf32>
        %get3A_271 = arith.constant 33 : i32
        %get3A_272 = arith.index_cast %get3A_271 : i32 to index
        %get3A_273 = arith.index_cast %mul3A_50 : i32 to index
        %get3A_274 = tpu.vector_load %arg10[%get3A_272, %get3A_273] {strides = array<i32>} : memref<128x256xf32, #tpu.memory_space<vmem>>, vector<1x16xf32>,
        %get3A_275 = vector.shape_cast %get3A_274 : vector<1x16xf32> to vector<16xf32>
        %max3A_276 = arith.maximumf %get3A_270, %get3A_275 : vector<16xf32>
        %get3A_277 = arith.constant 34 : i32
        %get3A_278 = arith.index_cast %get3A_277 : i32 to index
        %get3A_279 = arith.index_cast %mul3A_50 : i32 to index
        %get3A_280 = tpu.vector_load %arg10[%get3A_278, %get3A_279] {strides = array<i32>} : memref<128x256xf32, #tpu.memory_space<vmem>>, vector<1x16xf32>,
        %get3A_281 = vector.shape_cast %get3A_280 : vector<1x16xf32> to vector<16xf32>
        %max3A_282 = arith.maximumf %max3A_276, %get3A_281 : vector<16xf32>
        %get3A_283 = arith.constant 35 : i32
        %get3A_284 = arith.index_cast %get3A_283 : i32 to index
        %get3A_285 = arith.index_cast %mul3A_50 : i32 to index
        %get3A_286 = tpu.vector_load %arg10[%get3A_284, %get3A_285] {strides = array<i32>} : memref<128x256xf32, #tpu.memory_space<vmem>>, vector<1x16xf32>,
        %get3A_287 = vector.shape_cast %get3A_286 : vector<1x16xf32> to vector<16xf32>
        %max3A_288 = arith.maximumf %max3A_282, %get3A_287 : vector<16xf32>
        %get3A_289 = arith.constant 36 : i32
        %get3A_290 = arith.index_cast %get3A_289 : i32 to index
        %get3A_291 = arith.index_cast %mul3A_50 : i32 to index
        %get3A_292 = tpu.vector_load %arg10[%get3A_290, %get3A_291] {strides = array<i32>} : memref<128x256xf32, #tpu.memory_space<vmem>>, vector<1x16xf32>,
        %get3A_293 = vector.shape_cast %get3A_292 : vector<1x16xf32> to vector<16xf32>
        %max3A_294 = arith.maximumf %max3A_288, %get3A_293 : vector<16xf32>
        %get3A_295 = arith.constant 37 : i32
        %get3A_296 = arith.index_cast %get3A_295 : i32 to index
        %get3A_297 = arith.index_cast %mul3A_50 : i32 to index
        %get3A_298 = tpu.vector_load %arg10[%get3A_296, %get3A_297] {strides = array<i32>} : memref<128x256xf32, #tpu.memory_space<vmem>>, vector<1x16xf32>,
        %get3A_299 = vector.shape_cast %get3A_298 : vector<1x16xf32> to vector<16xf32>
        %max3A_300 = arith.maximumf %max3A_294, %get3A_299 : vector<16xf32>
        %get3A_301 = arith.constant 38 : i32
        %get3A_302 = arith.index_cast %get3A_301 : i32 to index
        %get3A_303 = arith.index_cast %mul3A_50 : i32 to index
        %get3A_304 = tpu.vector_load %arg10[%get3A_302, %get3A_303] {strides = array<i32>} : memref<128x256xf32, #tpu.memory_space<vmem>>, vector<1x16xf32>,
        %get3A_305 = vector.shape_cast %get3A_304 : vector<1x16xf32> to vector<16xf32>
        %max3A_306 = arith.maximumf %max3A_300, %get3A_305 : vector<16xf32>
        %get3A_307 = arith.constant 39 : i32
        %get3A_308 = arith.index_cast %get3A_307 : i32 to index
        %get3A_309 = arith.index_cast %mul3A_50 : i32 to index
        %get3A_310 = tpu.vector_load %arg10[%get3A_308, %get3A_309] {strides = array<i32>} : memref<128x256xf32, #tpu.memory_space<vmem>>, vector<1x16xf32>,
        %get3A_311 = vector.shape_cast %get3A_310 : vector<1x16xf32> to vector<16xf32>
        %max3A_312 = arith.maximumf %max3A_306, %get3A_311 : vector<16xf32>
        %get3A_313 = arith.constant 40 : i32
        %get3A_314 = arith.index_cast %get3A_313 : i32 to index
        %get3A_315 = arith.index_cast %mul3A_50 : i32 to index
        %get3A_316 = tpu.vector_load %arg10[%get3A_314, %get3A_315] {strides = array<i32>} : memref<128x256xf32, #tpu.memory_space<vmem>>, vector<1x16xf32>,
        %get3A_317 = vector.shape_cast %get3A_316 : vector<1x16xf32> to vector<16xf32>
        %max3A_318 = arith.maximumf %max3A_312, %get3A_317 : vector<16xf32>
        %get3A_319 = arith.constant 41 : i32
        %get3A_320 = arith.index_cast %get3A_319 : i32 to index
        %get3A_321 = arith.index_cast %mul3A_50 : i32 to index
        %get3A_322 = tpu.vector_load %arg10[%get3A_320, %get3A_321] {strides = array<i32>} : memref<128x256xf32, #tpu.memory_space<vmem>>, vector<1x16xf32>,
        %get3A_323 = vector.shape_cast %get3A_322 : vector<1x16xf32> to vector<16xf32>
        %max3A_324 = arith.maximumf %max3A_318, %get3A_323 : vector<16xf32>
        %get3A_325 = arith.constant 42 : i32
        %get3A_326 = arith.index_cast %get3A_325 : i32 to index
        %get3A_327 = arith.index_cast %mul3A_50 : i32 to index
        %get3A_328 = tpu.vector_load %arg10[%get3A_326, %get3A_327] {strides = array<i32>} : memref<128x256xf32, #tpu.memory_space<vmem>>, vector<1x16xf32>,
        %get3A_329 = vector.shape_cast %get3A_328 : vector<1x16xf32> to vector<16xf32>
        %max3A_330 = arith.maximumf %max3A_324, %get3A_329 : vector<16xf32>
        %get3A_331 = arith.constant 43 : i32
        %get3A_332 = arith.index_cast %get3A_331 : i32 to index
        %get3A_333 = arith.index_cast %mul3A_50 : i32 to index
        %get3A_334 = tpu.vector_load %arg10[%get3A_332, %get3A_333] {strides = array<i32>} : memref<128x256xf32, #tpu.memory_space<vmem>>, vector<1x16xf32>,
        %get3A_335 = vector.shape_cast %get3A_334 : vector<1x16xf32> to vector<16xf32>
        %max3A_336 = arith.maximumf %max3A_330, %get3A_335 : vector<16xf32>
        %get3A_337 = arith.constant 44 : i32
        %get3A_338 = arith.index_cast %get3A_337 : i32 to index
        %get3A_339 = arith.index_cast %mul3A_50 : i32 to index
        %get3A_340 = tpu.vector_load %arg10[%get3A_338, %get3A_339] {strides = array<i32>} : memref<128x256xf32, #tpu.memory_space<vmem>>, vector<1x16xf32>,
        %get3A_341 = vector.shape_cast %get3A_340 : vector<1x16xf32> to vector<16xf32>
        %max3A_342 = arith.maximumf %max3A_336, %get3A_341 : vector<16xf32>
        %get3A_343 = arith.constant 45 : i32
        %get3A_344 = arith.index_cast %get3A_343 : i32 to index
        %get3A_345 = arith.index_cast %mul3A_50 : i32 to index
        %get3A_346 = tpu.vector_load %arg10[%get3A_344, %get3A_345] {strides = array<i32>} : memref<128x256xf32, #tpu.memory_space<vmem>>, vector<1x16xf32>,
        %get3A_347 = vector.shape_cast %get3A_346 : vector<1x16xf32> to vector<16xf32>
        %max3A_348 = arith.maximumf %max3A_342, %get3A_347 : vector<16xf32>
        %get3A_349 = arith.constant 46 : i32
        %get3A_350 = arith.index_cast %get3A_349 : i32 to index
        %get3A_351 = arith.index_cast %mul3A_50 : i32 to index
        %get3A_352 = tpu.vector_load %arg10[%get3A_350, %get3A_351] {strides = array<i32>} : memref<128x256xf32, #tpu.memory_space<vmem>>, vector<1x16xf32>,
        %get3A_353 = vector.shape_cast %get3A_352 : vector<1x16xf32> to vector<16xf32>
        %max3A_354 = arith.maximumf %max3A_348, %get3A_353 : vector<16xf32>
        %get3A_355 = arith.constant 47 : i32
        %get3A_356 = arith.index_cast %get3A_355 : i32 to index
        %get3A_357 = arith.index_cast %mul3A_50 : i32 to index
        %get3A_358 = tpu.vector_load %arg10[%get3A_356, %get3A_357] {strides = array<i32>} : memref<128x256xf32, #tpu.memory_space<vmem>>, vector<1x16xf32>,
        %get3A_359 = vector.shape_cast %get3A_358 : vector<1x16xf32> to vector<16xf32>
        %max3A_360 = arith.maximumf %max3A_354, %get3A_359 : vector<16xf32>
        %mul3A_361 = arith.mulf %max3A_360, %get3A_52 : vector<16xf32>
        %add3A_362 = arith.addf %mul3A_361, %get3A_55 : vector<16xf32>
        %max3A_363 = arith.constant 0.000000e+00 : f32
        %max3A_364 = vector.broadcast %max3A_363 : f32 to vector<16xf32>
        %max3A_365 = arith.maximumf %add3A_362, %max3A_364 : vector<16xf32>
        %swap3A_366 = arith.constant 2 : i32
        %swap3A_367 = arith.index_cast %swap3A_366 : i32 to index
        %swap3A_368 = arith.index_cast %mul3A_50 : i32 to index
        %swap3A_369 = tpu.vector_load %arg11[%swap3A_367, %swap3A_368] {strides = array<i32>} : memref<8x256xf32, #tpu.memory_space<vmem>>, vector<1x16xf32>,
        %swap3A_370 = vector.shape_cast %swap3A_369 : vector<1x16xf32> to vector<16xf32>
        %swap3A_371 = vector.shape_cast %max3A_365 : vector<16xf32> to vector<1x16xf32>
        tpu.vector_store %arg11[%swap3A_367, %swap3A_368], %swap3A_371 {strides = array<i32>} : memref<8x256xf32, #tpu.memory_space<vmem>>, vector<1x16xf32>,
        %get3A_372 = arith.constant 48 : i32
        %get3A_373 = arith.index_cast %get3A_372 : i32 to index
        %get3A_374 = arith.index_cast %mul3A_50 : i32 to index
        %get3A_375 = tpu.vector_load %arg10[%get3A_373, %get3A_374] {strides = array<i32>} : memref<128x256xf32, #tpu.memory_space<vmem>>, vector<1x16xf32>,
        %get3A_376 = vector.shape_cast %get3A_375 : vector<1x16xf32> to vector<16xf32>
        %get3A_377 = arith.constant 49 : i32
        %get3A_378 = arith.index_cast %get3A_377 : i32 to index
        %get3A_379 = arith.index_cast %mul3A_50 : i32 to index
        %get3A_380 = tpu.vector_load %arg10[%get3A_378, %get3A_379] {strides = array<i32>} : memref<128x256xf32, #tpu.memory_space<vmem>>, vector<1x16xf32>,
        %get3A_381 = vector.shape_cast %get3A_380 : vector<1x16xf32> to vector<16xf32>
        %max3A_382 = arith.maximumf %get3A_376, %get3A_381 : vector<16xf32>
        %get3A_383 = arith.constant 50 : i32
        %get3A_384 = arith.index_cast %get3A_383 : i32 to index
        %get3A_385 = arith.index_cast %mul3A_50 : i32 to index
        %get3A_386 = tpu.vector_load %arg10[%get3A_384, %get3A_385] {strides = array<i32>} : memref<128x256xf32, #tpu.memory_space<vmem>>, vector<1x16xf32>,
        %get3A_387 = vector.shape_cast %get3A_386 : vector<1x16xf32> to vector<16xf32>
        %max3A_388 = arith.maximumf %max3A_382, %get3A_387 : vector<16xf32>
        %get3A_389 = arith.constant 51 : i32
        %get3A_390 = arith.index_cast %get3A_389 : i32 to index
        %get3A_391 = arith.index_cast %mul3A_50 : i32 to index
        %get3A_392 = tpu.vector_load %arg10[%get3A_390, %get3A_391] {strides = array<i32>} : memref<128x256xf32, #tpu.memory_space<vmem>>, vector<1x16xf32>,
        %get3A_393 = vector.shape_cast %get3A_392 : vector<1x16xf32> to vector<16xf32>
        %max3A_394 = arith.maximumf %max3A_388, %get3A_393 : vector<16xf32>
        %get3A_395 = arith.constant 52 : i32
        %get3A_396 = arith.index_cast %get3A_395 : i32 to index
        %get3A_397 = arith.index_cast %mul3A_50 : i32 to index
        %get3A_398 = tpu.vector_load %arg10[%get3A_396, %get3A_397] {strides = array<i32>} : memref<128x256xf32, #tpu.memory_space<vmem>>, vector<1x16xf32>,
        %get3A_399 = vector.shape_cast %get3A_398 : vector<1x16xf32> to vector<16xf32>
        %max3A_400 = arith.maximumf %max3A_394, %get3A_399 : vector<16xf32>
        %get3A_401 = arith.constant 53 : i32
        %get3A_402 = arith.index_cast %get3A_401 : i32 to index
        %get3A_403 = arith.index_cast %mul3A_50 : i32 to index
        %get3A_404 = tpu.vector_load %arg10[%get3A_402, %get3A_403] {strides = array<i32>} : memref<128x256xf32, #tpu.memory_space<vmem>>, vector<1x16xf32>,
        %get3A_405 = vector.shape_cast %get3A_404 : vector<1x16xf32> to vector<16xf32>
        %max3A_406 = arith.maximumf %max3A_400, %get3A_405 : vector<16xf32>
        %get3A_407 = arith.constant 54 : i32
        %get3A_408 = arith.index_cast %get3A_407 : i32 to index
        %get3A_409 = arith.index_cast %mul3A_50 : i32 to index
        %get3A_410 = tpu.vector_load %arg10[%get3A_408, %get3A_409] {strides = array<i32>} : memref<128x256xf32, #tpu.memory_space<vmem>>, vector<1x16xf32>,
        %get3A_411 = vector.shape_cast %get3A_410 : vector<1x16xf32> to vector<16xf32>
        %max3A_412 = arith.maximumf %max3A_406, %get3A_411 : vector<16xf32>
        %get3A_413 = arith.constant 55 : i32
        %get3A_414 = arith.index_cast %get3A_413 : i32 to index
        %get3A_415 = arith.index_cast %mul3A_50 : i32 to index
        %get3A_416 = tpu.vector_load %arg10[%get3A_414, %get3A_415] {strides = array<i32>} : memref<128x256xf32, #tpu.memory_space<vmem>>, vector<1x16xf32>,
        %get3A_417 = vector.shape_cast %get3A_416 : vector<1x16xf32> to vector<16xf32>
        %max3A_418 = arith.maximumf %max3A_412, %get3A_417 : vector<16xf32>
        %get3A_419 = arith.constant 56 : i32
        %get3A_420 = arith.index_cast %get3A_419 : i32 to index
        %get3A_421 = arith.index_cast %mul3A_50 : i32 to index
        %get3A_422 = tpu.vector_load %arg10[%get3A_420, %get3A_421] {strides = array<i32>} : memref<128x256xf32, #tpu.memory_space<vmem>>, vector<1x16xf32>,
        %get3A_423 = vector.shape_cast %get3A_422 : vector<1x16xf32> to vector<16xf32>
        %max3A_424 = arith.maximumf %max3A_418, %get3A_423 : vector<16xf32>
        %get3A_425 = arith.constant 57 : i32
        %get3A_426 = arith.index_cast %get3A_425 : i32 to index
        %get3A_427 = arith.index_cast %mul3A_50 : i32 to index
        %get3A_428 = tpu.vector_load %arg10[%get3A_426, %get3A_427] {strides = array<i32>} : memref<128x256xf32, #tpu.memory_space<vmem>>, vector<1x16xf32>,
        %get3A_429 = vector.shape_cast %get3A_428 : vector<1x16xf32> to vector<16xf32>
        %max3A_430 = arith.maximumf %max3A_424, %get3A_429 : vector<16xf32>
        %get3A_431 = arith.constant 58 : i32
        %get3A_432 = arith.index_cast %get3A_431 : i32 to index
        %get3A_433 = arith.index_cast %mul3A_50 : i32 to index
        %get3A_434 = tpu.vector_load %arg10[%get3A_432, %get3A_433] {strides = array<i32>} : memref<128x256xf32, #tpu.memory_space<vmem>>, vector<1x16xf32>,
        %get3A_435 = vector.shape_cast %get3A_434 : vector<1x16xf32> to vector<16xf32>
        %max3A_436 = arith.maximumf %max3A_430, %get3A_435 : vector<16xf32>
        %get3A_437 = arith.constant 59 : i32
        %get3A_438 = arith.index_cast %get3A_437 : i32 to index
        %get3A_439 = arith.index_cast %mul3A_50 : i32 to index
        %get3A_440 = tpu.vector_load %arg10[%get3A_438, %get3A_439] {strides = array<i32>} : memref<128x256xf32, #tpu.memory_space<vmem>>, vector<1x16xf32>,
        %get3A_441 = vector.shape_cast %get3A_440 : vector<1x16xf32> to vector<16xf32>
        %max3A_442 = arith.maximumf %max3A_436, %get3A_441 : vector<16xf32>
        %get3A_443 = arith.constant 60 : i32
        %get3A_444 = arith.index_cast %get3A_443 : i32 to index
        %get3A_445 = arith.index_cast %mul3A_50 : i32 to index
        %get3A_446 = tpu.vector_load %arg10[%get3A_444, %get3A_445] {strides = array<i32>} : memref<128x256xf32, #tpu.memory_space<vmem>>, vector<1x16xf32>,
        %get3A_447 = vector.shape_cast %get3A_446 : vector<1x16xf32> to vector<16xf32>
        %max3A_448 = arith.maximumf %max3A_442, %get3A_447 : vector<16xf32>
        %get3A_449 = arith.constant 61 : i32
        %get3A_450 = arith.index_cast %get3A_449 : i32 to index
        %get3A_451 = arith.index_cast %mul3A_50 : i32 to index
        %get3A_452 = tpu.vector_load %arg10[%get3A_450, %get3A_451] {strides = array<i32>} : memref<128x256xf32, #tpu.memory_space<vmem>>, vector<1x16xf32>,
        %get3A_453 = vector.shape_cast %get3A_452 : vector<1x16xf32> to vector<16xf32>
        %max3A_454 = arith.maximumf %max3A_448, %get3A_453 : vector<16xf32>
        %get3A_455 = arith.constant 62 : i32
        %get3A_456 = arith.index_cast %get3A_455 : i32 to index
        %get3A_457 = arith.index_cast %mul3A_50 : i32 to index
        %get3A_458 = tpu.vector_load %arg10[%get3A_456, %get3A_457] {strides = array<i32>} : memref<128x256xf32, #tpu.memory_space<vmem>>, vector<1x16xf32>,
        %get3A_459 = vector.shape_cast %get3A_458 : vector<1x16xf32> to vector<16xf32>
        %max3A_460 = arith.maximumf %max3A_454, %get3A_459 : vector<16xf32>
        %get3A_461 = arith.constant 63 : i32
        %get3A_462 = arith.index_cast %get3A_461 : i32 to index
        %get3A_463 = arith.index_cast %mul3A_50 : i32 to index
        %get3A_464 = tpu.vector_load %arg10[%get3A_462, %get3A_463] {strides = array<i32>} : memref<128x256xf32, #tpu.memory_space<vmem>>, vector<1x16xf32>,
        %get3A_465 = vector.shape_cast %get3A_464 : vector<1x16xf32> to vector<16xf32>
        %max3A_466 = arith.maximumf %max3A_460, %get3A_465 : vector<16xf32>
        %mul3A_467 = arith.mulf %max3A_466, %get3A_52 : vector<16xf32>
        %add3A_468 = arith.addf %mul3A_467, %get3A_55 : vector<16xf32>
        %max3A_469 = arith.constant 0.000000e+00 : f32
        %max3A_470 = vector.broadcast %max3A_469 : f32 to vector<16xf32>
        %max3A_471 = arith.maximumf %add3A_468, %max3A_470 : vector<16xf32>
        %swap3A_472 = arith.constant 3 : i32
        %swap3A_473 = arith.index_cast %swap3A_472 : i32 to index
        %swap3A_474 = arith.index_cast %mul3A_50 : i32 to index
        %swap3A_475 = tpu.vector_load %arg11[%swap3A_473, %swap3A_474] {strides = array<i32>} : memref<8x256xf32, #tpu.memory_space<vmem>>, vector<1x16xf32>,
        %swap3A_476 = vector.shape_cast %swap3A_475 : vector<1x16xf32> to vector<16xf32>
        %swap3A_477 = vector.shape_cast %max3A_471 : vector<16xf32> to vector<1x16xf32>
        tpu.vector_store %arg11[%swap3A_473, %swap3A_474], %swap3A_477 {strides = array<i32>} : memref<8x256xf32, #tpu.memory_space<vmem>>, vector<1x16xf32>,
        %get3A_478 = arith.constant 64 : i32
        %get3A_479 = arith.index_cast %get3A_478 : i32 to index
        %get3A_480 = arith.index_cast %mul3A_50 : i32 to index
        %get3A_481 = tpu.vector_load %arg10[%get3A_479, %get3A_480] {strides = array<i32>} : memref<128x256xf32, #tpu.memory_space<vmem>>, vector<1x16xf32>,
        %get3A_482 = vector.shape_cast %get3A_481 : vector<1x16xf32> to vector<16xf32>
        %get3A_483 = arith.constant 65 : i32
        %get3A_484 = arith.index_cast %get3A_483 : i32 to index
        %get3A_485 = arith.index_cast %mul3A_50 : i32 to index
        %get3A_486 = tpu.vector_load %arg10[%get3A_484, %get3A_485] {strides = array<i32>} : memref<128x256xf32, #tpu.memory_space<vmem>>, vector<1x16xf32>,
        %get3A_487 = vector.shape_cast %get3A_486 : vector<1x16xf32> to vector<16xf32>
        %max3A_488 = arith.maximumf %get3A_482, %get3A_487 : vector<16xf32>
        %get3A_489 = arith.constant 66 : i32
        %get3A_490 = arith.index_cast %get3A_489 : i32 to index
        %get3A_491 = arith.index_cast %mul3A_50 : i32 to index
        %get3A_492 = tpu.vector_load %arg10[%get3A_490, %get3A_491] {strides = array<i32>} : memref<128x256xf32, #tpu.memory_space<vmem>>, vector<1x16xf32>,
        %get3A_493 = vector.shape_cast %get3A_492 : vector<1x16xf32> to vector<16xf32>
        %max3A_494 = arith.maximumf %max3A_488, %get3A_493 : vector<16xf32>
        %get3A_495 = arith.constant 67 : i32
        %get3A_496 = arith.index_cast %get3A_495 : i32 to index
        %get3A_497 = arith.index_cast %mul3A_50 : i32 to index
        %get3A_498 = tpu.vector_load %arg10[%get3A_496, %get3A_497] {strides = array<i32>} : memref<128x256xf32, #tpu.memory_space<vmem>>, vector<1x16xf32>,
        %get3A_499 = vector.shape_cast %get3A_498 : vector<1x16xf32> to vector<16xf32>
        %max3A_500 = arith.maximumf %max3A_494, %get3A_499 : vector<16xf32>
        %get3A_501 = arith.constant 68 : i32
        %get3A_502 = arith.index_cast %get3A_501 : i32 to index
        %get3A_503 = arith.index_cast %mul3A_50 : i32 to index
        %get3A_504 = tpu.vector_load %arg10[%get3A_502, %get3A_503] {strides = array<i32>} : memref<128x256xf32, #tpu.memory_space<vmem>>, vector<1x16xf32>,
        %get3A_505 = vector.shape_cast %get3A_504 : vector<1x16xf32> to vector<16xf32>
        %max3A_506 = arith.maximumf %max3A_500, %get3A_505 : vector<16xf32>
        %get3A_507 = arith.constant 69 : i32
        %get3A_508 = arith.index_cast %get3A_507 : i32 to index
        %get3A_509 = arith.index_cast %mul3A_50 : i32 to index
        %get3A_510 = tpu.vector_load %arg10[%get3A_508, %get3A_509] {strides = array<i32>} : memref<128x256xf32, #tpu.memory_space<vmem>>, vector<1x16xf32>,
        %get3A_511 = vector.shape_cast %get3A_510 : vector<1x16xf32> to vector<16xf32>
        %max3A_512 = arith.maximumf %max3A_506, %get3A_511 : vector<16xf32>
        %get3A_513 = arith.constant 70 : i32
        %get3A_514 = arith.index_cast %get3A_513 : i32 to index
        %get3A_515 = arith.index_cast %mul3A_50 : i32 to index
        %get3A_516 = tpu.vector_load %arg10[%get3A_514, %get3A_515] {strides = array<i32>} : memref<128x256xf32, #tpu.memory_space<vmem>>, vector<1x16xf32>,
        %get3A_517 = vector.shape_cast %get3A_516 : vector<1x16xf32> to vector<16xf32>
        %max3A_518 = arith.maximumf %max3A_512, %get3A_517 : vector<16xf32>
        %get3A_519 = arith.constant 71 : i32
        %get3A_520 = arith.index_cast %get3A_519 : i32 to index
        %get3A_521 = arith.index_cast %mul3A_50 : i32 to index
        %get3A_522 = tpu.vector_load %arg10[%get3A_520, %get3A_521] {strides = array<i32>} : memref<128x256xf32, #tpu.memory_space<vmem>>, vector<1x16xf32>,
        %get3A_523 = vector.shape_cast %get3A_522 : vector<1x16xf32> to vector<16xf32>
        %max3A_524 = arith.maximumf %max3A_518, %get3A_523 : vector<16xf32>
        %get3A_525 = arith.constant 72 : i32
        %get3A_526 = arith.index_cast %get3A_525 : i32 to index
        %get3A_527 = arith.index_cast %mul3A_50 : i32 to index
        %get3A_528 = tpu.vector_load %arg10[%get3A_526, %get3A_527] {strides = array<i32>} : memref<128x256xf32, #tpu.memory_space<vmem>>, vector<1x16xf32>,
        %get3A_529 = vector.shape_cast %get3A_528 : vector<1x16xf32> to vector<16xf32>
        %max3A_530 = arith.maximumf %max3A_524, %get3A_529 : vector<16xf32>
        %get3A_531 = arith.constant 73 : i32
        %get3A_532 = arith.index_cast %get3A_531 : i32 to index
        %get3A_533 = arith.index_cast %mul3A_50 : i32 to index
        %get3A_534 = tpu.vector_load %arg10[%get3A_532, %get3A_533] {strides = array<i32>} : memref<128x256xf32, #tpu.memory_space<vmem>>, vector<1x16xf32>,
        %get3A_535 = vector.shape_cast %get3A_534 : vector<1x16xf32> to vector<16xf32>
        %max3A_536 = arith.maximumf %max3A_530, %get3A_535 : vector<16xf32>
        %get3A_537 = arith.constant 74 : i32
        %get3A_538 = arith.index_cast %get3A_537 : i32 to index
        %get3A_539 = arith.index_cast %mul3A_50 : i32 to index
        %get3A_540 = tpu.vector_load %arg10[%get3A_538, %get3A_539] {strides = array<i32>} : memref<128x256xf32, #tpu.memory_space<vmem>>, vector<1x16xf32>,
        %get3A_541 = vector.shape_cast %get3A_540 : vector<1x16xf32> to vector<16xf32>
        %max3A_542 = arith.maximumf %max3A_536, %get3A_541 : vector<16xf32>
        %get3A_543 = arith.constant 75 : i32
        %get3A_544 = arith.index_cast %get3A_543 : i32 to index
        %get3A_545 = arith.index_cast %mul3A_50 : i32 to index
        %get3A_546 = tpu.vector_load %arg10[%get3A_544, %get3A_545] {strides = array<i32>} : memref<128x256xf32, #tpu.memory_space<vmem>>, vector<1x16xf32>,
        %get3A_547 = vector.shape_cast %get3A_546 : vector<1x16xf32> to vector<16xf32>
        %max3A_548 = arith.maximumf %max3A_542, %get3A_547 : vector<16xf32>
        %get3A_549 = arith.constant 76 : i32
        %get3A_550 = arith.index_cast %get3A_549 : i32 to index
        %get3A_551 = arith.index_cast %mul3A_50 : i32 to index
        %get3A_552 = tpu.vector_load %arg10[%get3A_550, %get3A_551] {strides = array<i32>} : memref<128x256xf32, #tpu.memory_space<vmem>>, vector<1x16xf32>,
        %get3A_553 = vector.shape_cast %get3A_552 : vector<1x16xf32> to vector<16xf32>
        %max3A_554 = arith.maximumf %max3A_548, %get3A_553 : vector<16xf32>
        %get3A_555 = arith.constant 77 : i32
        %get3A_556 = arith.index_cast %get3A_555 : i32 to index
        %get3A_557 = arith.index_cast %mul3A_50 : i32 to index
        %get3A_558 = tpu.vector_load %arg10[%get3A_556, %get3A_557] {strides = array<i32>} : memref<128x256xf32, #tpu.memory_space<vmem>>, vector<1x16xf32>,
        %get3A_559 = vector.shape_cast %get3A_558 : vector<1x16xf32> to vector<16xf32>
        %max3A_560 = arith.maximumf %max3A_554, %get3A_559 : vector<16xf32>
        %get3A_561 = arith.constant 78 : i32
        %get3A_562 = arith.index_cast %get3A_561 : i32 to index
        %get3A_563 = arith.index_cast %mul3A_50 : i32 to index
        %get3A_564 = tpu.vector_load %arg10[%get3A_562, %get3A_563] {strides = array<i32>} : memref<128x256xf32, #tpu.memory_space<vmem>>, vector<1x16xf32>,
        %get3A_565 = vector.shape_cast %get3A_564 : vector<1x16xf32> to vector<16xf32>
        %max3A_566 = arith.maximumf %max3A_560, %get3A_565 : vector<16xf32>
        %get3A_567 = arith.constant 79 : i32
        %get3A_568 = arith.index_cast %get3A_567 : i32 to index
        %get3A_569 = arith.index_cast %mul3A_50 : i32 to index
        %get3A_570 = tpu.vector_load %arg10[%get3A_568, %get3A_569] {strides = array<i32>} : memref<128x256xf32, #tpu.memory_space<vmem>>, vector<1x16xf32>,
        %get3A_571 = vector.shape_cast %get3A_570 : vector<1x16xf32> to vector<16xf32>
        %max3A_572 = arith.maximumf %max3A_566, %get3A_571 : vector<16xf32>
        %mul3A_573 = arith.mulf %max3A_572, %get3A_52 : vector<16xf32>
        %add3A_574 = arith.addf %mul3A_573, %get3A_55 : vector<16xf32>
        %max3A_575 = arith.constant 0.000000e+00 : f32
        %max3A_576 = vector.broadcast %max3A_575 : f32 to vector<16xf32>
        %max3A_577 = arith.maximumf %add3A_574, %max3A_576 : vector<16xf32>
        %swap3A_578 = arith.constant 4 : i32
        %swap3A_579 = arith.index_cast %swap3A_578 : i32 to index
        %swap3A_580 = arith.index_cast %mul3A_50 : i32 to index
        %swap3A_581 = tpu.vector_load %arg11[%swap3A_579, %swap3A_580] {strides = array<i32>} : memref<8x256xf32, #tpu.memory_space<vmem>>, vector<1x16xf32>,
        %swap3A_582 = vector.shape_cast %swap3A_581 : vector<1x16xf32> to vector<16xf32>
        %swap3A_583 = vector.shape_cast %max3A_577 : vector<16xf32> to vector<1x16xf32>
        tpu.vector_store %arg11[%swap3A_579, %swap3A_580], %swap3A_583 {strides = array<i32>} : memref<8x256xf32, #tpu.memory_space<vmem>>, vector<1x16xf32>,
        %get3A_584 = arith.constant 80 : i32
        %get3A_585 = arith.index_cast %get3A_584 : i32 to index
        %get3A_586 = arith.index_cast %mul3A_50 : i32 to index
        %get3A_587 = tpu.vector_load %arg10[%get3A_585, %get3A_586] {strides = array<i32>} : memref<128x256xf32, #tpu.memory_space<vmem>>, vector<1x16xf32>,
        %get3A_588 = vector.shape_cast %get3A_587 : vector<1x16xf32> to vector<16xf32>
        %get3A_589 = arith.constant 81 : i32
        %get3A_590 = arith.index_cast %get3A_589 : i32 to index
        %get3A_591 = arith.index_cast %mul3A_50 : i32 to index
        %get3A_592 = tpu.vector_load %arg10[%get3A_590, %get3A_591] {strides = array<i32>} : memref<128x256xf32, #tpu.memory_space<vmem>>, vector<1x16xf32>,
        %get3A_593 = vector.shape_cast %get3A_592 : vector<1x16xf32> to vector<16xf32>
        %max3A_594 = arith.maximumf %get3A_588, %get3A_593 : vector<16xf32>
        %get3A_595 = arith.constant 82 : i32
        %get3A_596 = arith.index_cast %get3A_595 : i32 to index
        %get3A_597 = arith.index_cast %mul3A_50 : i32 to index
        %get3A_598 = tpu.vector_load %arg10[%get3A_596, %get3A_597] {strides = array<i32>} : memref<128x256xf32, #tpu.memory_space<vmem>>, vector<1x16xf32>,
        %get3A_599 = vector.shape_cast %get3A_598 : vector<1x16xf32> to vector<16xf32>
        %max3A_600 = arith.maximumf %max3A_594, %get3A_599 : vector<16xf32>
        %get3A_601 = arith.constant 83 : i32
        %get3A_602 = arith.index_cast %get3A_601 : i32 to index
        %get3A_603 = arith.index_cast %mul3A_50 : i32 to index
        %get3A_604 = tpu.vector_load %arg10[%get3A_602, %get3A_603] {strides = array<i32>} : memref<128x256xf32, #tpu.memory_space<vmem>>, vector<1x16xf32>,
        %get3A_605 = vector.shape_cast %get3A_604 : vector<1x16xf32> to vector<16xf32>
        %max3A_606 = arith.maximumf %max3A_600, %get3A_605 : vector<16xf32>
        %get3A_607 = arith.constant 84 : i32
        %get3A_608 = arith.index_cast %get3A_607 : i32 to index
        %get3A_609 = arith.index_cast %mul3A_50 : i32 to index
        %get3A_610 = tpu.vector_load %arg10[%get3A_608, %get3A_609] {strides = array<i32>} : memref<128x256xf32, #tpu.memory_space<vmem>>, vector<1x16xf32>,
        %get3A_611 = vector.shape_cast %get3A_610 : vector<1x16xf32> to vector<16xf32>
        %max3A_612 = arith.maximumf %max3A_606, %get3A_611 : vector<16xf32>
        %get3A_613 = arith.constant 85 : i32
        %get3A_614 = arith.index_cast %get3A_613 : i32 to index
        %get3A_615 = arith.index_cast %mul3A_50 : i32 to index
        %get3A_616 = tpu.vector_load %arg10[%get3A_614, %get3A_615] {strides = array<i32>} : memref<128x256xf32, #tpu.memory_space<vmem>>, vector<1x16xf32>,
        %get3A_617 = vector.shape_cast %get3A_616 : vector<1x16xf32> to vector<16xf32>
        %max3A_618 = arith.maximumf %max3A_612, %get3A_617 : vector<16xf32>
        %get3A_619 = arith.constant 86 : i32
        %get3A_620 = arith.index_cast %get3A_619 : i32 to index
        %get3A_621 = arith.index_cast %mul3A_50 : i32 to index
        %get3A_622 = tpu.vector_load %arg10[%get3A_620, %get3A_621] {strides = array<i32>} : memref<128x256xf32, #tpu.memory_space<vmem>>, vector<1x16xf32>,
        %get3A_623 = vector.shape_cast %get3A_622 : vector<1x16xf32> to vector<16xf32>
        %max3A_624 = arith.maximumf %max3A_618, %get3A_623 : vector<16xf32>
        %get3A_625 = arith.constant 87 : i32
        %get3A_626 = arith.index_cast %get3A_625 : i32 to index
        %get3A_627 = arith.index_cast %mul3A_50 : i32 to index
        %get3A_628 = tpu.vector_load %arg10[%get3A_626, %get3A_627] {strides = array<i32>} : memref<128x256xf32, #tpu.memory_space<vmem>>, vector<1x16xf32>,
        %get3A_629 = vector.shape_cast %get3A_628 : vector<1x16xf32> to vector<16xf32>
        %max3A_630 = arith.maximumf %max3A_624, %get3A_629 : vector<16xf32>
        %get3A_631 = arith.constant 88 : i32
        %get3A_632 = arith.index_cast %get3A_631 : i32 to index
        %get3A_633 = arith.index_cast %mul3A_50 : i32 to index
        %get3A_634 = tpu.vector_load %arg10[%get3A_632, %get3A_633] {strides = array<i32>} : memref<128x256xf32, #tpu.memory_space<vmem>>, vector<1x16xf32>,
        %get3A_635 = vector.shape_cast %get3A_634 : vector<1x16xf32> to vector<16xf32>
        %max3A_636 = arith.maximumf %max3A_630, %get3A_635 : vector<16xf32>
        %get3A_637 = arith.constant 89 : i32
        %get3A_638 = arith.index_cast %get3A_637 : i32 to index
        %get3A_639 = arith.index_cast %mul3A_50 : i32 to index
        %get3A_640 = tpu.vector_load %arg10[%get3A_638, %get3A_639] {strides = array<i32>} : memref<128x256xf32, #tpu.memory_space<vmem>>, vector<1x16xf32>,
        %get3A_641 = vector.shape_cast %get3A_640 : vector<1x16xf32> to vector<16xf32>
        %max3A_642 = arith.maximumf %max3A_636, %get3A_641 : vector<16xf32>
        %get3A_643 = arith.constant 90 : i32
        %get3A_644 = arith.index_cast %get3A_643 : i32 to index
        %get3A_645 = arith.index_cast %mul3A_50 : i32 to index
        %get3A_646 = tpu.vector_load %arg10[%get3A_644, %get3A_645] {strides = array<i32>} : memref<128x256xf32, #tpu.memory_space<vmem>>, vector<1x16xf32>,
        %get3A_647 = vector.shape_cast %get3A_646 : vector<1x16xf32> to vector<16xf32>
        %max3A_648 = arith.maximumf %max3A_642, %get3A_647 : vector<16xf32>
        %get3A_649 = arith.constant 91 : i32
        %get3A_650 = arith.index_cast %get3A_649 : i32 to index
        %get3A_651 = arith.index_cast %mul3A_50 : i32 to index
        %get3A_652 = tpu.vector_load %arg10[%get3A_650, %get3A_651] {strides = array<i32>} : memref<128x256xf32, #tpu.memory_space<vmem>>, vector<1x16xf32>,
        %get3A_653 = vector.shape_cast %get3A_652 : vector<1x16xf32> to vector<16xf32>
        %max3A_654 = arith.maximumf %max3A_648, %get3A_653 : vector<16xf32>
        %get3A_655 = arith.constant 92 : i32
        %get3A_656 = arith.index_cast %get3A_655 : i32 to index
        %get3A_657 = arith.index_cast %mul3A_50 : i32 to index
        %get3A_658 = tpu.vector_load %arg10[%get3A_656, %get3A_657] {strides = array<i32>} : memref<128x256xf32, #tpu.memory_space<vmem>>, vector<1x16xf32>,
        %get3A_659 = vector.shape_cast %get3A_658 : vector<1x16xf32> to vector<16xf32>
        %max3A_660 = arith.maximumf %max3A_654, %get3A_659 : vector<16xf32>
        %get3A_661 = arith.constant 93 : i32
        %get3A_662 = arith.index_cast %get3A_661 : i32 to index
        %get3A_663 = arith.index_cast %mul3A_50 : i32 to index
        %get3A_664 = tpu.vector_load %arg10[%get3A_662, %get3A_663] {strides = array<i32>} : memref<128x256xf32, #tpu.memory_space<vmem>>, vector<1x16xf32>,
        %get3A_665 = vector.shape_cast %get3A_664 : vector<1x16xf32> to vector<16xf32>
        %max3A_666 = arith.maximumf %max3A_660, %get3A_665 : vector<16xf32>
        %get3A_667 = arith.constant 94 : i32
        %get3A_668 = arith.index_cast %get3A_667 : i32 to index
        %get3A_669 = arith.index_cast %mul3A_50 : i32 to index
        %get3A_670 = tpu.vector_load %arg10[%get3A_668, %get3A_669] {strides = array<i32>} : memref<128x256xf32, #tpu.memory_space<vmem>>, vector<1x16xf32>,
        %get3A_671 = vector.shape_cast %get3A_670 : vector<1x16xf32> to vector<16xf32>
        %max3A_672 = arith.maximumf %max3A_666, %get3A_671 : vector<16xf32>
        %get3A_673 = arith.constant 95 : i32
        %get3A_674 = arith.index_cast %get3A_673 : i32 to index
        %get3A_675 = arith.index_cast %mul3A_50 : i32 to index
        %get3A_676 = tpu.vector_load %arg10[%get3A_674, %get3A_675] {strides = array<i32>} : memref<128x256xf32, #tpu.memory_space<vmem>>, vector<1x16xf32>,
        %get3A_677 = vector.shape_cast %get3A_676 : vector<1x16xf32> to vector<16xf32>
        %max3A_678 = arith.maximumf %max3A_672, %get3A_677 : vector<16xf32>
        %mul3A_679 = arith.mulf %max3A_678, %get3A_52 : vector<16xf32>
        %add3A_680 = arith.addf %mul3A_679, %get3A_55 : vector<16xf32>
        %max3A_681 = arith.constant 0.000000e+00 : f32
        %max3A_682 = vector.broadcast %max3A_681 : f32 to vector<16xf32>
        %max3A_683 = arith.maximumf %add3A_680, %max3A_682 : vector<16xf32>
        %swap3A_684 = arith.constant 5 : i32
        %swap3A_685 = arith.index_cast %swap3A_684 : i32 to index
        %swap3A_686 = arith.index_cast %mul3A_50 : i32 to index
        %swap3A_687 = tpu.vector_load %arg11[%swap3A_685, %swap3A_686] {strides = array<i32>} : memref<8x256xf32, #tpu.memory_space<vmem>>, vector<1x16xf32>,
        %swap3A_688 = vector.shape_cast %swap3A_687 : vector<1x16xf32> to vector<16xf32>
        %swap3A_689 = vector.shape_cast %max3A_683 : vector<16xf32> to vector<1x16xf32>
        tpu.vector_store %arg11[%swap3A_685, %swap3A_686], %swap3A_689 {strides = array<i32>} : memref<8x256xf32, #tpu.memory_space<vmem>>, vector<1x16xf32>,
        %get3A_690 = arith.constant 96 : i32
        %get3A_691 = arith.index_cast %get3A_690 : i32 to index
        %get3A_692 = arith.index_cast %mul3A_50 : i32 to index
        %get3A_693 = tpu.vector_load %arg10[%get3A_691, %get3A_692] {strides = array<i32>} : memref<128x256xf32, #tpu.memory_space<vmem>>, vector<1x16xf32>,
        %get3A_694 = vector.shape_cast %get3A_693 : vector<1x16xf32> to vector<16xf32>
        %get3A_695 = arith.constant 97 : i32
        %get3A_696 = arith.index_cast %get3A_695 : i32 to index
        %get3A_697 = arith.index_cast %mul3A_50 : i32 to index
        %get3A_698 = tpu.vector_load %arg10[%get3A_696, %get3A_697] {strides = array<i32>} : memref<128x256xf32, #tpu.memory_space<vmem>>, vector<1x16xf32>,
        %get3A_699 = vector.shape_cast %get3A_698 : vector<1x16xf32> to vector<16xf32>
        %max3A_700 = arith.maximumf %get3A_694, %get3A_699 : vector<16xf32>
        %get3A_701 = arith.constant 98 : i32
        %get3A_702 = arith.index_cast %get3A_701 : i32 to index
        %get3A_703 = arith.index_cast %mul3A_50 : i32 to index
        %get3A_704 = tpu.vector_load %arg10[%get3A_702, %get3A_703] {strides = array<i32>} : memref<128x256xf32, #tpu.memory_space<vmem>>, vector<1x16xf32>,
        %get3A_705 = vector.shape_cast %get3A_704 : vector<1x16xf32> to vector<16xf32>
        %max3A_706 = arith.maximumf %max3A_700, %get3A_705 : vector<16xf32>
        %get3A_707 = arith.constant 99 : i32
        %get3A_708 = arith.index_cast %get3A_707 : i32 to index
        %get3A_709 = arith.index_cast %mul3A_50 : i32 to index
        %get3A_710 = tpu.vector_load %arg10[%get3A_708, %get3A_709] {strides = array<i32>} : memref<128x256xf32, #tpu.memory_space<vmem>>, vector<1x16xf32>,
        %get3A_711 = vector.shape_cast %get3A_710 : vector<1x16xf32> to vector<16xf32>
        %max3A_712 = arith.maximumf %max3A_706, %get3A_711 : vector<16xf32>
        %get3A_713 = arith.constant 100 : i32
        %get3A_714 = arith.index_cast %get3A_713 : i32 to index
        %get3A_715 = arith.index_cast %mul3A_50 : i32 to index
        %get3A_716 = tpu.vector_load %arg10[%get3A_714, %get3A_715] {strides = array<i32>} : memref<128x256xf32, #tpu.memory_space<vmem>>, vector<1x16xf32>,
        %get3A_717 = vector.shape_cast %get3A_716 : vector<1x16xf32> to vector<16xf32>
        %max3A_718 = arith.maximumf %max3A_712, %get3A_717 : vector<16xf32>
        %get3A_719 = arith.constant 101 : i32
        %get3A_720 = arith.index_cast %get3A_719 : i32 to index
        %get3A_721 = arith.index_cast %mul3A_50 : i32 to index
        %get3A_722 = tpu.vector_load %arg10[%get3A_720, %get3A_721] {strides = array<i32>} : memref<128x256xf32, #tpu.memory_space<vmem>>, vector<1x16xf32>,
        %get3A_723 = vector.shape_cast %get3A_722 : vector<1x16xf32> to vector<16xf32>
        %max3A_724 = arith.maximumf %max3A_718, %get3A_723 : vector<16xf32>
        %get3A_725 = arith.constant 102 : i32
        %get3A_726 = arith.index_cast %get3A_725 : i32 to index
        %get3A_727 = arith.index_cast %mul3A_50 : i32 to index
        %get3A_728 = tpu.vector_load %arg10[%get3A_726, %get3A_727] {strides = array<i32>} : memref<128x256xf32, #tpu.memory_space<vmem>>, vector<1x16xf32>,
        %get3A_729 = vector.shape_cast %get3A_728 : vector<1x16xf32> to vector<16xf32>
        %max3A_730 = arith.maximumf %max3A_724, %get3A_729 : vector<16xf32>
        %get3A_731 = arith.constant 103 : i32
        %get3A_732 = arith.index_cast %get3A_731 : i32 to index
        %get3A_733 = arith.index_cast %mul3A_50 : i32 to index
        %get3A_734 = tpu.vector_load %arg10[%get3A_732, %get3A_733] {strides = array<i32>} : memref<128x256xf32, #tpu.memory_space<vmem>>, vector<1x16xf32>,
        %get3A_735 = vector.shape_cast %get3A_734 : vector<1x16xf32> to vector<16xf32>
        %max3A_736 = arith.maximumf %max3A_730, %get3A_735 : vector<16xf32>
        %get3A_737 = arith.constant 104 : i32
        %get3A_738 = arith.index_cast %get3A_737 : i32 to index
        %get3A_739 = arith.index_cast %mul3A_50 : i32 to index
        %get3A_740 = tpu.vector_load %arg10[%get3A_738, %get3A_739] {strides = array<i32>} : memref<128x256xf32, #tpu.memory_space<vmem>>, vector<1x16xf32>,
        %get3A_741 = vector.shape_cast %get3A_740 : vector<1x16xf32> to vector<16xf32>
        %max3A_742 = arith.maximumf %max3A_736, %get3A_741 : vector<16xf32>
        %get3A_743 = arith.constant 105 : i32
        %get3A_744 = arith.index_cast %get3A_743 : i32 to index
        %get3A_745 = arith.index_cast %mul3A_50 : i32 to index
        %get3A_746 = tpu.vector_load %arg10[%get3A_744, %get3A_745] {strides = array<i32>} : memref<128x256xf32, #tpu.memory_space<vmem>>, vector<1x16xf32>,
        %get3A_747 = vector.shape_cast %get3A_746 : vector<1x16xf32> to vector<16xf32>
        %max3A_748 = arith.maximumf %max3A_742, %get3A_747 : vector<16xf32>
        %get3A_749 = arith.constant 106 : i32
        %get3A_750 = arith.index_cast %get3A_749 : i32 to index
        %get3A_751 = arith.index_cast %mul3A_50 : i32 to index
        %get3A_752 = tpu.vector_load %arg10[%get3A_750, %get3A_751] {strides = array<i32>} : memref<128x256xf32, #tpu.memory_space<vmem>>, vector<1x16xf32>,
        %get3A_753 = vector.shape_cast %get3A_752 : vector<1x16xf32> to vector<16xf32>
        %max3A_754 = arith.maximumf %max3A_748, %get3A_753 : vector<16xf32>
        %get3A_755 = arith.constant 107 : i32
        %get3A_756 = arith.index_cast %get3A_755 : i32 to index
        %get3A_757 = arith.index_cast %mul3A_50 : i32 to index
        %get3A_758 = tpu.vector_load %arg10[%get3A_756, %get3A_757] {strides = array<i32>} : memref<128x256xf32, #tpu.memory_space<vmem>>, vector<1x16xf32>,
        %get3A_759 = vector.shape_cast %get3A_758 : vector<1x16xf32> to vector<16xf32>
        %max3A_760 = arith.maximumf %max3A_754, %get3A_759 : vector<16xf32>
        %get3A_761 = arith.constant 108 : i32
        %get3A_762 = arith.index_cast %get3A_761 : i32 to index
        %get3A_763 = arith.index_cast %mul3A_50 : i32 to index
        %get3A_764 = tpu.vector_load %arg10[%get3A_762, %get3A_763] {strides = array<i32>} : memref<128x256xf32, #tpu.memory_space<vmem>>, vector<1x16xf32>,
        %get3A_765 = vector.shape_cast %get3A_764 : vector<1x16xf32> to vector<16xf32>
        %max3A_766 = arith.maximumf %max3A_760, %get3A_765 : vector<16xf32>
        %get3A_767 = arith.constant 109 : i32
        %get3A_768 = arith.index_cast %get3A_767 : i32 to index
        %get3A_769 = arith.index_cast %mul3A_50 : i32 to index
        %get3A_770 = tpu.vector_load %arg10[%get3A_768, %get3A_769] {strides = array<i32>} : memref<128x256xf32, #tpu.memory_space<vmem>>, vector<1x16xf32>,
        %get3A_771 = vector.shape_cast %get3A_770 : vector<1x16xf32> to vector<16xf32>
        %max3A_772 = arith.maximumf %max3A_766, %get3A_771 : vector<16xf32>
        %get3A_773 = arith.constant 110 : i32
        %get3A_774 = arith.index_cast %get3A_773 : i32 to index
        %get3A_775 = arith.index_cast %mul3A_50 : i32 to index
        %get3A_776 = tpu.vector_load %arg10[%get3A_774, %get3A_775] {strides = array<i32>} : memref<128x256xf32, #tpu.memory_space<vmem>>, vector<1x16xf32>,
        %get3A_777 = vector.shape_cast %get3A_776 : vector<1x16xf32> to vector<16xf32>
        %max3A_778 = arith.maximumf %max3A_772, %get3A_777 : vector<16xf32>
        %get3A_779 = arith.constant 111 : i32
        %get3A_780 = arith.index_cast %get3A_779 : i32 to index
        %get3A_781 = arith.index_cast %mul3A_50 : i32 to index
        %get3A_782 = tpu.vector_load %arg10[%get3A_780, %get3A_781] {strides = array<i32>} : memref<128x256xf32, #tpu.memory_space<vmem>>, vector<1x16xf32>,
        %get3A_783 = vector.shape_cast %get3A_782 : vector<1x16xf32> to vector<16xf32>
        %max3A_784 = arith.maximumf %max3A_778, %get3A_783 : vector<16xf32>
        %mul3A_785 = arith.mulf %max3A_784, %get3A_52 : vector<16xf32>
        %add3A_786 = arith.addf %mul3A_785, %get3A_55 : vector<16xf32>
        %max3A_787 = arith.constant 0.000000e+00 : f32
        %max3A_788 = vector.broadcast %max3A_787 : f32 to vector<16xf32>
        %max3A_789 = arith.maximumf %add3A_786, %max3A_788 : vector<16xf32>
        %swap3A_790 = arith.constant 6 : i32
        %swap3A_791 = arith.index_cast %swap3A_790 : i32 to index
        %swap3A_792 = arith.index_cast %mul3A_50 : i32 to index
        %swap3A_793 = tpu.vector_load %arg11[%swap3A_791, %swap3A_792] {strides = array<i32>} : memref<8x256xf32, #tpu.memory_space<vmem>>, vector<1x16xf32>,
        %swap3A_794 = vector.shape_cast %swap3A_793 : vector<1x16xf32> to vector<16xf32>
        %swap3A_795 = vector.shape_cast %max3A_789 : vector<16xf32> to vector<1x16xf32>
        tpu.vector_store %arg11[%swap3A_791, %swap3A_792], %swap3A_795 {strides = array<i32>} : memref<8x256xf32, #tpu.memory_space<vmem>>, vector<1x16xf32>,
        %get3A_796 = arith.constant 112 : i32
        %get3A_797 = arith.index_cast %get3A_796 : i32 to index
        %get3A_798 = arith.index_cast %mul3A_50 : i32 to index
        %get3A_799 = tpu.vector_load %arg10[%get3A_797, %get3A_798] {strides = array<i32>} : memref<128x256xf32, #tpu.memory_space<vmem>>, vector<1x16xf32>,
        %get3A_800 = vector.shape_cast %get3A_799 : vector<1x16xf32> to vector<16xf32>
        %get3A_801 = arith.constant 113 : i32
        %get3A_802 = arith.index_cast %get3A_801 : i32 to index
        %get3A_803 = arith.index_cast %mul3A_50 : i32 to index
        %get3A_804 = tpu.vector_load %arg10[%get3A_802, %get3A_803] {strides = array<i32>} : memref<128x256xf32, #tpu.memory_space<vmem>>, vector<1x16xf32>,
        %get3A_805 = vector.shape_cast %get3A_804 : vector<1x16xf32> to vector<16xf32>
        %max3A_806 = arith.maximumf %get3A_800, %get3A_805 : vector<16xf32>
        %get3A_807 = arith.constant 114 : i32
        %get3A_808 = arith.index_cast %get3A_807 : i32 to index
        %get3A_809 = arith.index_cast %mul3A_50 : i32 to index
        %get3A_810 = tpu.vector_load %arg10[%get3A_808, %get3A_809] {strides = array<i32>} : memref<128x256xf32, #tpu.memory_space<vmem>>, vector<1x16xf32>,
        %get3A_811 = vector.shape_cast %get3A_810 : vector<1x16xf32> to vector<16xf32>
        %max3A_812 = arith.maximumf %max3A_806, %get3A_811 : vector<16xf32>
        %get3A_813 = arith.constant 115 : i32
        %get3A_814 = arith.index_cast %get3A_813 : i32 to index
        %get3A_815 = arith.index_cast %mul3A_50 : i32 to index
        %get3A_816 = tpu.vector_load %arg10[%get3A_814, %get3A_815] {strides = array<i32>} : memref<128x256xf32, #tpu.memory_space<vmem>>, vector<1x16xf32>,
        %get3A_817 = vector.shape_cast %get3A_816 : vector<1x16xf32> to vector<16xf32>
        %max3A_818 = arith.maximumf %max3A_812, %get3A_817 : vector<16xf32>
        %get3A_819 = arith.constant 116 : i32
        %get3A_820 = arith.index_cast %get3A_819 : i32 to index
        %get3A_821 = arith.index_cast %mul3A_50 : i32 to index
        %get3A_822 = tpu.vector_load %arg10[%get3A_820, %get3A_821] {strides = array<i32>} : memref<128x256xf32, #tpu.memory_space<vmem>>, vector<1x16xf32>,
        %get3A_823 = vector.shape_cast %get3A_822 : vector<1x16xf32> to vector<16xf32>
        %max3A_824 = arith.maximumf %max3A_818, %get3A_823 : vector<16xf32>
        %get3A_825 = arith.constant 117 : i32
        %get3A_826 = arith.index_cast %get3A_825 : i32 to index
        %get3A_827 = arith.index_cast %mul3A_50 : i32 to index
        %get3A_828 = tpu.vector_load %arg10[%get3A_826, %get3A_827] {strides = array<i32>} : memref<128x256xf32, #tpu.memory_space<vmem>>, vector<1x16xf32>,
        %get3A_829 = vector.shape_cast %get3A_828 : vector<1x16xf32> to vector<16xf32>
        %max3A_830 = arith.maximumf %max3A_824, %get3A_829 : vector<16xf32>
        %get3A_831 = arith.constant 118 : i32
        %get3A_832 = arith.index_cast %get3A_831 : i32 to index
        %get3A_833 = arith.index_cast %mul3A_50 : i32 to index
        %get3A_834 = tpu.vector_load %arg10[%get3A_832, %get3A_833] {strides = array<i32>} : memref<128x256xf32, #tpu.memory_space<vmem>>, vector<1x16xf32>,
        %get3A_835 = vector.shape_cast %get3A_834 : vector<1x16xf32> to vector<16xf32>
        %max3A_836 = arith.maximumf %max3A_830, %get3A_835 : vector<16xf32>
        %get3A_837 = arith.constant 119 : i32
        %get3A_838 = arith.index_cast %get3A_837 : i32 to index
        %get3A_839 = arith.index_cast %mul3A_50 : i32 to index
        %get3A_840 = tpu.vector_load %arg10[%get3A_838, %get3A_839] {strides = array<i32>} : memref<128x256xf32, #tpu.memory_space<vmem>>, vector<1x16xf32>,
        %get3A_841 = vector.shape_cast %get3A_840 : vector<1x16xf32> to vector<16xf32>
        %max3A_842 = arith.maximumf %max3A_836, %get3A_841 : vector<16xf32>
        %get3A_843 = arith.constant 120 : i32
        %get3A_844 = arith.index_cast %get3A_843 : i32 to index
        %get3A_845 = arith.index_cast %mul3A_50 : i32 to index
        %get3A_846 = tpu.vector_load %arg10[%get3A_844, %get3A_845] {strides = array<i32>} : memref<128x256xf32, #tpu.memory_space<vmem>>, vector<1x16xf32>,
        %get3A_847 = vector.shape_cast %get3A_846 : vector<1x16xf32> to vector<16xf32>
        %max3A_848 = arith.maximumf %max3A_842, %get3A_847 : vector<16xf32>
        %get3A_849 = arith.constant 121 : i32
        %get3A_850 = arith.index_cast %get3A_849 : i32 to index
        %get3A_851 = arith.index_cast %mul3A_50 : i32 to index
        %get3A_852 = tpu.vector_load %arg10[%get3A_850, %get3A_851] {strides = array<i32>} : memref<128x256xf32, #tpu.memory_space<vmem>>, vector<1x16xf32>,
        %get3A_853 = vector.shape_cast %get3A_852 : vector<1x16xf32> to vector<16xf32>
        %max3A_854 = arith.maximumf %max3A_848, %get3A_853 : vector<16xf32>
        %get3A_855 = arith.constant 122 : i32
        %get3A_856 = arith.index_cast %get3A_855 : i32 to index
        %get3A_857 = arith.index_cast %mul3A_50 : i32 to index
        %get3A_858 = tpu.vector_load %arg10[%get3A_856, %get3A_857] {strides = array<i32>} : memref<128x256xf32, #tpu.memory_space<vmem>>, vector<1x16xf32>,
        %get3A_859 = vector.shape_cast %get3A_858 : vector<1x16xf32> to vector<16xf32>
        %max3A_860 = arith.maximumf %max3A_854, %get3A_859 : vector<16xf32>
        %get3A_861 = arith.constant 123 : i32
        %get3A_862 = arith.index_cast %get3A_861 : i32 to index
        %get3A_863 = arith.index_cast %mul3A_50 : i32 to index
        %get3A_864 = tpu.vector_load %arg10[%get3A_862, %get3A_863] {strides = array<i32>} : memref<128x256xf32, #tpu.memory_space<vmem>>, vector<1x16xf32>,
        %get3A_865 = vector.shape_cast %get3A_864 : vector<1x16xf32> to vector<16xf32>
        %max3A_866 = arith.maximumf %max3A_860, %get3A_865 : vector<16xf32>
        %get3A_867 = arith.constant 124 : i32
        %get3A_868 = arith.index_cast %get3A_867 : i32 to index
        %get3A_869 = arith.index_cast %mul3A_50 : i32 to index
        %get3A_870 = tpu.vector_load %arg10[%get3A_868, %get3A_869] {strides = array<i32>} : memref<128x256xf32, #tpu.memory_space<vmem>>, vector<1x16xf32>,
        %get3A_871 = vector.shape_cast %get3A_870 : vector<1x16xf32> to vector<16xf32>
        %max3A_872 = arith.maximumf %max3A_866, %get3A_871 : vector<16xf32>
        %get3A_873 = arith.constant 125 : i32
        %get3A_874 = arith.index_cast %get3A_873 : i32 to index
        %get3A_875 = arith.index_cast %mul3A_50 : i32 to index
        %get3A_876 = tpu.vector_load %arg10[%get3A_874, %get3A_875] {strides = array<i32>} : memref<128x256xf32, #tpu.memory_space<vmem>>, vector<1x16xf32>,
        %get3A_877 = vector.shape_cast %get3A_876 : vector<1x16xf32> to vector<16xf32>
        %max3A_878 = arith.maximumf %max3A_872, %get3A_877 : vector<16xf32>
        %get3A_879 = arith.constant 126 : i32
        %get3A_880 = arith.index_cast %get3A_879 : i32 to index
        %get3A_881 = arith.index_cast %mul3A_50 : i32 to index
        %get3A_882 = tpu.vector_load %arg10[%get3A_880, %get3A_881] {strides = array<i32>} : memref<128x256xf32, #tpu.memory_space<vmem>>, vector<1x16xf32>,
        %get3A_883 = vector.shape_cast %get3A_882 : vector<1x16xf32> to vector<16xf32>
        %max3A_884 = arith.maximumf %max3A_878, %get3A_883 : vector<16xf32>
        %get3A_885 = arith.constant 127 : i32
        %get3A_886 = arith.index_cast %get3A_885 : i32 to index
        %get3A_887 = arith.index_cast %mul3A_50 : i32 to index
        %get3A_888 = tpu.vector_load %arg10[%get3A_886, %get3A_887] {strides = array<i32>} : memref<128x256xf32, #tpu.memory_space<vmem>>, vector<1x16xf32>,
        %get3A_889 = vector.shape_cast %get3A_888 : vector<1x16xf32> to vector<16xf32>
        %max3A_890 = arith.maximumf %max3A_884, %get3A_889 : vector<16xf32>
        %mul3A_891 = arith.mulf %max3A_890, %get3A_52 : vector<16xf32>
        %add3A_892 = arith.addf %mul3A_891, %get3A_55 : vector<16xf32>
        %max3A_893 = arith.constant 0.000000e+00 : f32
        %max3A_894 = vector.broadcast %max3A_893 : f32 to vector<16xf32>
        %max3A_895 = arith.maximumf %add3A_892, %max3A_894 : vector<16xf32>
        %swap3A_896 = arith.constant 7 : i32
        %swap3A_897 = arith.index_cast %swap3A_896 : i32 to index
        %swap3A_898 = arith.index_cast %mul3A_50 : i32 to index
        %swap3A_899 = tpu.vector_load %arg11[%swap3A_897, %swap3A_898] {strides = array<i32>} : memref<8x256xf32, #tpu.memory_space<vmem>>, vector<1x16xf32>,
        %swap3A_900 = vector.shape_cast %swap3A_899 : vector<1x16xf32> to vector<16xf32>
        %swap3A_901 = vector.shape_cast %max3A_895 : vector<16xf32> to vector<1x16xf32>
        tpu.vector_store %arg11[%swap3A_897, %swap3A_898], %swap3A_901 {strides = array<i32>} : memref<8x256xf32, #tpu.memory_space<vmem>>, vector<1x16xf32>,
        %scan3A_902 = arith.constant 0 : i32
        scf.yield %scan3A_902 : i32
      }
      %scan3A_45 = arith.constant 16 : i32
      "tpu.region"() ({
        %run_scoped3A = tpu.sem_alloc : memref<!tpu.dma_semaphore, #tpu.memory_space<semaphore_mem>>
        %dma_start3A_47 = arith.constant 0 : i32
        %dma_start3A_48 = tpu.memref_slice %arg6[%add3A_17, %dma_start3A_47] : memref<8192x256xf32, #tpu.memory_space<hbm>> -> memref<8x256xf32, #tpu.memory_space<hbm>>
        %dma_start3A_49 = arith.constant 0 : i32
        %dma_start3A_50 = tpu.memref_slice %arg6[%add3A_17, %dma_start3A_49] : memref<8192x256xf32, #tpu.memory_space<hbm>> -> memref<8x256xf32, #tpu.memory_space<hbm>>
        tpu.enqueue_dma source(%arg11 : memref<8x256xf32, #tpu.memory_space<vmem>>) target(%dma_start3A_50 : memref<8x256xf32, #tpu.memory_space<hbm>>) target_semaphore(%run_scoped3A : memref<!tpu.dma_semaphore, #tpu.memory_space<semaphore_mem>>)
        %dma_wait3A_51 = arith.constant 0 : i32
        %dma_wait3A_52 = tpu.memref_slice %arg6[%add3A_17, %dma_wait3A_51] : memref<8192x256xf32, #tpu.memory_space<hbm>> -> memref<8x256xf32, #tpu.memory_space<hbm>>
        %dma_wait3A_53 = arith.constant 0 : i32
        %dma_wait3A_54 = tpu.memref_slice %arg6[%add3A_17, %dma_wait3A_53] : memref<8192x256xf32, #tpu.memory_space<hbm>> -> memref<8x256xf32, #tpu.memory_space<hbm>>
        tpu.wait_dma2 semaphore(%run_scoped3A : memref<!tpu.dma_semaphore, #tpu.memory_space<semaphore_mem>>) src(%arg11 : memref<8x256xf32, #tpu.memory_space<vmem>>) dst(%dma_wait3A_54 : memref<8x256xf32, #tpu.memory_space<hbm>>)
        tpu.yield
      }) : () -> ()
      %scan3A_46 = arith.constant 0 : i32
      scf.yield %scan3A_46 : i32
    }
    %scan3A_6 = arith.constant 16 : i32
    return
  }
}

module attributes {stable_mosaic.version = 14 : i64} {
  func.func @_fps_body(%arg0: memref<3x16x2048xf32, #tpu.memory_space<vmem>>, %arg1: memref<16x3x512xf32, #tpu.memory_space<vmem>>) attributes {dimension_semantics = [], scalar_prefetch = 0 : i64, scratch_operands = 0 : i64, tpu.core_type = #tpu.core_type<tc>} {
    %get3A = arith.constant 0 : index
    %get3A_0 = arith.constant 0 : index
    %get3A_1 = arith.constant 0 : index
    %get3A_2 = vector.load %arg0[%get3A, %get3A_0, %get3A_1] : memref<3x16x2048xf32, #tpu.memory_space<vmem>>, vector<1x16x2048xf32>
    %get3A_3 = vector.shape_cast %get3A_2 : vector<1x16x2048xf32> to vector<16x2048xf32>
    %get3A_4 = arith.constant 1 : index
    %get3A_5 = arith.constant 0 : index
    %get3A_6 = arith.constant 0 : index
    %get3A_7 = vector.load %arg0[%get3A_4, %get3A_5, %get3A_6] : memref<3x16x2048xf32, #tpu.memory_space<vmem>>, vector<1x16x2048xf32>
    %get3A_8 = vector.shape_cast %get3A_7 : vector<1x16x2048xf32> to vector<16x2048xf32>
    %get3A_9 = arith.constant 2 : index
    %get3A_10 = arith.constant 0 : index
    %get3A_11 = arith.constant 0 : index
    %get3A_12 = vector.load %arg0[%get3A_9, %get3A_10, %get3A_11] : memref<3x16x2048xf32, #tpu.memory_space<vmem>>, vector<1x16x2048xf32>
    %get3A_13 = vector.shape_cast %get3A_12 : vector<1x16x2048xf32> to vector<16x2048xf32>
    %iota3A = tpu.iota {dimensions = array<i32: 1>} : vector<16x2048xi32>
    %iota3A_14 = tpu.iota {dimensions = array<i32: 1>} : vector<16x512xi32>
    %broadcast_in_dim3A = arith.constant 1.000000e+10 : f32
    %broadcast_in_dim3A_15 = vector.broadcast %broadcast_in_dim3A : f32 to vector<16x2048xf32>
    %broadcast_in_dim3A_16 = arith.constant 0 : i32
    %broadcast_in_dim3A_17 = vector.broadcast %broadcast_in_dim3A_16 : i32 to vector<16x1xi32>
    %broadcast_in_dim3A_18 = arith.constant 0.000000e+00 : f32
    %broadcast_in_dim3A_19 = vector.broadcast %broadcast_in_dim3A_18 : f32 to vector<16x512xf32>
    %scan3A = arith.constant 0 : i32
    %scan3A_20 = arith.constant 512 : i32
    %scan3A_21 = arith.addi %scan3A, %scan3A_20 : i32
    %scan3A_22 = arith.constant 1 : i32
    %scan3A_23:5 = scf.for %scan3A_39 = %scan3A to %scan3A_21 step %scan3A_22 iter_args(%scan3A_40 = %broadcast_in_dim3A_15, %scan3A_41 = %broadcast_in_dim3A_17, %scan3A_42 = %broadcast_in_dim3A_19, %scan3A_43 = %broadcast_in_dim3A_19, %scan3A_44 = %broadcast_in_dim3A_19) -> (vector<16x2048xf32>, vector<16x1xi32>, vector<16x512xf32>, vector<16x512xf32>, vector<16x512xf32>)  : i32 {
      %eq3A = vector.broadcast %scan3A_41 : vector<16x1xi32> to vector<16x2048xi32>
      %eq3A_45 = arith.cmpi eq, %iota3A, %eq3A : vector<16x2048xi32>
      %convert_element_type3A = arith.extui %eq3A_45 : vector<16x2048xi1> to vector<16x2048xi32>
      %convert_element_type3A_46 = arith.sitofp %convert_element_type3A : vector<16x2048xi32> to vector<16x2048xf32>
      %mul3A = arith.mulf %get3A_3, %convert_element_type3A_46 : vector<16x2048xf32>
      %reduce_sum3A = arith.constant dense<0.000000e+00> : vector<16xf32>
      %reduce_sum3A_47 = vector.multi_reduction <add>, %mul3A, %reduce_sum3A [1] : vector<16x2048xf32> to vector<16xf32>
      %broadcast_in_dim3A_48 = vector.shape_cast %reduce_sum3A_47 : vector<16xf32> to vector<16x1xf32>
      %mul3A_49 = arith.mulf %get3A_8, %convert_element_type3A_46 : vector<16x2048xf32>
      %reduce_sum3A_50 = arith.constant dense<0.000000e+00> : vector<16xf32>
      %reduce_sum3A_51 = vector.multi_reduction <add>, %mul3A_49, %reduce_sum3A_50 [1] : vector<16x2048xf32> to vector<16xf32>
      %broadcast_in_dim3A_52 = vector.shape_cast %reduce_sum3A_51 : vector<16xf32> to vector<16x1xf32>
      %mul3A_53 = arith.mulf %get3A_13, %convert_element_type3A_46 : vector<16x2048xf32>
      %reduce_sum3A_54 = arith.constant dense<0.000000e+00> : vector<16xf32>
      %reduce_sum3A_55 = vector.multi_reduction <add>, %mul3A_53, %reduce_sum3A_54 [1] : vector<16x2048xf32> to vector<16xf32>
      %broadcast_in_dim3A_56 = vector.shape_cast %reduce_sum3A_55 : vector<16xf32> to vector<16x1xf32>
      %eq3A_57 = vector.broadcast %scan3A_39 : i32 to vector<16x512xi32>
      %eq3A_58 = arith.cmpi eq, %iota3A_14, %eq3A_57 : vector<16x512xi32>
      %convert_element_type3A_59 = arith.extui %eq3A_58 : vector<16x512xi1> to vector<16x512xi32>
      %convert_element_type3A_60 = arith.sitofp %convert_element_type3A_59 : vector<16x512xi32> to vector<16x512xf32>
      %mul3A_61 = vector.broadcast %broadcast_in_dim3A_48 : vector<16x1xf32> to vector<16x512xf32>
      %mul3A_62 = arith.mulf %convert_element_type3A_60, %mul3A_61 : vector<16x512xf32>
      %add3A = arith.addf %scan3A_42, %mul3A_62 : vector<16x512xf32>
      %mul3A_63 = vector.broadcast %broadcast_in_dim3A_52 : vector<16x1xf32> to vector<16x512xf32>
      %mul3A_64 = arith.mulf %convert_element_type3A_60, %mul3A_63 : vector<16x512xf32>
      %add3A_65 = arith.addf %scan3A_43, %mul3A_64 : vector<16x512xf32>
      %mul3A_66 = vector.broadcast %broadcast_in_dim3A_56 : vector<16x1xf32> to vector<16x512xf32>
      %mul3A_67 = arith.mulf %convert_element_type3A_60, %mul3A_66 : vector<16x512xf32>
      %add3A_68 = arith.addf %scan3A_44, %mul3A_67 : vector<16x512xf32>
      %sub3A = vector.broadcast %broadcast_in_dim3A_48 : vector<16x1xf32> to vector<16x2048xf32>
      %sub3A_69 = arith.subf %get3A_3, %sub3A : vector<16x2048xf32>
      %integer_pow3A = arith.mulf %sub3A_69, %sub3A_69 : vector<16x2048xf32>
      %sub3A_70 = vector.broadcast %broadcast_in_dim3A_52 : vector<16x1xf32> to vector<16x2048xf32>
      %sub3A_71 = arith.subf %get3A_8, %sub3A_70 : vector<16x2048xf32>
      %integer_pow3A_72 = arith.mulf %sub3A_71, %sub3A_71 : vector<16x2048xf32>
      %add3A_73 = arith.addf %integer_pow3A, %integer_pow3A_72 : vector<16x2048xf32>
      %sub3A_74 = vector.broadcast %broadcast_in_dim3A_56 : vector<16x1xf32> to vector<16x2048xf32>
      %sub3A_75 = arith.subf %get3A_13, %sub3A_74 : vector<16x2048xf32>
      %integer_pow3A_76 = arith.mulf %sub3A_75, %sub3A_75 : vector<16x2048xf32>
      %add3A_77 = arith.addf %add3A_73, %integer_pow3A_76 : vector<16x2048xf32>
      %min3A = arith.minimumf %scan3A_40, %add3A_77 : vector<16x2048xf32>
      %argmax3A = tpu.reduce_index %min3A {axis = 1 : i32, kind = #tpu.reduction_kind<arg_max>} : vector<16x2048xf32> -> vector<16xi32>
      %broadcast_in_dim3A_78 = vector.shape_cast %argmax3A : vector<16xi32> to vector<16x1xi32>
      scf.yield %min3A, %broadcast_in_dim3A_78, %add3A, %add3A_65, %add3A_68 : vector<16x2048xf32>, vector<16x1xi32>, vector<16x512xf32>, vector<16x512xf32>, vector<16x512xf32>
    }
    %scan3A_24 = arith.constant 512 : i32
    %broadcast_in_dim3A_25 = vector.shape_cast %scan3A_23#2 : vector<16x512xf32> to vector<16x1x512xf32>
    %swap3A = arith.constant 0 : index
    %swap3A_26 = arith.constant 0 : index
    %swap3A_27 = arith.constant 0 : index
    %swap3A_28 = vector.load %arg1[%swap3A, %swap3A_26, %swap3A_27] : memref<16x3x512xf32, #tpu.memory_space<vmem>>, vector<16x1x512xf32>
    tpu.vector_store %arg1[%swap3A, %swap3A_26, %swap3A_27], %broadcast_in_dim3A_25 {strides = array<i32>} : memref<16x3x512xf32, #tpu.memory_space<vmem>>, vector<16x1x512xf32>,
    %broadcast_in_dim3A_29 = vector.shape_cast %scan3A_23#3 : vector<16x512xf32> to vector<16x1x512xf32>
    %swap3A_30 = arith.constant 0 : index
    %swap3A_31 = arith.constant 1 : index
    %swap3A_32 = arith.constant 0 : index
    %swap3A_33 = vector.load %arg1[%swap3A_30, %swap3A_31, %swap3A_32] : memref<16x3x512xf32, #tpu.memory_space<vmem>>, vector<16x1x512xf32>
    tpu.vector_store %arg1[%swap3A_30, %swap3A_31, %swap3A_32], %broadcast_in_dim3A_29 {strides = array<i32>} : memref<16x3x512xf32, #tpu.memory_space<vmem>>, vector<16x1x512xf32>,
    %broadcast_in_dim3A_34 = vector.shape_cast %scan3A_23#4 : vector<16x512xf32> to vector<16x1x512xf32>
    %swap3A_35 = arith.constant 0 : index
    %swap3A_36 = arith.constant 2 : index
    %swap3A_37 = arith.constant 0 : index
    %swap3A_38 = vector.load %arg1[%swap3A_35, %swap3A_36, %swap3A_37] : memref<16x3x512xf32, #tpu.memory_space<vmem>>, vector<16x1x512xf32>
    tpu.vector_store %arg1[%swap3A_35, %swap3A_36, %swap3A_37], %broadcast_in_dim3A_34 {strides = array<i32>} : memref<16x3x512xf32, #tpu.memory_space<vmem>>, vector<16x1x512xf32>,
    return
  }
}

module attributes {stable_mosaic.version = 14 : i64} {
  func.func @_knn_body(%arg0: i32, %arg1: memref<1x2048x3xf32, #tpu.memory_space<vmem>>, %arg2: memref<1x3x512xf32, #tpu.memory_space<vmem>>, %arg3: memref<1x16x512xi32, #tpu.memory_space<vmem>>, %arg4: memref<1x2048x1xf32, #tpu.memory_space<vmem>>) attributes {dimension_semantics = [#tpu.dimension_semantics<arbitrary>], iteration_bounds = array<i64: 16>, scalar_prefetch = 0 : i64, scratch_operands = 0 : i64, tpu.core_type = #tpu.core_type<tc>, window_params = [{transform_indices = @transform_0, window_bounds = array<i64: 1, 2048, 3>}, {transform_indices = @transform_1, window_bounds = array<i64: 1, 3, 512>}, {transform_indices = @transform_2, window_bounds = array<i64: 1, 16, 512>}, {transform_indices = @transform_3, window_bounds = array<i64: 1, 2048, 1>}]} {
    %get3A = arith.constant 0 : index
    %get3A_0 = arith.constant 0 : index
    %get3A_1 = arith.constant 0 : index
    %get3A_2 = vector.load %arg1[%get3A, %get3A_0, %get3A_1] : memref<1x2048x3xf32, #tpu.memory_space<vmem>>, vector<1x2048x3xf32>
    %get3A_3 = vector.shape_cast %get3A_2 : vector<1x2048x3xf32> to vector<2048x3xf32>
    %slice3A = vector.extract_strided_slice %get3A_3 {offsets = [0, 0], sizes = [2048, 1], strides = [1, 1]} : vector<2048x3xf32> to vector<2048x1xf32>
    %slice3A_4 = vector.extract_strided_slice %get3A_3 {offsets = [0, 1], sizes = [2048, 1], strides = [1, 1]} : vector<2048x3xf32> to vector<2048x1xf32>
    %slice3A_5 = vector.extract_strided_slice %get3A_3 {offsets = [0, 2], sizes = [2048, 1], strides = [1, 1]} : vector<2048x3xf32> to vector<2048x1xf32>
    %get3A_6 = arith.constant 0 : index
    %get3A_7 = arith.constant 0 : index
    %get3A_8 = arith.constant 0 : index
    %get3A_9 = vector.load %arg2[%get3A_6, %get3A_7, %get3A_8] : memref<1x3x512xf32, #tpu.memory_space<vmem>>, vector<1x1x512xf32>
    %get3A_10 = vector.shape_cast %get3A_9 : vector<1x1x512xf32> to vector<1x512xf32>
    %get3A_11 = arith.constant 0 : index
    %get3A_12 = arith.constant 1 : index
    %get3A_13 = arith.constant 0 : index
    %get3A_14 = vector.load %arg2[%get3A_11, %get3A_12, %get3A_13] : memref<1x3x512xf32, #tpu.memory_space<vmem>>, vector<1x1x512xf32>
    %get3A_15 = vector.shape_cast %get3A_14 : vector<1x1x512xf32> to vector<1x512xf32>
    %get3A_16 = arith.constant 0 : index
    %get3A_17 = arith.constant 2 : index
    %get3A_18 = arith.constant 0 : index
    %get3A_19 = vector.load %arg2[%get3A_16, %get3A_17, %get3A_18] : memref<1x3x512xf32, #tpu.memory_space<vmem>>, vector<1x1x512xf32>
    %get3A_20 = vector.shape_cast %get3A_19 : vector<1x1x512xf32> to vector<1x512xf32>
    %mul3A = arith.mulf %slice3A, %slice3A : vector<2048x1xf32>
    %mul3A_21 = arith.mulf %slice3A_4, %slice3A_4 : vector<2048x1xf32>
    %add3A = arith.addf %mul3A, %mul3A_21 : vector<2048x1xf32>
    %mul3A_22 = arith.mulf %slice3A_5, %slice3A_5 : vector<2048x1xf32>
    %add3A_23 = arith.addf %add3A, %mul3A_22 : vector<2048x1xf32>
    %mul3A_24 = arith.mulf %get3A_10, %get3A_10 : vector<1x512xf32>
    %mul3A_25 = arith.mulf %get3A_15, %get3A_15 : vector<1x512xf32>
    %add3A_26 = arith.addf %mul3A_24, %mul3A_25 : vector<1x512xf32>
    %mul3A_27 = arith.mulf %get3A_20, %get3A_20 : vector<1x512xf32>
    %add3A_28 = arith.addf %add3A_26, %mul3A_27 : vector<1x512xf32>
    %get3A_29 = arith.constant 0 : index
    %get3A_30 = arith.constant 0 : index
    %get3A_31 = arith.constant 0 : index
    %get3A_32 = vector.load %arg2[%get3A_29, %get3A_30, %get3A_31] : memref<1x3x512xf32, #tpu.memory_space<vmem>>, vector<1x3x512xf32>
    %get3A_33 = vector.shape_cast %get3A_32 : vector<1x3x512xf32> to vector<3x512xf32>
    %dot_general3A = arith.constant dense<0.000000e+00> : vector<2048x512xf32>
    %dot_general3A_34 = tpu.matmul %get3A_3, %get3A_33, %dot_general3A {dimension_numbers = #tpu.dot_dimension_numbers<[1], [0], [0], [1], [0, 0, 1, 1], [], []>, transpose_lhs_hint = false} : vector<2048x3xf32>, vector<3x512xf32>, vector<2048x512xf32> -> vector<2048x512xf32>
    %add3A_35 = vector.broadcast %add3A_28 : vector<1x512xf32> to vector<2048x512xf32>
    %add3A_36 = vector.broadcast %add3A_23 : vector<2048x1xf32> to vector<2048x512xf32>
    %add3A_37 = arith.addf %add3A_35, %add3A_36 : vector<2048x512xf32>
    %mul3A_38 = arith.constant 2.000000e+00 : f32
    %mul3A_39 = vector.broadcast %mul3A_38 : f32 to vector<2048x512xf32>
    %mul3A_40 = arith.mulf %mul3A_39, %dot_general3A_34 : vector<2048x512xf32>
    %sub3A = arith.subf %add3A_37, %mul3A_40 : vector<2048x512xf32>
    %max3A = arith.constant 0.000000e+00 : f32
    %max3A_41 = vector.broadcast %max3A : f32 to vector<2048x512xf32>
    %max3A_42 = arith.maximumf %sub3A, %max3A_41 : vector<2048x512xf32>
    %iota3A = tpu.iota {dimensions = array<i32: 0>} : vector<2048x512xi32>
    %argmin3A = tpu.reduce_index %max3A_42 {axis = 0 : i32, kind = #tpu.reduction_kind<arg_min>} : vector<2048x512xf32> -> vector<512xi32>
    %broadcast_in_dim3A = vector.shape_cast %argmin3A : vector<512xi32> to vector<1x512xi32>
    %eq3A = vector.broadcast %broadcast_in_dim3A : vector<1x512xi32> to vector<2048x512xi32>
    %eq3A_43 = arith.cmpi eq, %iota3A, %eq3A : vector<2048x512xi32>
    %jit3A = arith.constant 0x7F800000 : f32
    %broadcast_in_dim3A_44 = vector.broadcast %jit3A : f32 to vector<2048x512xf32>
    %select_n3A = arith.select %eq3A_43, %broadcast_in_dim3A_44, %max3A_42 : vector<2048x512xi1>, vector<2048x512xf32>
    %broadcast_in_dim3A_45 = vector.shape_cast %broadcast_in_dim3A : vector<1x512xi32> to vector<1x1x512xi32>
    %swap3A = arith.constant 0 : index
    %swap3A_46 = arith.constant 0 : index
    %swap3A_47 = arith.constant 0 : index
    %swap3A_48 = vector.load %arg3[%swap3A, %swap3A_46, %swap3A_47] : memref<1x16x512xi32, #tpu.memory_space<vmem>>, vector<1x1x512xi32>
    tpu.vector_store %arg3[%swap3A, %swap3A_46, %swap3A_47], %broadcast_in_dim3A_45 {strides = array<i32>} : memref<1x16x512xi32, #tpu.memory_space<vmem>>, vector<1x1x512xi32>,
    %argmin3A_49 = tpu.reduce_index %select_n3A {axis = 0 : i32, kind = #tpu.reduction_kind<arg_min>} : vector<2048x512xf32> -> vector<512xi32>
    %broadcast_in_dim3A_50 = vector.shape_cast %argmin3A_49 : vector<512xi32> to vector<1x512xi32>
    %eq3A_51 = vector.broadcast %broadcast_in_dim3A_50 : vector<1x512xi32> to vector<2048x512xi32>
    %eq3A_52 = arith.cmpi eq, %iota3A, %eq3A_51 : vector<2048x512xi32>
    %jit3A_53 = arith.constant 0x7F800000 : f32
    %broadcast_in_dim3A_54 = vector.broadcast %jit3A_53 : f32 to vector<2048x512xf32>
    %select_n3A_55 = arith.select %eq3A_52, %broadcast_in_dim3A_54, %select_n3A : vector<2048x512xi1>, vector<2048x512xf32>
    %broadcast_in_dim3A_56 = vector.shape_cast %broadcast_in_dim3A_50 : vector<1x512xi32> to vector<1x1x512xi32>
    %swap3A_57 = arith.constant 0 : index
    %swap3A_58 = arith.constant 1 : index
    %swap3A_59 = arith.constant 0 : index
    %swap3A_60 = vector.load %arg3[%swap3A_57, %swap3A_58, %swap3A_59] : memref<1x16x512xi32, #tpu.memory_space<vmem>>, vector<1x1x512xi32>
    tpu.vector_store %arg3[%swap3A_57, %swap3A_58, %swap3A_59], %broadcast_in_dim3A_56 {strides = array<i32>} : memref<1x16x512xi32, #tpu.memory_space<vmem>>, vector<1x1x512xi32>,
    %argmin3A_61 = tpu.reduce_index %select_n3A_55 {axis = 0 : i32, kind = #tpu.reduction_kind<arg_min>} : vector<2048x512xf32> -> vector<512xi32>
    %broadcast_in_dim3A_62 = vector.shape_cast %argmin3A_61 : vector<512xi32> to vector<1x512xi32>
    %eq3A_63 = vector.broadcast %broadcast_in_dim3A_62 : vector<1x512xi32> to vector<2048x512xi32>
    %eq3A_64 = arith.cmpi eq, %iota3A, %eq3A_63 : vector<2048x512xi32>
    %jit3A_65 = arith.constant 0x7F800000 : f32
    %broadcast_in_dim3A_66 = vector.broadcast %jit3A_65 : f32 to vector<2048x512xf32>
    %select_n3A_67 = arith.select %eq3A_64, %broadcast_in_dim3A_66, %select_n3A_55 : vector<2048x512xi1>, vector<2048x512xf32>
    %broadcast_in_dim3A_68 = vector.shape_cast %broadcast_in_dim3A_62 : vector<1x512xi32> to vector<1x1x512xi32>
    %swap3A_69 = arith.constant 0 : index
    %swap3A_70 = arith.constant 2 : index
    %swap3A_71 = arith.constant 0 : index
    %swap3A_72 = vector.load %arg3[%swap3A_69, %swap3A_70, %swap3A_71] : memref<1x16x512xi32, #tpu.memory_space<vmem>>, vector<1x1x512xi32>
    tpu.vector_store %arg3[%swap3A_69, %swap3A_70, %swap3A_71], %broadcast_in_dim3A_68 {strides = array<i32>} : memref<1x16x512xi32, #tpu.memory_space<vmem>>, vector<1x1x512xi32>,
    %argmin3A_73 = tpu.reduce_index %select_n3A_67 {axis = 0 : i32, kind = #tpu.reduction_kind<arg_min>} : vector<2048x512xf32> -> vector<512xi32>
    %broadcast_in_dim3A_74 = vector.shape_cast %argmin3A_73 : vector<512xi32> to vector<1x512xi32>
    %eq3A_75 = vector.broadcast %broadcast_in_dim3A_74 : vector<1x512xi32> to vector<2048x512xi32>
    %eq3A_76 = arith.cmpi eq, %iota3A, %eq3A_75 : vector<2048x512xi32>
    %jit3A_77 = arith.constant 0x7F800000 : f32
    %broadcast_in_dim3A_78 = vector.broadcast %jit3A_77 : f32 to vector<2048x512xf32>
    %select_n3A_79 = arith.select %eq3A_76, %broadcast_in_dim3A_78, %select_n3A_67 : vector<2048x512xi1>, vector<2048x512xf32>
    %broadcast_in_dim3A_80 = vector.shape_cast %broadcast_in_dim3A_74 : vector<1x512xi32> to vector<1x1x512xi32>
    %swap3A_81 = arith.constant 0 : index
    %swap3A_82 = arith.constant 3 : index
    %swap3A_83 = arith.constant 0 : index
    %swap3A_84 = vector.load %arg3[%swap3A_81, %swap3A_82, %swap3A_83] : memref<1x16x512xi32, #tpu.memory_space<vmem>>, vector<1x1x512xi32>
    tpu.vector_store %arg3[%swap3A_81, %swap3A_82, %swap3A_83], %broadcast_in_dim3A_80 {strides = array<i32>} : memref<1x16x512xi32, #tpu.memory_space<vmem>>, vector<1x1x512xi32>,
    %argmin3A_85 = tpu.reduce_index %select_n3A_79 {axis = 0 : i32, kind = #tpu.reduction_kind<arg_min>} : vector<2048x512xf32> -> vector<512xi32>
    %broadcast_in_dim3A_86 = vector.shape_cast %argmin3A_85 : vector<512xi32> to vector<1x512xi32>
    %eq3A_87 = vector.broadcast %broadcast_in_dim3A_86 : vector<1x512xi32> to vector<2048x512xi32>
    %eq3A_88 = arith.cmpi eq, %iota3A, %eq3A_87 : vector<2048x512xi32>
    %jit3A_89 = arith.constant 0x7F800000 : f32
    %broadcast_in_dim3A_90 = vector.broadcast %jit3A_89 : f32 to vector<2048x512xf32>
    %select_n3A_91 = arith.select %eq3A_88, %broadcast_in_dim3A_90, %select_n3A_79 : vector<2048x512xi1>, vector<2048x512xf32>
    %broadcast_in_dim3A_92 = vector.shape_cast %broadcast_in_dim3A_86 : vector<1x512xi32> to vector<1x1x512xi32>
    %swap3A_93 = arith.constant 0 : index
    %swap3A_94 = arith.constant 4 : index
    %swap3A_95 = arith.constant 0 : index
    %swap3A_96 = vector.load %arg3[%swap3A_93, %swap3A_94, %swap3A_95] : memref<1x16x512xi32, #tpu.memory_space<vmem>>, vector<1x1x512xi32>
    tpu.vector_store %arg3[%swap3A_93, %swap3A_94, %swap3A_95], %broadcast_in_dim3A_92 {strides = array<i32>} : memref<1x16x512xi32, #tpu.memory_space<vmem>>, vector<1x1x512xi32>,
    %argmin3A_97 = tpu.reduce_index %select_n3A_91 {axis = 0 : i32, kind = #tpu.reduction_kind<arg_min>} : vector<2048x512xf32> -> vector<512xi32>
    %broadcast_in_dim3A_98 = vector.shape_cast %argmin3A_97 : vector<512xi32> to vector<1x512xi32>
    %eq3A_99 = vector.broadcast %broadcast_in_dim3A_98 : vector<1x512xi32> to vector<2048x512xi32>
    %eq3A_100 = arith.cmpi eq, %iota3A, %eq3A_99 : vector<2048x512xi32>
    %jit3A_101 = arith.constant 0x7F800000 : f32
    %broadcast_in_dim3A_102 = vector.broadcast %jit3A_101 : f32 to vector<2048x512xf32>
    %select_n3A_103 = arith.select %eq3A_100, %broadcast_in_dim3A_102, %select_n3A_91 : vector<2048x512xi1>, vector<2048x512xf32>
    %broadcast_in_dim3A_104 = vector.shape_cast %broadcast_in_dim3A_98 : vector<1x512xi32> to vector<1x1x512xi32>
    %swap3A_105 = arith.constant 0 : index
    %swap3A_106 = arith.constant 5 : index
    %swap3A_107 = arith.constant 0 : index
    %swap3A_108 = vector.load %arg3[%swap3A_105, %swap3A_106, %swap3A_107] : memref<1x16x512xi32, #tpu.memory_space<vmem>>, vector<1x1x512xi32>
    tpu.vector_store %arg3[%swap3A_105, %swap3A_106, %swap3A_107], %broadcast_in_dim3A_104 {strides = array<i32>} : memref<1x16x512xi32, #tpu.memory_space<vmem>>, vector<1x1x512xi32>,
    %argmin3A_109 = tpu.reduce_index %select_n3A_103 {axis = 0 : i32, kind = #tpu.reduction_kind<arg_min>} : vector<2048x512xf32> -> vector<512xi32>
    %broadcast_in_dim3A_110 = vector.shape_cast %argmin3A_109 : vector<512xi32> to vector<1x512xi32>
    %eq3A_111 = vector.broadcast %broadcast_in_dim3A_110 : vector<1x512xi32> to vector<2048x512xi32>
    %eq3A_112 = arith.cmpi eq, %iota3A, %eq3A_111 : vector<2048x512xi32>
    %jit3A_113 = arith.constant 0x7F800000 : f32
    %broadcast_in_dim3A_114 = vector.broadcast %jit3A_113 : f32 to vector<2048x512xf32>
    %select_n3A_115 = arith.select %eq3A_112, %broadcast_in_dim3A_114, %select_n3A_103 : vector<2048x512xi1>, vector<2048x512xf32>
    %broadcast_in_dim3A_116 = vector.shape_cast %broadcast_in_dim3A_110 : vector<1x512xi32> to vector<1x1x512xi32>
    %swap3A_117 = arith.constant 0 : index
    %swap3A_118 = arith.constant 6 : index
    %swap3A_119 = arith.constant 0 : index
    %swap3A_120 = vector.load %arg3[%swap3A_117, %swap3A_118, %swap3A_119] : memref<1x16x512xi32, #tpu.memory_space<vmem>>, vector<1x1x512xi32>
    tpu.vector_store %arg3[%swap3A_117, %swap3A_118, %swap3A_119], %broadcast_in_dim3A_116 {strides = array<i32>} : memref<1x16x512xi32, #tpu.memory_space<vmem>>, vector<1x1x512xi32>,
    %argmin3A_121 = tpu.reduce_index %select_n3A_115 {axis = 0 : i32, kind = #tpu.reduction_kind<arg_min>} : vector<2048x512xf32> -> vector<512xi32>
    %broadcast_in_dim3A_122 = vector.shape_cast %argmin3A_121 : vector<512xi32> to vector<1x512xi32>
    %eq3A_123 = vector.broadcast %broadcast_in_dim3A_122 : vector<1x512xi32> to vector<2048x512xi32>
    %eq3A_124 = arith.cmpi eq, %iota3A, %eq3A_123 : vector<2048x512xi32>
    %jit3A_125 = arith.constant 0x7F800000 : f32
    %broadcast_in_dim3A_126 = vector.broadcast %jit3A_125 : f32 to vector<2048x512xf32>
    %select_n3A_127 = arith.select %eq3A_124, %broadcast_in_dim3A_126, %select_n3A_115 : vector<2048x512xi1>, vector<2048x512xf32>
    %broadcast_in_dim3A_128 = vector.shape_cast %broadcast_in_dim3A_122 : vector<1x512xi32> to vector<1x1x512xi32>
    %swap3A_129 = arith.constant 0 : index
    %swap3A_130 = arith.constant 7 : index
    %swap3A_131 = arith.constant 0 : index
    %swap3A_132 = vector.load %arg3[%swap3A_129, %swap3A_130, %swap3A_131] : memref<1x16x512xi32, #tpu.memory_space<vmem>>, vector<1x1x512xi32>
    tpu.vector_store %arg3[%swap3A_129, %swap3A_130, %swap3A_131], %broadcast_in_dim3A_128 {strides = array<i32>} : memref<1x16x512xi32, #tpu.memory_space<vmem>>, vector<1x1x512xi32>,
    %argmin3A_133 = tpu.reduce_index %select_n3A_127 {axis = 0 : i32, kind = #tpu.reduction_kind<arg_min>} : vector<2048x512xf32> -> vector<512xi32>
    %broadcast_in_dim3A_134 = vector.shape_cast %argmin3A_133 : vector<512xi32> to vector<1x512xi32>
    %eq3A_135 = vector.broadcast %broadcast_in_dim3A_134 : vector<1x512xi32> to vector<2048x512xi32>
    %eq3A_136 = arith.cmpi eq, %iota3A, %eq3A_135 : vector<2048x512xi32>
    %jit3A_137 = arith.constant 0x7F800000 : f32
    %broadcast_in_dim3A_138 = vector.broadcast %jit3A_137 : f32 to vector<2048x512xf32>
    %select_n3A_139 = arith.select %eq3A_136, %broadcast_in_dim3A_138, %select_n3A_127 : vector<2048x512xi1>, vector<2048x512xf32>
    %broadcast_in_dim3A_140 = vector.shape_cast %broadcast_in_dim3A_134 : vector<1x512xi32> to vector<1x1x512xi32>
    %swap3A_141 = arith.constant 0 : index
    %swap3A_142 = arith.constant 8 : index
    %swap3A_143 = arith.constant 0 : index
    %swap3A_144 = vector.load %arg3[%swap3A_141, %swap3A_142, %swap3A_143] : memref<1x16x512xi32, #tpu.memory_space<vmem>>, vector<1x1x512xi32>
    tpu.vector_store %arg3[%swap3A_141, %swap3A_142, %swap3A_143], %broadcast_in_dim3A_140 {strides = array<i32>} : memref<1x16x512xi32, #tpu.memory_space<vmem>>, vector<1x1x512xi32>,
    %argmin3A_145 = tpu.reduce_index %select_n3A_139 {axis = 0 : i32, kind = #tpu.reduction_kind<arg_min>} : vector<2048x512xf32> -> vector<512xi32>
    %broadcast_in_dim3A_146 = vector.shape_cast %argmin3A_145 : vector<512xi32> to vector<1x512xi32>
    %eq3A_147 = vector.broadcast %broadcast_in_dim3A_146 : vector<1x512xi32> to vector<2048x512xi32>
    %eq3A_148 = arith.cmpi eq, %iota3A, %eq3A_147 : vector<2048x512xi32>
    %jit3A_149 = arith.constant 0x7F800000 : f32
    %broadcast_in_dim3A_150 = vector.broadcast %jit3A_149 : f32 to vector<2048x512xf32>
    %select_n3A_151 = arith.select %eq3A_148, %broadcast_in_dim3A_150, %select_n3A_139 : vector<2048x512xi1>, vector<2048x512xf32>
    %broadcast_in_dim3A_152 = vector.shape_cast %broadcast_in_dim3A_146 : vector<1x512xi32> to vector<1x1x512xi32>
    %swap3A_153 = arith.constant 0 : index
    %swap3A_154 = arith.constant 9 : index
    %swap3A_155 = arith.constant 0 : index
    %swap3A_156 = vector.load %arg3[%swap3A_153, %swap3A_154, %swap3A_155] : memref<1x16x512xi32, #tpu.memory_space<vmem>>, vector<1x1x512xi32>
    tpu.vector_store %arg3[%swap3A_153, %swap3A_154, %swap3A_155], %broadcast_in_dim3A_152 {strides = array<i32>} : memref<1x16x512xi32, #tpu.memory_space<vmem>>, vector<1x1x512xi32>,
    %argmin3A_157 = tpu.reduce_index %select_n3A_151 {axis = 0 : i32, kind = #tpu.reduction_kind<arg_min>} : vector<2048x512xf32> -> vector<512xi32>
    %broadcast_in_dim3A_158 = vector.shape_cast %argmin3A_157 : vector<512xi32> to vector<1x512xi32>
    %eq3A_159 = vector.broadcast %broadcast_in_dim3A_158 : vector<1x512xi32> to vector<2048x512xi32>
    %eq3A_160 = arith.cmpi eq, %iota3A, %eq3A_159 : vector<2048x512xi32>
    %jit3A_161 = arith.constant 0x7F800000 : f32
    %broadcast_in_dim3A_162 = vector.broadcast %jit3A_161 : f32 to vector<2048x512xf32>
    %select_n3A_163 = arith.select %eq3A_160, %broadcast_in_dim3A_162, %select_n3A_151 : vector<2048x512xi1>, vector<2048x512xf32>
    %broadcast_in_dim3A_164 = vector.shape_cast %broadcast_in_dim3A_158 : vector<1x512xi32> to vector<1x1x512xi32>
    %swap3A_165 = arith.constant 0 : index
    %swap3A_166 = arith.constant 10 : index
    %swap3A_167 = arith.constant 0 : index
    %swap3A_168 = vector.load %arg3[%swap3A_165, %swap3A_166, %swap3A_167] : memref<1x16x512xi32, #tpu.memory_space<vmem>>, vector<1x1x512xi32>
    tpu.vector_store %arg3[%swap3A_165, %swap3A_166, %swap3A_167], %broadcast_in_dim3A_164 {strides = array<i32>} : memref<1x16x512xi32, #tpu.memory_space<vmem>>, vector<1x1x512xi32>,
    %argmin3A_169 = tpu.reduce_index %select_n3A_163 {axis = 0 : i32, kind = #tpu.reduction_kind<arg_min>} : vector<2048x512xf32> -> vector<512xi32>
    %broadcast_in_dim3A_170 = vector.shape_cast %argmin3A_169 : vector<512xi32> to vector<1x512xi32>
    %eq3A_171 = vector.broadcast %broadcast_in_dim3A_170 : vector<1x512xi32> to vector<2048x512xi32>
    %eq3A_172 = arith.cmpi eq, %iota3A, %eq3A_171 : vector<2048x512xi32>
    %jit3A_173 = arith.constant 0x7F800000 : f32
    %broadcast_in_dim3A_174 = vector.broadcast %jit3A_173 : f32 to vector<2048x512xf32>
    %select_n3A_175 = arith.select %eq3A_172, %broadcast_in_dim3A_174, %select_n3A_163 : vector<2048x512xi1>, vector<2048x512xf32>
    %broadcast_in_dim3A_176 = vector.shape_cast %broadcast_in_dim3A_170 : vector<1x512xi32> to vector<1x1x512xi32>
    %swap3A_177 = arith.constant 0 : index
    %swap3A_178 = arith.constant 11 : index
    %swap3A_179 = arith.constant 0 : index
    %swap3A_180 = vector.load %arg3[%swap3A_177, %swap3A_178, %swap3A_179] : memref<1x16x512xi32, #tpu.memory_space<vmem>>, vector<1x1x512xi32>
    tpu.vector_store %arg3[%swap3A_177, %swap3A_178, %swap3A_179], %broadcast_in_dim3A_176 {strides = array<i32>} : memref<1x16x512xi32, #tpu.memory_space<vmem>>, vector<1x1x512xi32>,
    %argmin3A_181 = tpu.reduce_index %select_n3A_175 {axis = 0 : i32, kind = #tpu.reduction_kind<arg_min>} : vector<2048x512xf32> -> vector<512xi32>
    %broadcast_in_dim3A_182 = vector.shape_cast %argmin3A_181 : vector<512xi32> to vector<1x512xi32>
    %eq3A_183 = vector.broadcast %broadcast_in_dim3A_182 : vector<1x512xi32> to vector<2048x512xi32>
    %eq3A_184 = arith.cmpi eq, %iota3A, %eq3A_183 : vector<2048x512xi32>
    %jit3A_185 = arith.constant 0x7F800000 : f32
    %broadcast_in_dim3A_186 = vector.broadcast %jit3A_185 : f32 to vector<2048x512xf32>
    %select_n3A_187 = arith.select %eq3A_184, %broadcast_in_dim3A_186, %select_n3A_175 : vector<2048x512xi1>, vector<2048x512xf32>
    %broadcast_in_dim3A_188 = vector.shape_cast %broadcast_in_dim3A_182 : vector<1x512xi32> to vector<1x1x512xi32>
    %swap3A_189 = arith.constant 0 : index
    %swap3A_190 = arith.constant 12 : index
    %swap3A_191 = arith.constant 0 : index
    %swap3A_192 = vector.load %arg3[%swap3A_189, %swap3A_190, %swap3A_191] : memref<1x16x512xi32, #tpu.memory_space<vmem>>, vector<1x1x512xi32>
    tpu.vector_store %arg3[%swap3A_189, %swap3A_190, %swap3A_191], %broadcast_in_dim3A_188 {strides = array<i32>} : memref<1x16x512xi32, #tpu.memory_space<vmem>>, vector<1x1x512xi32>,
    %argmin3A_193 = tpu.reduce_index %select_n3A_187 {axis = 0 : i32, kind = #tpu.reduction_kind<arg_min>} : vector<2048x512xf32> -> vector<512xi32>
    %broadcast_in_dim3A_194 = vector.shape_cast %argmin3A_193 : vector<512xi32> to vector<1x512xi32>
    %eq3A_195 = vector.broadcast %broadcast_in_dim3A_194 : vector<1x512xi32> to vector<2048x512xi32>
    %eq3A_196 = arith.cmpi eq, %iota3A, %eq3A_195 : vector<2048x512xi32>
    %jit3A_197 = arith.constant 0x7F800000 : f32
    %broadcast_in_dim3A_198 = vector.broadcast %jit3A_197 : f32 to vector<2048x512xf32>
    %select_n3A_199 = arith.select %eq3A_196, %broadcast_in_dim3A_198, %select_n3A_187 : vector<2048x512xi1>, vector<2048x512xf32>
    %broadcast_in_dim3A_200 = vector.shape_cast %broadcast_in_dim3A_194 : vector<1x512xi32> to vector<1x1x512xi32>
    %swap3A_201 = arith.constant 0 : index
    %swap3A_202 = arith.constant 13 : index
    %swap3A_203 = arith.constant 0 : index
    %swap3A_204 = vector.load %arg3[%swap3A_201, %swap3A_202, %swap3A_203] : memref<1x16x512xi32, #tpu.memory_space<vmem>>, vector<1x1x512xi32>
    tpu.vector_store %arg3[%swap3A_201, %swap3A_202, %swap3A_203], %broadcast_in_dim3A_200 {strides = array<i32>} : memref<1x16x512xi32, #tpu.memory_space<vmem>>, vector<1x1x512xi32>,
    %argmin3A_205 = tpu.reduce_index %select_n3A_199 {axis = 0 : i32, kind = #tpu.reduction_kind<arg_min>} : vector<2048x512xf32> -> vector<512xi32>
    %broadcast_in_dim3A_206 = vector.shape_cast %argmin3A_205 : vector<512xi32> to vector<1x512xi32>
    %eq3A_207 = vector.broadcast %broadcast_in_dim3A_206 : vector<1x512xi32> to vector<2048x512xi32>
    %eq3A_208 = arith.cmpi eq, %iota3A, %eq3A_207 : vector<2048x512xi32>
    %jit3A_209 = arith.constant 0x7F800000 : f32
    %broadcast_in_dim3A_210 = vector.broadcast %jit3A_209 : f32 to vector<2048x512xf32>
    %select_n3A_211 = arith.select %eq3A_208, %broadcast_in_dim3A_210, %select_n3A_199 : vector<2048x512xi1>, vector<2048x512xf32>
    %broadcast_in_dim3A_212 = vector.shape_cast %broadcast_in_dim3A_206 : vector<1x512xi32> to vector<1x1x512xi32>
    %swap3A_213 = arith.constant 0 : index
    %swap3A_214 = arith.constant 14 : index
    %swap3A_215 = arith.constant 0 : index
    %swap3A_216 = vector.load %arg3[%swap3A_213, %swap3A_214, %swap3A_215] : memref<1x16x512xi32, #tpu.memory_space<vmem>>, vector<1x1x512xi32>
    tpu.vector_store %arg3[%swap3A_213, %swap3A_214, %swap3A_215], %broadcast_in_dim3A_212 {strides = array<i32>} : memref<1x16x512xi32, #tpu.memory_space<vmem>>, vector<1x1x512xi32>,
    %argmin3A_217 = tpu.reduce_index %select_n3A_211 {axis = 0 : i32, kind = #tpu.reduction_kind<arg_min>} : vector<2048x512xf32> -> vector<512xi32>
    %broadcast_in_dim3A_218 = vector.shape_cast %argmin3A_217 : vector<512xi32> to vector<1x512xi32>
    %eq3A_219 = vector.broadcast %broadcast_in_dim3A_218 : vector<1x512xi32> to vector<2048x512xi32>
    %eq3A_220 = arith.cmpi eq, %iota3A, %eq3A_219 : vector<2048x512xi32>
    %jit3A_221 = arith.constant 0x7F800000 : f32
    %broadcast_in_dim3A_222 = vector.broadcast %jit3A_221 : f32 to vector<2048x512xf32>
    %select_n3A_223 = arith.select %eq3A_220, %broadcast_in_dim3A_222, %select_n3A_211 : vector<2048x512xi1>, vector<2048x512xf32>
    %broadcast_in_dim3A_224 = vector.shape_cast %broadcast_in_dim3A_218 : vector<1x512xi32> to vector<1x1x512xi32>
    %swap3A_225 = arith.constant 0 : index
    %swap3A_226 = arith.constant 15 : index
    %swap3A_227 = arith.constant 0 : index
    %swap3A_228 = vector.load %arg3[%swap3A_225, %swap3A_226, %swap3A_227] : memref<1x16x512xi32, #tpu.memory_space<vmem>>, vector<1x1x512xi32>
    tpu.vector_store %arg3[%swap3A_225, %swap3A_226, %swap3A_227], %broadcast_in_dim3A_224 {strides = array<i32>} : memref<1x16x512xi32, #tpu.memory_space<vmem>>, vector<1x1x512xi32>,
    %abs3A = math.absf %select_n3A_223 : vector<2048x512xf32>
    %eq3A_229 = arith.constant 0x7F800000 : f32
    %eq3A_230 = vector.broadcast %eq3A_229 : f32 to vector<2048x512xf32>
    %eq3A_231 = arith.cmpf oeq, %abs3A, %eq3A_230 : vector<2048x512xf32>
    %convert_element_type3A = arith.extui %eq3A_231 : vector<2048x512xi1> to vector<2048x512xi32>
    %convert_element_type3A_232 = arith.sitofp %convert_element_type3A : vector<2048x512xi32> to vector<2048x512xf32>
    %reduce_sum3A = arith.constant dense<0.000000e+00> : vector<2048xf32>
    %reduce_sum3A_233 = vector.multi_reduction <add>, %convert_element_type3A_232, %reduce_sum3A [1] : vector<2048x512xf32> to vector<2048xf32>
    %broadcast_in_dim3A_234 = vector.shape_cast %reduce_sum3A_233 : vector<2048xf32> to vector<2048x1xf32>
    %broadcast_in_dim3A_235 = vector.shape_cast %broadcast_in_dim3A_234 : vector<2048x1xf32> to vector<1x2048x1xf32>
    %swap3A_236 = arith.constant 0 : index
    %swap3A_237 = arith.constant 0 : index
    %swap3A_238 = arith.constant 0 : index
    %swap3A_239 = vector.load %arg4[%swap3A_236, %swap3A_237, %swap3A_238] : memref<1x2048x1xf32, #tpu.memory_space<vmem>>, vector<1x2048x1xf32>
    tpu.vector_store %arg4[%swap3A_236, %swap3A_237, %swap3A_238], %broadcast_in_dim3A_235 {strides = array<i32>} : memref<1x2048x1xf32, #tpu.memory_space<vmem>>, vector<1x2048x1xf32>,
    return
  }
  func.func @transform_0(%arg0: i32) -> (i32, i32, i32) {
    %c0_i32 = arith.constant 0 : i32
    %c0_i32_0 = arith.constant 0 : i32
    %c0_i32_1 = arith.constant 0 : i32
    return %arg0, %c0_i32, %c0_i32_0 : i32, i32, i32
  }
  func.func @transform_1(%arg0: i32) -> (i32, i32, i32) {
    %c0_i32 = arith.constant 0 : i32
    %c0_i32_0 = arith.constant 0 : i32
    %c0_i32_1 = arith.constant 0 : i32
    return %arg0, %c0_i32, %c0_i32_0 : i32, i32, i32
  }
  func.func @transform_2(%arg0: i32) -> (i32, i32, i32) {
    %c0_i32 = arith.constant 0 : i32
    %c0_i32_0 = arith.constant 0 : i32
    %c0_i32_1 = arith.constant 0 : i32
    return %arg0, %c0_i32, %c0_i32_0 : i32, i32, i32
  }
  func.func @transform_3(%arg0: i32) -> (i32, i32, i32) {
    %c0_i32 = arith.constant 0 : i32
    %c0_i32_0 = arith.constant 0 : i32
    %c0_i32_1 = arith.constant 0 : i32
    return %arg0, %c0_i32, %c0_i32_0 : i32, i32, i32
  }
}

module attributes {stable_mosaic.version = 14 : i64} {
  func.func @_conv1_body(%arg0: i32, %arg1: memref<1x2048x128xf32, #tpu.memory_space<vmem>>, %arg2: memref<256x128xf32, #tpu.memory_space<vmem>>, %arg3: memref<1x256xf32, #tpu.memory_space<vmem>>, %arg4: memref<1x256xf32, #tpu.memory_space<vmem>>, %arg5: memref<1x256xf32, #tpu.memory_space<vmem>>, %arg6: memref<1x2048x1xf32, #tpu.memory_space<vmem>>, %arg7: memref<1x2048x256xf32, #tpu.memory_space<vmem>>, %arg8: memref<1x256xf32, #tpu.memory_space<vmem>>, %arg9: memref<1x256xf32, #tpu.memory_space<vmem>>, %arg10: memref<8x256xf32, #tpu.memory_space<vmem>>) attributes {dimension_semantics = [#tpu.dimension_semantics<arbitrary>], iteration_bounds = array<i64: 16>, scalar_prefetch = 0 : i64, scratch_operands = 1 : i64, tpu.core_type = #tpu.core_type<tc>, window_params = [{transform_indices = @transform_0, window_bounds = array<i64: 1, 2048, 128>}, {pipeline_mode = #tpu.pipeline_mode<synchronous>, transform_indices = @transform_1, window_bounds = array<i64: 256, 128>}, {pipeline_mode = #tpu.pipeline_mode<synchronous>, transform_indices = @transform_2, window_bounds = array<i64: 1, 256>}, {pipeline_mode = #tpu.pipeline_mode<synchronous>, transform_indices = @transform_3, window_bounds = array<i64: 1, 256>}, {pipeline_mode = #tpu.pipeline_mode<synchronous>, transform_indices = @transform_4, window_bounds = array<i64: 1, 256>}, {transform_indices = @transform_5, window_bounds = array<i64: 1, 2048, 1>}, {transform_indices = @transform_6, window_bounds = array<i64: 1, 2048, 256>}, {pipeline_mode = #tpu.pipeline_mode<synchronous>, transform_indices = @transform_7, window_bounds = array<i64: 1, 256>}, {pipeline_mode = #tpu.pipeline_mode<synchronous>, transform_indices = @transform_8, window_bounds = array<i64: 1, 256>}]} {
    %eq3A = arith.constant 0 : i32
    %eq3A_0 = arith.cmpi eq, %arg0, %eq3A : i32
    %convert_element_type3A = arith.extui %eq3A_0 : i1 to i32
    %cond3A = arith.constant 0 : i32
    %cond3A_1 = arith.cmpi ne, %convert_element_type3A, %cond3A : i32
    scf.if %cond3A_1 {
      %broadcast_in_dim3A_48 = arith.constant 0.000000e+00 : f32
      %broadcast_in_dim3A_49 = vector.broadcast %broadcast_in_dim3A_48 : f32 to vector<8x256xf32>
      %swap3A_50 = arith.constant 0 : index
      %swap3A_51 = arith.constant 0 : index
      %swap3A_52 = vector.load %arg10[%swap3A_50, %swap3A_51] : memref<8x256xf32, #tpu.memory_space<vmem>>, vector<8x256xf32>
      tpu.vector_store %arg10[%swap3A_50, %swap3A_51], %broadcast_in_dim3A_49 {strides = array<i32>} : memref<8x256xf32, #tpu.memory_space<vmem>>, vector<8x256xf32>,
    } else {
    }
    %get3A = arith.constant 0 : index
    %get3A_2 = arith.constant 0 : index
    %get3A_3 = arith.constant 0 : index
    %get3A_4 = vector.load %arg1[%get3A, %get3A_2, %get3A_3] : memref<1x2048x128xf32, #tpu.memory_space<vmem>>, vector<1x2048x128xf32>
    %get3A_5 = vector.shape_cast %get3A_4 : vector<1x2048x128xf32> to vector<2048x128xf32>
    %get3A_6 = arith.constant 0 : index
    %get3A_7 = arith.constant 0 : index
    %get3A_8 = vector.load %arg2[%get3A_6, %get3A_7] : memref<256x128xf32, #tpu.memory_space<vmem>>, vector<256x128xf32>
    %dot_general3A = arith.constant dense<0.000000e+00> : vector<2048x256xf32>
    %dot_general3A_9 = tpu.matmul %get3A_5, %get3A_8, %dot_general3A {dimension_numbers = #tpu.dot_dimension_numbers<[1], [1], [0], [0], [0, 0, 1, 0], [], []>, transpose_lhs_hint = false} : vector<2048x128xf32>, vector<256x128xf32>, vector<2048x256xf32> -> vector<2048x256xf32>
    %get3A_10 = arith.constant 0 : index
    %get3A_11 = arith.constant 0 : index
    %get3A_12 = vector.load %arg3[%get3A_10, %get3A_11] : memref<1x256xf32, #tpu.memory_space<vmem>>, vector<1x256xf32>
    %add3A = vector.broadcast %get3A_12 : vector<1x256xf32> to vector<2048x256xf32>
    %add3A_13 = arith.addf %dot_general3A_9, %add3A : vector<2048x256xf32>
    %broadcast_in_dim3A = vector.shape_cast %add3A_13 : vector<2048x256xf32> to vector<1x2048x256xf32>
    %swap3A = arith.constant 0 : index
    %swap3A_14 = arith.constant 0 : index
    %swap3A_15 = arith.constant 0 : index
    %swap3A_16 = vector.load %arg7[%swap3A, %swap3A_14, %swap3A_15] : memref<1x2048x256xf32, #tpu.memory_space<vmem>>, vector<1x2048x256xf32>
    tpu.vector_store %arg7[%swap3A, %swap3A_14, %swap3A_15], %broadcast_in_dim3A {strides = array<i32>} : memref<1x2048x256xf32, #tpu.memory_space<vmem>>, vector<1x2048x256xf32>,
    %get3A_17 = arith.constant 0 : index
    %get3A_18 = arith.constant 0 : index
    %get3A_19 = arith.constant 0 : index
    %get3A_20 = vector.load %arg6[%get3A_17, %get3A_18, %get3A_19] : memref<1x2048x1xf32, #tpu.memory_space<vmem>>, vector<1x2048x1xf32>
    %get3A_21 = vector.shape_cast %get3A_20 : vector<1x2048x1xf32> to vector<2048x1xf32>
    %mul3A = vector.broadcast %get3A_21 : vector<2048x1xf32> to vector<2048x256xf32>
    %mul3A_22 = arith.mulf %add3A_13, %mul3A : vector<2048x256xf32>
    %get3A_23 = arith.constant 0 : index
    %get3A_24 = arith.constant 0 : index
    %get3A_25 = vector.load %arg10[%get3A_23, %get3A_24] : memref<8x256xf32, #tpu.memory_space<vmem>>, vector<1x256xf32>
    %reduce_sum3A = arith.constant dense<0.000000e+00> : vector<256xf32>
    %reduce_sum3A_26 = vector.multi_reduction <add>, %mul3A_22, %reduce_sum3A [0] : vector<2048x256xf32> to vector<256xf32>
    %broadcast_in_dim3A_27 = vector.shape_cast %reduce_sum3A_26 : vector<256xf32> to vector<1x256xf32>
    %add3A_28 = arith.addf %get3A_25, %broadcast_in_dim3A_27 : vector<1x256xf32>
    %swap3A_29 = arith.constant 0 : index
    %swap3A_30 = arith.constant 0 : index
    %swap3A_31 = vector.load %arg10[%swap3A_29, %swap3A_30] : memref<8x256xf32, #tpu.memory_space<vmem>>, vector<1x256xf32>
    tpu.vector_store %arg10[%swap3A_29, %swap3A_30], %add3A_28 {strides = array<i32>} : memref<8x256xf32, #tpu.memory_space<vmem>>, vector<1x256xf32>,
    %get3A_32 = arith.constant 1 : index
    %get3A_33 = arith.constant 0 : index
    %get3A_34 = vector.load %arg10[%get3A_32, %get3A_33] : memref<8x256xf32, #tpu.memory_space<vmem>>, vector<1x256xf32>
    %mul3A_35 = arith.mulf %mul3A_22, %add3A_13 : vector<2048x256xf32>
    %reduce_sum3A_36 = arith.constant dense<0.000000e+00> : vector<256xf32>
    %reduce_sum3A_37 = vector.multi_reduction <add>, %mul3A_35, %reduce_sum3A_36 [0] : vector<2048x256xf32> to vector<256xf32>
    %broadcast_in_dim3A_38 = vector.shape_cast %reduce_sum3A_37 : vector<256xf32> to vector<1x256xf32>
    %add3A_39 = arith.addf %get3A_34, %broadcast_in_dim3A_38 : vector<1x256xf32>
    %swap3A_40 = arith.constant 1 : index
    %swap3A_41 = arith.constant 0 : index
    %swap3A_42 = vector.load %arg10[%swap3A_40, %swap3A_41] : memref<8x256xf32, #tpu.memory_space<vmem>>, vector<1x256xf32>
    tpu.vector_store %arg10[%swap3A_40, %swap3A_41], %add3A_39 {strides = array<i32>} : memref<8x256xf32, #tpu.memory_space<vmem>>, vector<1x256xf32>,
    %eq3A_43 = arith.constant 15 : i32
    %eq3A_44 = arith.cmpi eq, %arg0, %eq3A_43 : i32
    %convert_element_type3A_45 = arith.extui %eq3A_44 : i1 to i32
    %cond3A_46 = arith.constant 0 : i32
    %cond3A_47 = arith.cmpi ne, %convert_element_type3A_45, %cond3A_46 : i32
    scf.if %cond3A_47 {
      %get3A_48 = arith.constant 0 : index
      %get3A_49 = arith.constant 0 : index
      %get3A_50 = vector.load %arg10[%get3A_48, %get3A_49] : memref<8x256xf32, #tpu.memory_space<vmem>>, vector<1x256xf32>
      %div3A = arith.constant 1.310720e+05 : f32
      %div3A_51 = vector.broadcast %div3A : f32 to vector<1x256xf32>
      %div3A_52 = arith.divf %get3A_50, %div3A_51 : vector<1x256xf32>
      %get3A_53 = arith.constant 1 : index
      %get3A_54 = arith.constant 0 : index
      %get3A_55 = vector.load %arg10[%get3A_53, %get3A_54] : memref<8x256xf32, #tpu.memory_space<vmem>>, vector<1x256xf32>
      %div3A_56 = arith.constant 1.310720e+05 : f32
      %div3A_57 = vector.broadcast %div3A_56 : f32 to vector<1x256xf32>
      %div3A_58 = arith.divf %get3A_55, %div3A_57 : vector<1x256xf32>
      %mul3A_59 = arith.mulf %div3A_52, %div3A_52 : vector<1x256xf32>
      %sub3A = arith.subf %div3A_58, %mul3A_59 : vector<1x256xf32>
      %get3A_60 = arith.constant 0 : index
      %get3A_61 = arith.constant 0 : index
      %get3A_62 = vector.load %arg4[%get3A_60, %get3A_61] : memref<1x256xf32, #tpu.memory_space<vmem>>, vector<1x256xf32>
      %add3A_63 = arith.constant 9.99999974E-6 : f32
      %add3A_64 = vector.broadcast %add3A_63 : f32 to vector<1x256xf32>
      %add3A_65 = arith.addf %sub3A, %add3A_64 : vector<1x256xf32>
      %rsqrt3A = math.rsqrt %add3A_65 : vector<1x256xf32>
      %mul3A_66 = arith.mulf %get3A_62, %rsqrt3A : vector<1x256xf32>
      %swap3A_67 = arith.constant 0 : index
      %swap3A_68 = arith.constant 0 : index
      %swap3A_69 = vector.load %arg8[%swap3A_67, %swap3A_68] : memref<1x256xf32, #tpu.memory_space<vmem>>, vector<1x256xf32>
      tpu.vector_store %arg8[%swap3A_67, %swap3A_68], %mul3A_66 {strides = array<i32>} : memref<1x256xf32, #tpu.memory_space<vmem>>, vector<1x256xf32>,
      %get3A_70 = arith.constant 0 : index
      %get3A_71 = arith.constant 0 : index
      %get3A_72 = vector.load %arg5[%get3A_70, %get3A_71] : memref<1x256xf32, #tpu.memory_space<vmem>>, vector<1x256xf32>
      %mul3A_73 = arith.mulf %div3A_52, %mul3A_66 : vector<1x256xf32>
      %sub3A_74 = arith.subf %get3A_72, %mul3A_73 : vector<1x256xf32>
      %swap3A_75 = arith.constant 0 : index
      %swap3A_76 = arith.constant 0 : index
      %swap3A_77 = vector.load %arg9[%swap3A_75, %swap3A_76] : memref<1x256xf32, #tpu.memory_space<vmem>>, vector<1x256xf32>
      tpu.vector_store %arg9[%swap3A_75, %swap3A_76], %sub3A_74 {strides = array<i32>} : memref<1x256xf32, #tpu.memory_space<vmem>>, vector<1x256xf32>,
    } else {
    }
    return
  }
  func.func @transform_0(%arg0: i32) -> (i32, i32, i32) {
    %c0_i32 = arith.constant 0 : i32
    %c0_i32_0 = arith.constant 0 : i32
    %c0_i32_1 = arith.constant 0 : i32
    return %arg0, %c0_i32, %c0_i32_0 : i32, i32, i32
  }
  func.func @transform_1(%arg0: i32) -> (i32, i32) {
    %c0_i32 = arith.constant 0 : i32
    %c0_i32_0 = arith.constant 0 : i32
    %c0_i32_1 = arith.constant 0 : i32
    return %c0_i32, %c0_i32_0 : i32, i32
  }
  func.func @transform_2(%arg0: i32) -> (i32, i32) {
    %c0_i32 = arith.constant 0 : i32
    %c0_i32_0 = arith.constant 0 : i32
    %c0_i32_1 = arith.constant 0 : i32
    return %c0_i32, %c0_i32_0 : i32, i32
  }
  func.func @transform_3(%arg0: i32) -> (i32, i32) {
    %c0_i32 = arith.constant 0 : i32
    %c0_i32_0 = arith.constant 0 : i32
    %c0_i32_1 = arith.constant 0 : i32
    return %c0_i32, %c0_i32_0 : i32, i32
  }
  func.func @transform_4(%arg0: i32) -> (i32, i32) {
    %c0_i32 = arith.constant 0 : i32
    %c0_i32_0 = arith.constant 0 : i32
    %c0_i32_1 = arith.constant 0 : i32
    return %c0_i32, %c0_i32_0 : i32, i32
  }
  func.func @transform_5(%arg0: i32) -> (i32, i32, i32) {
    %c0_i32 = arith.constant 0 : i32
    %c0_i32_0 = arith.constant 0 : i32
    %c0_i32_1 = arith.constant 0 : i32
    return %arg0, %c0_i32, %c0_i32_0 : i32, i32, i32
  }
  func.func @transform_6(%arg0: i32) -> (i32, i32, i32) {
    %c0_i32 = arith.constant 0 : i32
    %c0_i32_0 = arith.constant 0 : i32
    %c0_i32_1 = arith.constant 0 : i32
    return %arg0, %c0_i32, %c0_i32_0 : i32, i32, i32
  }
  func.func @transform_7(%arg0: i32) -> (i32, i32) {
    %c0_i32 = arith.constant 0 : i32
    %c0_i32_0 = arith.constant 0 : i32
    %c0_i32_1 = arith.constant 0 : i32
    return %c0_i32, %c0_i32_0 : i32, i32
  }
  func.func @transform_8(%arg0: i32) -> (i32, i32) {
    %c0_i32 = arith.constant 0 : i32
    %c0_i32_0 = arith.constant 0 : i32
    %c0_i32_1 = arith.constant 0 : i32
    return %c0_i32, %c0_i32_0 : i32, i32
  }
}

module attributes {stable_mosaic.version = 14 : i64} {
  func.func @_conv2_body(%arg0: i32, %arg1: memref<1x2048x256xf32, #tpu.memory_space<vmem>>, %arg2: memref<1x256xf32, #tpu.memory_space<vmem>>, %arg3: memref<1x256xf32, #tpu.memory_space<vmem>>, %arg4: memref<256x256xf32, #tpu.memory_space<vmem>>, %arg5: memref<1x256xf32, #tpu.memory_space<vmem>>, %arg6: memref<1x256xf32, #tpu.memory_space<vmem>>, %arg7: memref<1x256xf32, #tpu.memory_space<vmem>>, %arg8: memref<1x2048x1xf32, #tpu.memory_space<vmem>>, %arg9: memref<1x2048x256xf32, #tpu.memory_space<vmem>>, %arg10: memref<1x256xf32, #tpu.memory_space<vmem>>, %arg11: memref<1x256xf32, #tpu.memory_space<vmem>>, %arg12: memref<8x256xf32, #tpu.memory_space<vmem>>) attributes {dimension_semantics = [#tpu.dimension_semantics<arbitrary>], iteration_bounds = array<i64: 16>, scalar_prefetch = 0 : i64, scratch_operands = 1 : i64, tpu.core_type = #tpu.core_type<tc>, window_params = [{transform_indices = @transform_0, window_bounds = array<i64: 1, 2048, 256>}, {pipeline_mode = #tpu.pipeline_mode<synchronous>, transform_indices = @transform_1, window_bounds = array<i64: 1, 256>}, {pipeline_mode = #tpu.pipeline_mode<synchronous>, transform_indices = @transform_2, window_bounds = array<i64: 1, 256>}, {pipeline_mode = #tpu.pipeline_mode<synchronous>, transform_indices = @transform_3, window_bounds = array<i64: 256, 256>}, {pipeline_mode = #tpu.pipeline_mode<synchronous>, transform_indices = @transform_4, window_bounds = array<i64: 1, 256>}, {pipeline_mode = #tpu.pipeline_mode<synchronous>, transform_indices = @transform_5, window_bounds = array<i64: 1, 256>}, {pipeline_mode = #tpu.pipeline_mode<synchronous>, transform_indices = @transform_6, window_bounds = array<i64: 1, 256>}, {transform_indices = @transform_7, window_bounds = array<i64: 1, 2048, 1>}, {transform_indices = @transform_8, window_bounds = array<i64: 1, 2048, 256>}, {pipeline_mode = #tpu.pipeline_mode<synchronous>, transform_indices = @transform_9, window_bounds = array<i64: 1, 256>}, {pipeline_mode = #tpu.pipeline_mode<synchronous>, transform_indices = @transform_10, window_bounds = array<i64: 1, 256>}]} {
    %eq3A = arith.constant 0 : i32
    %eq3A_0 = arith.cmpi eq, %arg0, %eq3A : i32
    %convert_element_type3A = arith.extui %eq3A_0 : i1 to i32
    %cond3A = arith.constant 0 : i32
    %cond3A_1 = arith.cmpi ne, %convert_element_type3A, %cond3A : i32
    scf.if %cond3A_1 {
      %broadcast_in_dim3A_60 = arith.constant 0.000000e+00 : f32
      %broadcast_in_dim3A_61 = vector.broadcast %broadcast_in_dim3A_60 : f32 to vector<8x256xf32>
      %swap3A_62 = arith.constant 0 : index
      %swap3A_63 = arith.constant 0 : index
      %swap3A_64 = vector.load %arg12[%swap3A_62, %swap3A_63] : memref<8x256xf32, #tpu.memory_space<vmem>>, vector<8x256xf32>
      tpu.vector_store %arg12[%swap3A_62, %swap3A_63], %broadcast_in_dim3A_61 {strides = array<i32>} : memref<8x256xf32, #tpu.memory_space<vmem>>, vector<8x256xf32>,
    } else {
    }
    %get3A = arith.constant 0 : index
    %get3A_2 = arith.constant 0 : index
    %get3A_3 = arith.constant 0 : index
    %get3A_4 = vector.load %arg1[%get3A, %get3A_2, %get3A_3] : memref<1x2048x256xf32, #tpu.memory_space<vmem>>, vector<1x2048x256xf32>
    %get3A_5 = vector.shape_cast %get3A_4 : vector<1x2048x256xf32> to vector<2048x256xf32>
    %get3A_6 = arith.constant 0 : index
    %get3A_7 = arith.constant 0 : index
    %get3A_8 = vector.load %arg2[%get3A_6, %get3A_7] : memref<1x256xf32, #tpu.memory_space<vmem>>, vector<1x256xf32>
    %mul3A = vector.broadcast %get3A_8 : vector<1x256xf32> to vector<2048x256xf32>
    %mul3A_9 = arith.mulf %get3A_5, %mul3A : vector<2048x256xf32>
    %get3A_10 = arith.constant 0 : index
    %get3A_11 = arith.constant 0 : index
    %get3A_12 = vector.load %arg3[%get3A_10, %get3A_11] : memref<1x256xf32, #tpu.memory_space<vmem>>, vector<1x256xf32>
    %add3A = vector.broadcast %get3A_12 : vector<1x256xf32> to vector<2048x256xf32>
    %add3A_13 = arith.addf %mul3A_9, %add3A : vector<2048x256xf32>
    %max3A = arith.constant 0.000000e+00 : f32
    %max3A_14 = vector.broadcast %max3A : f32 to vector<2048x256xf32>
    %max3A_15 = arith.maximumf %add3A_13, %max3A_14 : vector<2048x256xf32>
    %get3A_16 = arith.constant 0 : index
    %get3A_17 = arith.constant 0 : index
    %get3A_18 = vector.load %arg4[%get3A_16, %get3A_17] : memref<256x256xf32, #tpu.memory_space<vmem>>, vector<256x256xf32>
    %dot_general3A = arith.constant dense<0.000000e+00> : vector<2048x256xf32>
    %dot_general3A_19 = tpu.matmul %max3A_15, %get3A_18, %dot_general3A {dimension_numbers = #tpu.dot_dimension_numbers<[1], [1], [0], [0], [0, 0, 1, 0], [], []>, transpose_lhs_hint = false} : vector<2048x256xf32>, vector<256x256xf32>, vector<2048x256xf32> -> vector<2048x256xf32>
    %get3A_20 = arith.constant 0 : index
    %get3A_21 = arith.constant 0 : index
    %get3A_22 = vector.load %arg5[%get3A_20, %get3A_21] : memref<1x256xf32, #tpu.memory_space<vmem>>, vector<1x256xf32>
    %add3A_23 = vector.broadcast %get3A_22 : vector<1x256xf32> to vector<2048x256xf32>
    %add3A_24 = arith.addf %dot_general3A_19, %add3A_23 : vector<2048x256xf32>
    %broadcast_in_dim3A = vector.shape_cast %add3A_24 : vector<2048x256xf32> to vector<1x2048x256xf32>
    %swap3A = arith.constant 0 : index
    %swap3A_25 = arith.constant 0 : index
    %swap3A_26 = arith.constant 0 : index
    %swap3A_27 = vector.load %arg9[%swap3A, %swap3A_25, %swap3A_26] : memref<1x2048x256xf32, #tpu.memory_space<vmem>>, vector<1x2048x256xf32>
    tpu.vector_store %arg9[%swap3A, %swap3A_25, %swap3A_26], %broadcast_in_dim3A {strides = array<i32>} : memref<1x2048x256xf32, #tpu.memory_space<vmem>>, vector<1x2048x256xf32>,
    %get3A_28 = arith.constant 0 : index
    %get3A_29 = arith.constant 0 : index
    %get3A_30 = arith.constant 0 : index
    %get3A_31 = vector.load %arg8[%get3A_28, %get3A_29, %get3A_30] : memref<1x2048x1xf32, #tpu.memory_space<vmem>>, vector<1x2048x1xf32>
    %get3A_32 = vector.shape_cast %get3A_31 : vector<1x2048x1xf32> to vector<2048x1xf32>
    %mul3A_33 = vector.broadcast %get3A_32 : vector<2048x1xf32> to vector<2048x256xf32>
    %mul3A_34 = arith.mulf %add3A_24, %mul3A_33 : vector<2048x256xf32>
    %get3A_35 = arith.constant 0 : index
    %get3A_36 = arith.constant 0 : index
    %get3A_37 = vector.load %arg12[%get3A_35, %get3A_36] : memref<8x256xf32, #tpu.memory_space<vmem>>, vector<1x256xf32>
    %reduce_sum3A = arith.constant dense<0.000000e+00> : vector<256xf32>
    %reduce_sum3A_38 = vector.multi_reduction <add>, %mul3A_34, %reduce_sum3A [0] : vector<2048x256xf32> to vector<256xf32>
    %broadcast_in_dim3A_39 = vector.shape_cast %reduce_sum3A_38 : vector<256xf32> to vector<1x256xf32>
    %add3A_40 = arith.addf %get3A_37, %broadcast_in_dim3A_39 : vector<1x256xf32>
    %swap3A_41 = arith.constant 0 : index
    %swap3A_42 = arith.constant 0 : index
    %swap3A_43 = vector.load %arg12[%swap3A_41, %swap3A_42] : memref<8x256xf32, #tpu.memory_space<vmem>>, vector<1x256xf32>
    tpu.vector_store %arg12[%swap3A_41, %swap3A_42], %add3A_40 {strides = array<i32>} : memref<8x256xf32, #tpu.memory_space<vmem>>, vector<1x256xf32>,
    %get3A_44 = arith.constant 1 : index
    %get3A_45 = arith.constant 0 : index
    %get3A_46 = vector.load %arg12[%get3A_44, %get3A_45] : memref<8x256xf32, #tpu.memory_space<vmem>>, vector<1x256xf32>
    %mul3A_47 = arith.mulf %mul3A_34, %add3A_24 : vector<2048x256xf32>
    %reduce_sum3A_48 = arith.constant dense<0.000000e+00> : vector<256xf32>
    %reduce_sum3A_49 = vector.multi_reduction <add>, %mul3A_47, %reduce_sum3A_48 [0] : vector<2048x256xf32> to vector<256xf32>
    %broadcast_in_dim3A_50 = vector.shape_cast %reduce_sum3A_49 : vector<256xf32> to vector<1x256xf32>
    %add3A_51 = arith.addf %get3A_46, %broadcast_in_dim3A_50 : vector<1x256xf32>
    %swap3A_52 = arith.constant 1 : index
    %swap3A_53 = arith.constant 0 : index
    %swap3A_54 = vector.load %arg12[%swap3A_52, %swap3A_53] : memref<8x256xf32, #tpu.memory_space<vmem>>, vector<1x256xf32>
    tpu.vector_store %arg12[%swap3A_52, %swap3A_53], %add3A_51 {strides = array<i32>} : memref<8x256xf32, #tpu.memory_space<vmem>>, vector<1x256xf32>,
    %eq3A_55 = arith.constant 15 : i32
    %eq3A_56 = arith.cmpi eq, %arg0, %eq3A_55 : i32
    %convert_element_type3A_57 = arith.extui %eq3A_56 : i1 to i32
    %cond3A_58 = arith.constant 0 : i32
    %cond3A_59 = arith.cmpi ne, %convert_element_type3A_57, %cond3A_58 : i32
    scf.if %cond3A_59 {
      %get3A_60 = arith.constant 0 : index
      %get3A_61 = arith.constant 0 : index
      %get3A_62 = vector.load %arg12[%get3A_60, %get3A_61] : memref<8x256xf32, #tpu.memory_space<vmem>>, vector<1x256xf32>
      %div3A = arith.constant 1.310720e+05 : f32
      %div3A_63 = vector.broadcast %div3A : f32 to vector<1x256xf32>
      %div3A_64 = arith.divf %get3A_62, %div3A_63 : vector<1x256xf32>
      %get3A_65 = arith.constant 1 : index
      %get3A_66 = arith.constant 0 : index
      %get3A_67 = vector.load %arg12[%get3A_65, %get3A_66] : memref<8x256xf32, #tpu.memory_space<vmem>>, vector<1x256xf32>
      %div3A_68 = arith.constant 1.310720e+05 : f32
      %div3A_69 = vector.broadcast %div3A_68 : f32 to vector<1x256xf32>
      %div3A_70 = arith.divf %get3A_67, %div3A_69 : vector<1x256xf32>
      %mul3A_71 = arith.mulf %div3A_64, %div3A_64 : vector<1x256xf32>
      %sub3A = arith.subf %div3A_70, %mul3A_71 : vector<1x256xf32>
      %get3A_72 = arith.constant 0 : index
      %get3A_73 = arith.constant 0 : index
      %get3A_74 = vector.load %arg6[%get3A_72, %get3A_73] : memref<1x256xf32, #tpu.memory_space<vmem>>, vector<1x256xf32>
      %add3A_75 = arith.constant 9.99999974E-6 : f32
      %add3A_76 = vector.broadcast %add3A_75 : f32 to vector<1x256xf32>
      %add3A_77 = arith.addf %sub3A, %add3A_76 : vector<1x256xf32>
      %rsqrt3A = math.rsqrt %add3A_77 : vector<1x256xf32>
      %mul3A_78 = arith.mulf %get3A_74, %rsqrt3A : vector<1x256xf32>
      %swap3A_79 = arith.constant 0 : index
      %swap3A_80 = arith.constant 0 : index
      %swap3A_81 = vector.load %arg10[%swap3A_79, %swap3A_80] : memref<1x256xf32, #tpu.memory_space<vmem>>, vector<1x256xf32>
      tpu.vector_store %arg10[%swap3A_79, %swap3A_80], %mul3A_78 {strides = array<i32>} : memref<1x256xf32, #tpu.memory_space<vmem>>, vector<1x256xf32>,
      %get3A_82 = arith.constant 0 : index
      %get3A_83 = arith.constant 0 : index
      %get3A_84 = vector.load %arg7[%get3A_82, %get3A_83] : memref<1x256xf32, #tpu.memory_space<vmem>>, vector<1x256xf32>
      %mul3A_85 = arith.mulf %div3A_64, %mul3A_78 : vector<1x256xf32>
      %sub3A_86 = arith.subf %get3A_84, %mul3A_85 : vector<1x256xf32>
      %swap3A_87 = arith.constant 0 : index
      %swap3A_88 = arith.constant 0 : index
      %swap3A_89 = vector.load %arg11[%swap3A_87, %swap3A_88] : memref<1x256xf32, #tpu.memory_space<vmem>>, vector<1x256xf32>
      tpu.vector_store %arg11[%swap3A_87, %swap3A_88], %sub3A_86 {strides = array<i32>} : memref<1x256xf32, #tpu.memory_space<vmem>>, vector<1x256xf32>,
    } else {
    }
    return
  }
  func.func @transform_0(%arg0: i32) -> (i32, i32, i32) {
    %c0_i32 = arith.constant 0 : i32
    %c0_i32_0 = arith.constant 0 : i32
    %c0_i32_1 = arith.constant 0 : i32
    return %arg0, %c0_i32, %c0_i32_0 : i32, i32, i32
  }
  func.func @transform_1(%arg0: i32) -> (i32, i32) {
    %c0_i32 = arith.constant 0 : i32
    %c0_i32_0 = arith.constant 0 : i32
    %c0_i32_1 = arith.constant 0 : i32
    return %c0_i32, %c0_i32_0 : i32, i32
  }
  func.func @transform_2(%arg0: i32) -> (i32, i32) {
    %c0_i32 = arith.constant 0 : i32
    %c0_i32_0 = arith.constant 0 : i32
    %c0_i32_1 = arith.constant 0 : i32
    return %c0_i32, %c0_i32_0 : i32, i32
  }
  func.func @transform_3(%arg0: i32) -> (i32, i32) {
    %c0_i32 = arith.constant 0 : i32
    %c0_i32_0 = arith.constant 0 : i32
    %c0_i32_1 = arith.constant 0 : i32
    return %c0_i32, %c0_i32_0 : i32, i32
  }
  func.func @transform_4(%arg0: i32) -> (i32, i32) {
    %c0_i32 = arith.constant 0 : i32
    %c0_i32_0 = arith.constant 0 : i32
    %c0_i32_1 = arith.constant 0 : i32
    return %c0_i32, %c0_i32_0 : i32, i32
  }
  func.func @transform_5(%arg0: i32) -> (i32, i32) {
    %c0_i32 = arith.constant 0 : i32
    %c0_i32_0 = arith.constant 0 : i32
    %c0_i32_1 = arith.constant 0 : i32
    return %c0_i32, %c0_i32_0 : i32, i32
  }
  func.func @transform_6(%arg0: i32) -> (i32, i32) {
    %c0_i32 = arith.constant 0 : i32
    %c0_i32_0 = arith.constant 0 : i32
    %c0_i32_1 = arith.constant 0 : i32
    return %c0_i32, %c0_i32_0 : i32, i32
  }
  func.func @transform_7(%arg0: i32) -> (i32, i32, i32) {
    %c0_i32 = arith.constant 0 : i32
    %c0_i32_0 = arith.constant 0 : i32
    %c0_i32_1 = arith.constant 0 : i32
    return %arg0, %c0_i32, %c0_i32_0 : i32, i32, i32
  }
  func.func @transform_8(%arg0: i32) -> (i32, i32, i32) {
    %c0_i32 = arith.constant 0 : i32
    %c0_i32_0 = arith.constant 0 : i32
    %c0_i32_1 = arith.constant 0 : i32
    return %arg0, %c0_i32, %c0_i32_0 : i32, i32, i32
  }
  func.func @transform_9(%arg0: i32) -> (i32, i32) {
    %c0_i32 = arith.constant 0 : i32
    %c0_i32_0 = arith.constant 0 : i32
    %c0_i32_1 = arith.constant 0 : i32
    return %c0_i32, %c0_i32_0 : i32, i32
  }
  func.func @transform_10(%arg0: i32) -> (i32, i32) {
    %c0_i32 = arith.constant 0 : i32
    %c0_i32_0 = arith.constant 0 : i32
    %c0_i32_1 = arith.constant 0 : i32
    return %c0_i32, %c0_i32_0 : i32, i32
  }
}

</mosaic_0001>

<sc_bundles>
// kernel: kernel.7.cloned.1.call-start
scs
__scs_entry_jumppad:
0x0: {  	(pc) =	sbr.rel $0x88, $3  }
0x1: {  	(tag) =	ssettag $0x0;
	lr =	simm.s32 $0x1  }
0x2: {  	[smem:$0x3F97] =	sst lr;
	_ =	strace $0xD0000000  }
0x3: {  	_ = 	snop  }
0x4: {  	_ = 	snop  }
0x5: {  	_ = 	snop  }
0x6: {  	_ = 	snop  }
0x7: {  	_ = 	snop  }
__scs_overlays_trampoline_lowered:
0x8: {  	[smem:$0x3FA6] =	sst s0  }
0x9: {  	[smem:$0x3FA7] =	sst s1  }
0xa: {  	[smem:$0x3FA8] =	sst s2  }
0xb: {  	[smem:$0x3FA9] =	sst s3  }
0xc: {  	[smem:$0x3FAA] =	sst s4  }
0xd: {  	[smem:$0x3FAB] =	sst s5  }
0xe: {  	[smem:$0x3FAC] =	sst s6  }
0xf: {  	[smem:$0x3FAD] =	sst s7  }
0x10: {  	[smem:$0x3FAE] =	sst s8  }
0x11: {  	[smem:$0x3FAF] =	sst s9;
	s0 =	simm.s32 @!p0 $0x0  }
0x12: {  	s1 =	sld [smem:$0x3F95];
	s0 =	simm.s32 @p0 $0x1  }
0x13: {  	[smem:$0x3FB0] =	sst s0;
	s0 =	simm.s32 @!p1 $0x0  }
0x14: {  	s2 =	sld [smem:$0x3F94];
	s0 =	simm.s32 @p1 $0x1  }
0x15: {  	[smem:$0x3FB1] =	sst s0;
	s0 =	simm.s32 @!p2 $0x0  }
0x16: {  	s3 =	sld [smem:$0x3FDB];
	s0 =	simm.s32 @p2 $0x1  }
0x17: {  	s4 =	simm.s32 $0x1BF5;
	[smem:$0x3FB3] =	sst s0  }
0x18: {  	s0 =	sld [smem:$0x3F96];
	_ =	swait.ge [sflag:s4], $0x0  }
0x19: {  	s7 =	sld [smem:$0x3F97]  }
0x1a: {  	s8 =	sadd.s32 $0xFFFFE003, lr  }
0x1b: {  	s9 =	sadd.s32 $0xFFFFFEF7, lr;
	s5 =	simm.s32 $0xFFFFFFFF;
	p2 =	slt.u32 s8, $0xFFFFF086  }
0x1c: {  	p1 =	slt.u32 s9, $0xF7A;
	s5 =	simm.s32 @!p2 $0x0  }
0x1d: {  	s5 =	simm.s32 @p1 $0x1;
	p0 =	seq.s32 s7, s2  }
0x1e: {  	s7 =	smul.u32 @!p0 $0xF7A, s2;
	p2 =	seq.s32 @!p0 s5, $0x0  }
0x1f: {  	s9 =	smul.u32 $0xF7A, s1;
	s8 =	simm.s32 @!p0 $0x1BF5;
	p2 =	por !p2, p0  }
0x20: {  	[sflag:s8] =	ssyncset.s32 @!p0 $0xFFFFF086;
	s6 =	sadd.s32 @!p0 s3, s7;
	s7 =	simm.s32 @!p0 $0x108  }
0x21: {  	s3 =	sadd.s32 s3, s9;
	s6 =	sadd.s32 @!p0 $0x88, s6;
	s7 =	simm.s32 @p2 $0x1082  }
0x22: {  	[simem:s7], [sflag:s8] =	dma.local @!p0 [hbm:s6], $0xF7A  }
0x23: {  	s9 =	sor.u32 $0xD0000000, s2;
	s6 =	simm.s32 $0x108;
	_ =	swait.ge @!p0 [sflag:s8], $0x0  }
0x24: {  	s3 =	sadd.s32 $0x88, s3;
	s6 =	simm.s32 @!p1 $0x1082;
	[sflag:s4] =	ssyncset.s32 $0xFFFFF086  }
0x25: {  	[simem:s6], [sflag:s4] =	dma.local [hbm:s3], $0xF7A  }
0x26: {  	[smem:$0x3F97] =	sst s1;
	(tag) =	ssettag s2;
	_ =	strace s9  }
0x27: {  	s1 =	sld [smem:$0x3FA7]  }
0x28: {  	s2 =	sld [smem:$0x3FA8]  }
0x29: {  	s4 =	sld [smem:$0x3FAA]  }
0x2a: {  	p0 =	seq.s32 s5, $0x0;
	s5 =	sld [smem:$0x3FAB]  }
0x2b: {  	s6 =	sld [smem:$0x3FAC]  }
0x2c: {  	s7 =	sld [smem:$0x3FAD]  }
0x2d: {  	s3 =	simm.s32 $0x108;
	s8 =	sld [smem:$0x3FAE]  }
0x2e: {  	s3 =	simm.s32 @!p0 $0x1082;
	s9 =	sld [smem:$0x3FAF]  }
0x2f: {  	lr =	sadd.s32 s0, s3;
	s0 =	sld [smem:$0x3FA6]  }
0x30: {  	s3 =	sld [smem:$0x3FA9]  }
0x31: {  	[smem:$0x3FB2] =	sst s10  }
0x32: {  	s10 =	sld [smem:$0x3FB0];
	_ =	sdelay $0x3  }
0x33: {  	p0 =	seq.s32 s10, $0x1;
	s10 =	sld [smem:$0x3FB2];
	_ =	sdelay $0x3  }
0x34: {  	[smem:$0x3FB2] =	sst s10  }
0x35: {  	s10 =	sld [smem:$0x3FB1];
	_ =	sdelay $0x3  }
0x36: {  	p1 =	seq.s32 s10, $0x1;
	s10 =	sld [smem:$0x3FB2];
	_ =	sdelay $0x3  }
0x37: {  	[smem:$0x3FB2] =	sst s10  }
0x38: {  	s10 =	sld [smem:$0x3FB3]  }
0x39: {  	_ = 	snop;
	(pc) =	sbr.ind lr, $3  }
0x3a: {  	_ = 	snop  }
0x3b: {  	_ = 	snop  }
0x3c: {  	p2 =	seq.s32 s10, $0x1;
	s10 =	sld [smem:$0x3FB2]  }
0x3d: {  	_ =	shalt  }
0x3e: {  	_ =	shalt  }
0x3f: {  	_ =	shalt  }
0x40: {  	_ =	shalt  }
0x41: {  	_ =	shalt  }
0x42: {  	_ =	shalt  }
0x43: {  	_ =	shalt  }
0x44: {  	_ =	shalt  }
0x45: {  	_ =	shalt  }
0x46: {  	_ =	shalt  }
0x47: {  	_ =	shalt  }
0x48: {  	_ =	shalt  }
0x49: {  	_ =	shalt  }
0x4a: {  	_ =	shalt  }
0x4b: {  	_ =	shalt  }
0x4c: {  	_ =	shalt  }
0x4d: {  	_ =	shalt  }
0x4e: {  	_ =	shalt  }
0x4f: {  	_ =	shalt  }
0x50: {  	_ =	shalt  }
0x51: {  	_ =	shalt  }
0x52: {  	_ =	shalt  }
0x53: {  	_ =	shalt  }
0x54: {  	_ =	shalt  }
0x55: {  	_ =	shalt  }
0x56: {  	_ =	shalt  }
0x57: {  	_ =	shalt  }
0x58: {  	_ =	shalt  }
0x59: {  	_ =	shalt  }
0x5a: {  	_ =	shalt  }
0x5b: {  	_ =	shalt  }
0x5c: {  	_ =	shalt  }
0x5d: {  	_ =	shalt  }
0x5e: {  	_ =	shalt  }
0x5f: {  	_ =	shalt  }
0x60: {  	_ =	shalt  }
0x61: {  	_ =	shalt  }
0x62: {  	_ =	shalt  }
0x63: {  	_ =	shalt  }
0x64: {  	_ =	shalt  }
0x65: {  	_ =	shalt  }
0x66: {  	_ =	shalt  }
0x67: {  	_ =	shalt  }
0x68: {  	_ =	shalt  }
0x69: {  	_ =	shalt  }
0x6a: {  	_ =	shalt  }
0x6b: {  	_ =	shalt  }
0x6c: {  	_ =	shalt  }
0x6d: {  	_ =	shalt  }
0x6e: {  	_ =	shalt  }
0x6f: {  	_ =	shalt  }
0x70: {  	_ =	shalt  }
0x71: {  	_ =	shalt  }
0x72: {  	_ =	shalt  }
0x73: {  	_ =	shalt  }
0x74: {  	_ =	shalt  }
0x75: {  	_ =	shalt  }
0x76: {  	_ =	shalt  }
0x77: {  	_ =	shalt  }
0x78: {  	_ =	shalt  }
0x79: {  	_ =	shalt  }
0x7a: {  	_ =	shalt  }
0x7b: {  	_ =	shalt  }
0x7c: {  	_ =	shalt  }
0x7d: {  	_ =	shalt  }
0x7e: {  	_ =	shalt  }
0x7f: {  	_ =	shalt  }
0x80: {  	_ =	shalt  }
0x81: {  	_ =	shalt  }
0x82: {  	_ =	shalt  }
0x83: {  	_ =	shalt  }
0x84: {  	_ =	shalt  }
0x85: {  	_ =	shalt  }
0x86: {  	_ =	shalt  }
0x87: {  	_ =	shalt  }
.Lfunc_end0:
.L_simem_size_0:
called_computation_lowered:
.L_overlay_start_0:
0x88: {  	s2 =	sld [smem:$0x3FD9]  }
0x89: {  	s3 =	sld [smem:$0x3FFE];
	_ =	sdelay $0x1  }
0x8a: {  	s1 =	srdreg.scid  }
0x8b: {  	s0 =	sand.u32 $0x1, s1  }
0x8c: {  	s14 =	sshll.u32 s0, $0xA;
	s2 =	sadd.s32 s3, s2  }
0x8d: {  	s2 =	sadd.s32 s2, s14  }
0x8e: {  	[smem:$0x3FBE] =	sst s2  }
0x8f: {  	_ = 	snop  }
0x90: {  	s2 =	sld [smem:$0x3FD0];
	_ =	sdelay $0x2  }
0x91: {  	s15 =	simm.s32 $0xA;
	s4 =	simm.s32 $0x10  }
0x92: {  	[smem:s4], [sflag:s15] =	dma.local [hbm:s2], $0x1  }
0x93: {  	_ =	swait.eq [sflag:s15], $0x1  }
0x94: {  	[sflag:s15] =	ssyncset.done $0x0  }
0x95: {  	[sflag:s15] =	ssyncadd.s32 $0xFFFFFFFF  }
0x96: {  	s16 =	sld [smem:$0x11];
	(tm) =	ssettm $0x1  }
0x97: {  	s17 =	sld [smem:$0x3FFB];
	_ =	sdelay $0x3  }
0x98: {  	_ =	strace s17  }
0x99: {  	s3 =	sld [smem:$0x3FFC];
	_ =	sdelay $0x3  }
0x9a: {  	_ =	strace s3  }
0x9b: {  	s3 =	sld [smem:$0x3FFD];
	_ =	sdelay $0x3  }
0x9c: {  	_ =	strace s3  }
0x9d: {  	_ =	strace $0x8FFFFFFF  }
0x9e: {  	s18 =	sld [smem:$0x3FDB];
	_ =	sdelay $0x1  }
0x9f: {  	s19 =	simm.s32 $_scs_section_size  }
0xa0: {  	s5 =	simm.s32 $_size__tile_overlayer_lowered;
	s6 =	simm.s32 $_tile_overlayer_lowered  }
0xa1: {  	s22 =	simm.s32 $0x1BFF;
	s21 =	sshll.u32 s6, $0x1;
	s3 =	sadd.s32 s19, s18  }
0xa2: {  	s7 =	simm.s32 $0x0;
	s20 =	sshll.u32 s5, $0x1;
	s5 =	sadd.s32 s21, s3  }
0xa3: {  	[timem:s7], [sflag:s22] =	dma.local [hbm:s5], s20  }
0xa4: {  	_ =	swait.ge [sflag:s22], s20  }
0xa5: {  	s4 =	ssub.s32 $0x0, s20;
	[sflag:s22] =	ssyncset.done $0x0  }
0xa6: {  	[sflag:s22] =	ssyncadd.s32 s4;
	_ =	sdelay $0x1  }
0xa7: {  	s23 =	simm.s32 $0x1B8B  }
0xa8: {  	_ =	swait.ge [sflag:s23], $0x1  }
0xa9: {  	[sflag:s23] =	ssyncset.done $0x0  }
0xaa: {  	s25 =	simm.s32 $0x1B8E;
	s24 =	sld [smem:$0x3FFE];
	[sflag:s23] =	ssyncadd.s32 $0xFFFFFFFF  }
0xab: {  	s26 =	simm.s32 $execute0_lowered;
	[smem:$0x3FD2] =	sst s25  }
0xac: {  	s5 =	sshll.u32 s26, $0x1;
	_ =	strace $0x80000046;
	[dreg:$0x1] =	wrdreg $0xFFFFFFFF  }
0xad: {  	s28 =	simm.s32 $_size_execute0_lowered;
	s3 =	sadd.s32 s3, s5;
	[dreg:$0x0] =	wrdreg $0x0  }
0xae: {  	s5 =	sshll.u32 s28, $0x1;
	[dreg:$0x2] =	wrdreg s3  }
0xaf: {  	[dreg:$0x3] =	wrdreg s5  }
0xb0: {  	[dreg:$0x4] =	wrdreg $0xC0  }
0xb1: {  	_ =	task [dreg:s7], $0x5FFFF  }
0xb2: {  	[dreg:$0x1] =	wrdreg $0xFFFFFFFF  }
0xb3: {  	[dreg:$0x0] =	wrdreg $0x60  }
0xb4: {  	[dreg:$0x2] =	wrdreg s24  }
0xb5: {  	[dreg:$0x3] =	wrdreg s16  }
0xb6: {  	[dreg:$0x4] =	wrdreg $0x9  }
0xb7: {  	_ =	task.clear_ibuf [dreg:s7], $0x5FFFF;
	_ =	strace $0x90000046  }
0xb8: {  	s29 =	simm.s32 $0x9;
	_ =	strace $0x80000048  }
0xb9: {  	_ =	swait.ge [sflag:s29], $0x1  }
0xba: {  	[sflag:s29] =	ssyncadd.s32 $0xFFFFFFFF  }
0xbb: {  	_ =	strace $0x90000048  }
0xbc: {  	_ =	sfence  }
0xbd: {  	s30 =	sld [smem:$0x0];
	_ =	sdelay $0x2  }
0xbe: {  	s31 =	sshll.u32 s1, $0xD;
	s1 =	sshrl.u32 s1, $0x2  }
0xbf: {  	s3 =	sand.u32 $0x4000, s31;
	s1 =	sadd.s32 s1, s30  }
0xc0: {  	s0 =	sor.u32 s3, s0;
	s1 =	sshll.u32 s1, $0x11  }
0xc1: {  	s0 =	sor.u32 s1, s0  }
0xc2: {  	s0 =	sadd.s32 $0x8F2B, s0  }
0xc3: {  	[sflag:s0] =	ssyncadd.remote.s32 $0x1  }
0xc4: {  	_ =	sfence.sel $0xFFFF  }
0xc5: {  	[dreg:$0x0] =	wrdreg $0xFFFFFFFF;
	(pc) =	sbr.abs _section_cstart, $3  }
0xc6: {  	[dreg:$0x1] =	wrdreg $0xFFFFFFFF  }
0xc7: {  	_ =	task.clear_ibuf [dreg:s7], $0x2FFFF;
	_ =	strace $0x9FFFFFFF  }
0xc8: {  	(tm) =	ssettm $0x7FFFFFFF  }
0xc9: {  	_ =	shalt  }
tec
execute0_lowered:
.L_overlay_start_1:
0x0: {  	(tag) =	ssettag $0x1  }
0x1: {  	s0 =	rddreg [dreg:$0x0]  }
0x2: {  	s1 =	rddreg [dreg:$0x1];
	s2 =	simm.s32 $0x0;
	s4 =	srdreg.scid  }
0x3: {  	s7 =	stileid.u32;
	s11 =	simm.s32 $0x3;
	s9 =	simm.s32 $0xB900  }
0x4: {  	s13 =	simm.s32 $0xC100;
	s14 =	simm.s32 $0xC900;
	s15 =	simm.s32 $0xD100  }
0x5: {  	s16 =	simm.s32 $0xD900;
	s17 =	simm.s32 $0xE100;
	s18 =	simm.s32 $0xE900  }
0x6: {  	s19 =	simm.s32 $0xF100;
	s20 =	simm.s32 $0xF900;
	s21 =	simm.s32 $0x1  }
0x7: {  	s22 =	simm.s32 $0x10100;
	s23 =	simm.s32 $0x2;
	[smem:$0x7FF] =	sst s2  }
0x8: {  	s3 =	sadd.s32 $0x186600, s0;
	s4 =	sand.u32 $0x1, s4;
	s5 =	sadd.s32 $0x82600, s0  }
0x9: {  	s6 =	sadd.s32 $0x2600, s0;
	s0 =	sadd.s32 $0x2800, s0;
	s29 =	ssub.s32 $0x2, s4  }
0xa: {  	s31 =	sshll.u32 s7, $0x9;
	s7 =	simm.s32 $0xB100;
	s30 =	sshrl.u32 s29, $0x1  }
0xb: {  	v2 =	vlaneseq.u32;
	_ =	strace $0x80000047;
	[dreg:$0x4] =	wrdreg s0;
	s0 =	ssub.s32 s29, s30  }
0xc: {  	vm0 =	vmmov $0xffff;
	v1 =	vshrl.u32 v2, $0x3;
	[dreg:$0x3] =	wrdreg s6;
	s4 =	sshll.u32 s4, $0x8;
	s0 =	smax.u32 s0, $0x1  }
0xd: {  	v0 =	vand.u32 $0x7, v2;
	v2 =	vor.u32 $0x8, v2;
	v1 =	vmul.u32 $0x8, v1;
	s8 =	sor.u32 s4, s31;
	s4 =	simm.s32 $0x0;
	[dreg:$0x5] =	wrdreg s0  }
.LBB2_1:
0xe: {  	[dreg:$0x6] =	wrdreg s4  }
0xf: {  	s0 =	rddreg [dreg:$0x3];
	s29 =	simm.s32 $0x10900  }
0x10: {  	[tilespmem:s29], [sflag:$0x3] =	stream.linear.gather [hbm4b:s0+s2], $0x100, $0x38;
	[tilespmem:$0x10B00] =	vst v63  }
0x11: {  	_ =	swait.ge [sflag:s11], $0x100  }
0x12: {  	[sflag:s11] =	ssyncset.done $0x0  }
0x13: {  	s31 =	simm.s32 $0x10A00;
	s30 =	rddreg [dreg:$0x4];
	[sflag:s11] =	ssyncadd.s32 $0xFFFFFF00  }
0x14: {  	[tilespmem:s31], [sflag:$0x3] =	stream.linear.gather [hbm4b:s30+s2], $0x100, $0x38;
	[tilespmem:$0x10B00] =	vst v63  }
0x15: {  	_ =	swait.ge [sflag:s11], $0x100  }
0x16: {  	[sflag:s11] =	ssyncset.done $0x0  }
0x17: {  	s24 =	simm.s32 $0x0;
	[sflag:s11] =	ssyncadd.s32 $0xFFFFFF00  }
.LBB2_2:
0x18: {  	s0 =	sshll.u32 s24, $0x4  }
0x19: {  	s26 =	sadd.s32 s8, s0  }
0x1a: {  	s0 =	sshll.u32 s26, $0x1  }
0x1b: {  	s28 =	simm.s32 $0x0;
	s25 =	sor.u32 $0x8, s26;
	s0 =	sadd.s32 s5, s0  }
0x1c: {  	[tilespmem:s28], [sflag:$0x3] =	stream.linear.gather [hbm4b:s0+s28], $0x80, $0x38;
	[tilespmem:$0x10B00] =	vst v63  }
0x1d: {  	s6 =	sshll.u32 s25, $0x1;
	_ =	swait.ge [sflag:s11], $0x80  }
0x1e: {  	s0 =	sand.u32 $0x1FFFFFF0, s6;
	[sflag:s11] =	ssyncset.done $0x0  }
0x1f: {  	s4 =	simm.s32 $0x80;
	s0 =	sadd.s32 s5, s0;
	[sflag:s11] =	ssyncadd.s32 $0xFFFFFF80  }
0x20: {  	[tilespmem:s4], [sflag:$0x3] =	stream.linear.gather [hbm4b:s0+s28], $0x80, $0x38;
	[tilespmem:$0x10B00] =	vst v63  }
0x21: {  	_ =	swait.ge [sflag:s11], $0x80  }
0x22: {  	[sflag:s11] =	ssyncset.done $0x0  }
0x23: {  	[sflag:s11] =	ssyncadd.s32 $0xFFFFFF80  }
0x24: {  	v3 =	vld [tilespmem:$0x0];
	_ =	sdelay $0x4  }
0x25: {  	v4 =	vshll.u32 v3, $0x1  }
0x26: {  	v3 =	vand.u32 $0x7, v3;
	v4 =	vand.u32 $0xFFFFFFF0, v4  }
0x27: {  	v3 =	vor.u32 v3, v4  }
0x28: {  	v4 =	vperm.xlane v3, v0;
	_ =	sdelay $0x1  }
0x29: {  	v3 =	vperm.xlane v3, v2;
	v4 =	vadd.s32 v1, v4;
	_ =	sdelay $0x1  }
0x2a: {  	v3 =	vadd.s32 v1, v3;
	_ =	sdelay $0x1  }
0x2b: {  	s10 =	simm.s32 $0x100  }
0x2c: {  	[tilespmem:s10], [sflag:$0x1] =	stream.indirect_vreg.gather [hbm4b:s3+s28], $0x80, v4, vm0, $0xb8;
	[tilespmem:$0x10B00] =	vst v63  }
0x2d: {  	s12 =	simm.s32 $0x900  }
0x2e: {  	[tilespmem:s12], [sflag:$0x1] =	stream.indirect_vreg.gather [hbm4b:s3+s28], $0x80, v3, vm0, $0xb8;
	[tilespmem:$0x10B00] =	vst v63  }
0x2f: {  	v3 =	vld [tilespmem:$0x10];
	_ =	sdelay $0x4  }
0x30: {  	v49 =	vshll.u32 v3, $0x1  }
0x31: {  	v3 =	vand.u32 $0x7, v3;
	v4 =	vand.u32 $0xFFFFFFF0, v49  }
0x32: {  	v3 =	vor.u32 v3, v4  }
0x33: {  	v4 =	vperm.xlane v3, v0;
	_ =	sdelay $0x1  }
0x34: {  	v3 =	vperm.xlane v3, v2;
	v4 =	vadd.s32 v1, v4;
	_ =	sdelay $0x1  }
0x35: {  	v3 =	vadd.s32 v1, v3;
	_ =	sdelay $0x1  }
0x36: {  	s4 =	simm.s32 $0x1100  }
0x37: {  	[tilespmem:s4], [sflag:$0x1] =	stream.indirect_vreg.gather [hbm4b:s3+s28], $0x80, v4, vm0, $0xb8;
	[tilespmem:$0x10B00] =	vst v63  }
0x38: {  	s6 =	simm.s32 $0x1900  }
0x39: {  	[tilespmem:s6], [sflag:$0x1] =	stream.indirect_vreg.gather [hbm4b:s3+s28], $0x80, v3, vm0, $0xb8;
	[tilespmem:$0x10B00] =	vst v63  }
0x3a: {  	v3 =	vld [tilespmem:$0x20];
	_ =	sdelay $0x4  }
0x3b: {  	v50 =	vshll.u32 v3, $0x1  }
0x3c: {  	v3 =	vand.u32 $0x7, v3;
	v4 =	vand.u32 $0xFFFFFFF0, v50  }
0x3d: {  	v3 =	vor.u32 v3, v4  }
0x3e: {  	v4 =	vperm.xlane v3, v0;
	_ =	sdelay $0x1  }
0x3f: {  	v3 =	vperm.xlane v3, v2;
	v4 =	vadd.s32 v1, v4;
	_ =	sdelay $0x1  }
0x40: {  	v3 =	vadd.s32 v1, v3;
	_ =	sdelay $0x1  }
0x41: {  	s10 =	simm.s32 $0x2100  }
0x42: {  	[tilespmem:s10], [sflag:$0x1] =	stream.indirect_vreg.gather [hbm4b:s3+s28], $0x80, v4, vm0, $0xb8;
	[tilespmem:$0x10B00] =	vst v63  }
0x43: {  	s12 =	simm.s32 $0x2900  }
0x44: {  	[tilespmem:s12], [sflag:$0x1] =	stream.indirect_vreg.gather [hbm4b:s3+s28], $0x80, v3, vm0, $0xb8;
	[tilespmem:$0x10B00] =	vst v63  }
0x45: {  	v3 =	vld [tilespmem:$0x30];
	_ =	sdelay $0x4  }
0x46: {  	v51 =	vshll.u32 v3, $0x1  }
0x47: {  	v3 =	vand.u32 $0x7, v3;
	v4 =	vand.u32 $0xFFFFFFF0, v51  }
0x48: {  	v3 =	vor.u32 v3, v4  }
0x49: {  	v4 =	vperm.xlane v3, v0;
	_ =	sdelay $0x1  }
0x4a: {  	v3 =	vperm.xlane v3, v2;
	v4 =	vadd.s32 v1, v4;
	_ =	sdelay $0x1  }
0x4b: {  	v3 =	vadd.s32 v1, v3;
	_ =	sdelay $0x1  }
0x4c: {  	s4 =	simm.s32 $0x3100  }
0x4d: {  	[tilespmem:s4], [sflag:$0x1] =	stream.indirect_vreg.gather [hbm4b:s3+s28], $0x80, v4, vm0, $0xb8;
	[tilespmem:$0x10B00] =	vst v63  }
0x4e: {  	s6 =	simm.s32 $0x3900  }
0x4f: {  	[tilespmem:s6], [sflag:$0x1] =	stream.indirect_vreg.gather [hbm4b:s3+s28], $0x80, v3, vm0, $0xb8;
	[tilespmem:$0x10B00] =	vst v63  }
0x50: {  	v3 =	vld [tilespmem:$0x40];
	_ =	sdelay $0x4  }
0x51: {  	v52 =	vshll.u32 v3, $0x1  }
0x52: {  	v3 =	vand.u32 $0x7, v3;
	v4 =	vand.u32 $0xFFFFFFF0, v52  }
0x53: {  	v3 =	vor.u32 v3, v4  }
0x54: {  	v4 =	vperm.xlane v3, v0;
	_ =	sdelay $0x1  }
0x55: {  	v3 =	vperm.xlane v3, v2;
	v4 =	vadd.s32 v1, v4;
	_ =	sdelay $0x1  }
0x56: {  	v3 =	vadd.s32 v1, v3;
	_ =	sdelay $0x1  }
0x57: {  	s10 =	simm.s32 $0x4100  }
0x58: {  	[tilespmem:s10], [sflag:$0x1] =	stream.indirect_vreg.gather [hbm4b:s3+s28], $0x80, v4, vm0, $0xb8;
	[tilespmem:$0x10B00] =	vst v63  }
0x59: {  	s12 =	simm.s32 $0x4900  }
0x5a: {  	[tilespmem:s12], [sflag:$0x1] =	stream.indirect_vreg.gather [hbm4b:s3+s28], $0x80, v3, vm0, $0xb8;
	[tilespmem:$0x10B00] =	vst v63  }
0x5b: {  	v3 =	vld [tilespmem:$0x50];
	_ =	sdelay $0x4  }
0x5c: {  	v53 =	vshll.u32 v3, $0x1  }
0x5d: {  	v3 =	vand.u32 $0x7, v3;
	v4 =	vand.u32 $0xFFFFFFF0, v53  }
0x5e: {  	v3 =	vor.u32 v3, v4  }
0x5f: {  	v4 =	vperm.xlane v3, v0;
	_ =	sdelay $0x1  }
0x60: {  	v3 =	vperm.xlane v3, v2;
	v4 =	vadd.s32 v1, v4;
	_ =	sdelay $0x1  }
0x61: {  	v3 =	vadd.s32 v1, v3;
	_ =	sdelay $0x1  }
0x62: {  	s4 =	simm.s32 $0x5100  }
0x63: {  	[tilespmem:s4], [sflag:$0x1] =	stream.indirect_vreg.gather [hbm4b:s3+s28], $0x80, v4, vm0, $0xb8;
	[tilespmem:$0x10B00] =	vst v63  }
0x64: {  	s6 =	simm.s32 $0x5900  }
0x65: {  	[tilespmem:s6], [sflag:$0x1] =	stream.indirect_vreg.gather [hbm4b:s3+s28], $0x80, v3, vm0, $0xb8;
	[tilespmem:$0x10B00] =	vst v63  }
0x66: {  	v3 =	vld [tilespmem:$0x60];
	_ =	sdelay $0x4  }
0x67: {  	v54 =	vshll.u32 v3, $0x1  }
0x68: {  	v3 =	vand.u32 $0x7, v3;
	v4 =	vand.u32 $0xFFFFFFF0, v54  }
0x69: {  	v3 =	vor.u32 v3, v4  }
0x6a: {  	v4 =	vperm.xlane v3, v0;
	_ =	sdelay $0x1  }
0x6b: {  	v3 =	vperm.xlane v3, v2;
	v4 =	vadd.s32 v1, v4;
	_ =	sdelay $0x1  }
0x6c: {  	v3 =	vadd.s32 v1, v3;
	_ =	sdelay $0x1  }
0x6d: {  	s10 =	simm.s32 $0x6100  }
0x6e: {  	[tilespmem:s10], [sflag:$0x1] =	stream.indirect_vreg.gather [hbm4b:s3+s28], $0x80, v4, vm0, $0xb8;
	[tilespmem:$0x10B00] =	vst v63  }
0x6f: {  	s12 =	simm.s32 $0x6900  }
0x70: {  	[tilespmem:s12], [sflag:$0x1] =	stream.indirect_vreg.gather [hbm4b:s3+s28], $0x80, v3, vm0, $0xb8;
	[tilespmem:$0x10B00] =	vst v63  }
0x71: {  	v3 =	vld [tilespmem:$0x70];
	_ =	sdelay $0x4  }
0x72: {  	v55 =	vshll.u32 v3, $0x1  }
0x73: {  	v3 =	vand.u32 $0x7, v3;
	v4 =	vand.u32 $0xFFFFFFF0, v55  }
0x74: {  	v3 =	vor.u32 v3, v4  }
0x75: {  	v4 =	vperm.xlane v3, v0;
	_ =	sdelay $0x1  }
0x76: {  	v3 =	vperm.xlane v3, v2;
	v4 =	vadd.s32 v1, v4;
	_ =	sdelay $0x1  }
0x77: {  	v3 =	vadd.s32 v1, v3;
	_ =	sdelay $0x1  }
0x78: {  	s4 =	simm.s32 $0x7100  }
0x79: {  	[tilespmem:s4], [sflag:$0x1] =	stream.indirect_vreg.gather [hbm4b:s3+s28], $0x80, v4, vm0, $0xb8;
	[tilespmem:$0x10B00] =	vst v63  }
0x7a: {  	s6 =	simm.s32 $0x7900  }
0x7b: {  	[tilespmem:s6], [sflag:$0x1] =	stream.indirect_vreg.gather [hbm4b:s3+s28], $0x80, v3, vm0, $0xb8;
	[tilespmem:$0x10B00] =	vst v63  }
0x7c: {  	v3 =	vld [tilespmem:$0x80];
	_ =	sdelay $0x4  }
0x7d: {  	v56 =	vshll.u32 v3, $0x1  }
0x7e: {  	v3 =	vand.u32 $0x7, v3;
	v4 =	vand.u32 $0xFFFFFFF0, v56  }
0x7f: {  	v3 =	vor.u32 v3, v4  }
0x80: {  	v4 =	vperm.xlane v3, v0;
	_ =	sdelay $0x1  }
0x81: {  	v3 =	vperm.xlane v3, v2;
	v4 =	vadd.s32 v1, v4;
	_ =	sdelay $0x1  }
0x82: {  	v3 =	vadd.s32 v1, v3;
	_ =	sdelay $0x1  }
0x83: {  	s10 =	simm.s32 $0x8100  }
0x84: {  	[tilespmem:s10], [sflag:$0x2] =	stream.indirect_vreg.gather [hbm4b:s3+s28], $0x80, v4, vm0, $0xb8;
	[tilespmem:$0x10B00] =	vst v63  }
0x85: {  	s12 =	simm.s32 $0x8900  }
0x86: {  	[tilespmem:s12], [sflag:$0x2] =	stream.indirect_vreg.gather [hbm4b:s3+s28], $0x80, v3, vm0, $0xb8;
	[tilespmem:$0x10B00] =	vst v63  }
0x87: {  	v3 =	vld [tilespmem:$0x90];
	_ =	sdelay $0x4  }
0x88: {  	v57 =	vshll.u32 v3, $0x1  }
0x89: {  	v3 =	vand.u32 $0x7, v3;
	v4 =	vand.u32 $0xFFFFFFF0, v57  }
0x8a: {  	v3 =	vor.u32 v3, v4  }
0x8b: {  	v4 =	vperm.xlane v3, v0;
	_ =	sdelay $0x1  }
0x8c: {  	v3 =	vperm.xlane v3, v2;
	v4 =	vadd.s32 v1, v4;
	_ =	sdelay $0x1  }
0x8d: {  	v3 =	vadd.s32 v1, v3;
	_ =	sdelay $0x1  }
0x8e: {  	s4 =	simm.s32 $0x9100  }
0x8f: {  	[tilespmem:s4], [sflag:$0x2] =	stream.indirect_vreg.gather [hbm4b:s3+s28], $0x80, v4, vm0, $0xb8;
	[tilespmem:$0x10B00] =	vst v63  }
0x90: {  	s6 =	simm.s32 $0x9900  }
0x91: {  	[tilespmem:s6], [sflag:$0x2] =	stream.indirect_vreg.gather [hbm4b:s3+s28], $0x80, v3, vm0, $0xb8;
	[tilespmem:$0x10B00] =	vst v63  }
0x92: {  	v3 =	vld [tilespmem:$0xA0];
	_ =	sdelay $0x4  }
0x93: {  	v58 =	vshll.u32 v3, $0x1  }
0x94: {  	v3 =	vand.u32 $0x7, v3;
	v4 =	vand.u32 $0xFFFFFFF0, v58  }
0x95: {  	v3 =	vor.u32 v3, v4  }
0x96: {  	v4 =	vperm.xlane v3, v0;
	_ =	sdelay $0x1  }
0x97: {  	v3 =	vperm.xlane v3, v2;
	v4 =	vadd.s32 v1, v4;
	_ =	sdelay $0x1  }
0x98: {  	v3 =	vadd.s32 v1, v3;
	_ =	sdelay $0x1  }
0x99: {  	s10 =	simm.s32 $0xA100  }
0x9a: {  	[tilespmem:s10], [sflag:$0x2] =	stream.indirect_vreg.gather [hbm4b:s3+s28], $0x80, v4, vm0, $0xb8;
	[tilespmem:$0x10B00] =	vst v63  }
0x9b: {  	s12 =	simm.s32 $0xA900  }
0x9c: {  	[tilespmem:s12], [sflag:$0x2] =	stream.indirect_vreg.gather [hbm4b:s3+s28], $0x80, v3, vm0, $0xb8;
	[tilespmem:$0x10B00] =	vst v63  }
0x9d: {  	v3 =	vld [tilespmem:$0xB0];
	_ =	sdelay $0x4  }
0x9e: {  	v59 =	vshll.u32 v3, $0x1  }
0x9f: {  	v3 =	vand.u32 $0x7, v3;
	v4 =	vand.u32 $0xFFFFFFF0, v59  }
0xa0: {  	v3 =	vor.u32 v3, v4  }
0xa1: {  	v4 =	vperm.xlane v3, v0;
	_ =	sdelay $0x1  }
0xa2: {  	v3 =	vperm.xlane v3, v2;
	v4 =	vadd.s32 v1, v4;
	_ =	sdelay $0x1  }
0xa3: {  	v3 =	vadd.s32 v1, v3;
	_ =	sdelay $0x2  }
0xa4: {  	[tilespmem:s7], [sflag:$0x2] =	stream.indirect_vreg.gather [hbm4b:s3+s28], $0x80, v4, vm0, $0xb8;
	[tilespmem:$0x10B00] =	vst v63  }
0xa5: {  	_ = 	snop  }
0xa6: {  	[tilespmem:s9], [sflag:$0x2] =	stream.indirect_vreg.gather [hbm4b:s3+s28], $0x80, v3, vm0, $0xb8;
	[tilespmem:$0x10B00] =	vst v63  }
0xa7: {  	v3 =	vld [tilespmem:$0xC0];
	_ =	sdelay $0x4  }
0xa8: {  	v60 =	vshll.u32 v3, $0x1  }
0xa9: {  	v3 =	vand.u32 $0x7, v3;
	v4 =	vand.u32 $0xFFFFFFF0, v60  }
0xaa: {  	v3 =	vor.u32 v3, v4  }
0xab: {  	v4 =	vperm.xlane v3, v0;
	_ =	sdelay $0x1  }
0xac: {  	v3 =	vperm.xlane v3, v2;
	v4 =	vadd.s32 v1, v4;
	_ =	sdelay $0x1  }
0xad: {  	v3 =	vadd.s32 v1, v3;
	_ =	sdelay $0x2  }
0xae: {  	[tilespmem:s13], [sflag:$0x2] =	stream.indirect_vreg.gather [hbm4b:s3+s28], $0x80, v4, vm0, $0xb8;
	[tilespmem:$0x10B00] =	vst v63  }
0xaf: {  	_ = 	snop  }
0xb0: {  	[tilespmem:s14], [sflag:$0x2] =	stream.indirect_vreg.gather [hbm4b:s3+s28], $0x80, v3, vm0, $0xb8;
	[tilespmem:$0x10B00] =	vst v63  }
0xb1: {  	v3 =	vld [tilespmem:$0xD0];
	_ =	sdelay $0x4  }
0xb2: {  	v61 =	vshll.u32 v3, $0x1  }
0xb3: {  	v3 =	vand.u32 $0x7, v3;
	v4 =	vand.u32 $0xFFFFFFF0, v61  }
0xb4: {  	v3 =	vor.u32 v3, v4  }
0xb5: {  	v4 =	vperm.xlane v3, v0;
	_ =	sdelay $0x1  }
0xb6: {  	v3 =	vperm.xlane v3, v2;
	v4 =	vadd.s32 v1, v4;
	_ =	sdelay $0x1  }
0xb7: {  	v3 =	vadd.s32 v1, v3;
	_ =	sdelay $0x2  }
0xb8: {  	[tilespmem:s15], [sflag:$0x2] =	stream.indirect_vreg.gather [hbm4b:s3+s28], $0x80, v4, vm0, $0xb8;
	[tilespmem:$0x10B00] =	vst v63  }
0xb9: {  	_ = 	snop  }
0xba: {  	[tilespmem:s16], [sflag:$0x2] =	stream.indirect_vreg.gather [hbm4b:s3+s28], $0x80, v3, vm0, $0xb8;
	[tilespmem:$0x10B00] =	vst v63  }
0xbb: {  	v3 =	vld [tilespmem:$0xE0];
	_ =	sdelay $0x4  }
0xbc: {  	v62 =	vshll.u32 v3, $0x1  }
0xbd: {  	v3 =	vand.u32 $0x7, v3;
	v4 =	vand.u32 $0xFFFFFFF0, v62  }
0xbe: {  	v3 =	vor.u32 v3, v4  }
0xbf: {  	v4 =	vperm.xlane v3, v0;
	_ =	sdelay $0x1  }
0xc0: {  	v3 =	vperm.xlane v3, v2;
	v4 =	vadd.s32 v1, v4;
	_ =	sdelay $0x1  }
0xc1: {  	v3 =	vadd.s32 v1, v3;
	_ =	sdelay $0x2  }
0xc2: {  	[tilespmem:s17], [sflag:$0x2] =	stream.indirect_vreg.gather [hbm4b:s3+s28], $0x80, v4, vm0, $0xb8;
	[tilespmem:$0x10B00] =	vst v63  }
0xc3: {  	_ = 	snop  }
0xc4: {  	[tilespmem:s18], [sflag:$0x2] =	stream.indirect_vreg.gather [hbm4b:s3+s28], $0x80, v3, vm0, $0xb8;
	[tilespmem:$0x10B00] =	vst v63  }
0xc5: {  	v3 =	vld [tilespmem:$0xF0];
	_ =	sdelay $0x4  }
0xc6: {  	v63 =	vshll.u32 v3, $0x1  }
0xc7: {  	v3 =	vand.u32 $0x7, v3;
	v4 =	vand.u32 $0xFFFFFFF0, v63  }
0xc8: {  	v3 =	vor.u32 v3, v4  }
0xc9: {  	v4 =	vperm.xlane v3, v0;
	_ =	sdelay $0x1  }
0xca: {  	v3 =	vperm.xlane v3, v2;
	v4 =	vadd.s32 v1, v4;
	_ =	sdelay $0x1  }
0xcb: {  	v3 =	vadd.s32 v1, v3;
	_ =	sdelay $0x2  }
0xcc: {  	[tilespmem:s19], [sflag:$0x2] =	stream.indirect_vreg.gather [hbm4b:s3+s28], $0x80, v4, vm0, $0xb8;
	[tilespmem:$0x10B00] =	vst v63  }
0xcd: {  	_ = 	snop  }
0xce: {  	[tilespmem:s20], [sflag:$0x2] =	stream.indirect_vreg.gather [hbm4b:s3+s28], $0x80, v3, vm0, $0xb8;
	[tilespmem:$0x10B00] =	vst v63  }
0xcf: {  	_ =	swait.ge [sflag:s21], $0x8000  }
0xd0: {  	s29 =	simm.s32 $0x10900;
	[sflag:s21] =	ssyncset.done $0x0  }
0xd1: {  	s30 =	simm.s32 $0x10A00;
	s31 =	simm.s32 $0x0;
	[sflag:s21] =	ssyncadd.s32 $0xFFFF8000  }
.LBB2_3:
0xd2: {  	s0 =	sand.u32 $0x70, s31;
	s6 =	sand.u32 $0x400, s28  }
0xd3: {  	v3 =	vld [tilespmem:s29+$0x0];
	s0 =	sor.u32 s0, s6  }
0xd4: {  	v4 =	vld [tilespmem:s0+$0x100]  }
0xd5: {  	v6 =	vld [tilespmem:s0+$0x200]  }
0xd6: {  	v8 =	vld [tilespmem:s0+$0x300]  }
0xd7: {  	v10 =	vld [tilespmem:s0+$0x400]  }
0xd8: {  	v12 =	vld [tilespmem:s0+$0x900]  }
0xd9: {  	v13 =	vld [tilespmem:s0+$0x980]  }
0xda: {  	v14 =	vld [tilespmem:s0+$0xA00]  }
0xdb: {  	v15 =	vld [tilespmem:s0+$0xA80]  }
0xdc: {  	v16 =	vld [tilespmem:s0+$0xB00]  }
0xdd: {  	v17 =	vld [tilespmem:s0+$0xB80]  }
0xde: {  	v18 =	vld [tilespmem:s0+$0xC00]  }
0xdf: {  	v19 =	vld [tilespmem:s0+$0xC80]  }
0xe0: {  	v20 =	vld [tilespmem:s0+$0x1100]  }
0xe1: {  	s4 =	sand.u32 $0xFFFFFC00, s28;
	v21 =	vld [tilespmem:s0+$0x1180]  }
0xe2: {  	s4 =	sadd.s32 s4, s31;
	v22 =	vld [tilespmem:s0+$0x1200]  }
0xe3: {  	s6 =	sor.u32 $0x80, s4;
	v23 =	vld [tilespmem:s0+$0x1280]  }
0xe4: {  	v5 =	vld [tilespmem:s6+$0x100]  }
0xe5: {  	s12 =	sor.u32 $0x180, s4;
	v24 =	vld [tilespmem:s0+$0x1300]  }
0xe6: {  	v7 =	vld [tilespmem:s12+$0x100]  }
0xe7: {  	s10 =	sor.u32 $0x280, s4;
	v29 =	vld [tilespmem:s0+$0x1380]  }
0xe8: {  	s4 =	sor.u32 s28, s31;
	v9 =	vld [tilespmem:s10+$0x100]  }
0xe9: {  	v31 =	vld [tilespmem:s0+$0x1400];
	s4 =	sor.u32 $0x380, s4;
	v4 =	vmax.f32 v4, v5  }
0xea: {  	v11 =	vld [tilespmem:s4+$0x100];
	v30 =	vmax.f32 v20, v21;
	v4 =	vmax.f32 v4, v6  }
0xeb: {  	v32 =	vld [tilespmem:s0+$0x1480];
	v6 =	vmax.f32 v30, v22;
	v4 =	vmax.f32 v4, v7  }
0xec: {  	v33 =	vld [tilespmem:s0+$0x1900];
	v6 =	vmax.f32 v6, v23;
	v4 =	vmax.f32 v4, v8  }
0xed: {  	v34 =	vld [tilespmem:s0+$0x1980];
	v6 =	vmax.f32 v6, v24;
	v4 =	vmax.f32 v4, v9  }
0xee: {  	v35 =	vld [tilespmem:s0+$0x1A00];
	v5 =	vmax.f32 v6, v29;
	v4 =	vmax.f32 v4, v10  }
0xef: {  	v36 =	vld [tilespmem:s0+$0x1A80];
	v5 =	vmax.f32 v5, v31;
	v4 =	vmax.f32 v4, v11  }
0xf0: {  	v37 =	vld [tilespmem:s0+$0x1B00];
	v5 =	vmax.f32 v5, v32;
	v4 =	vmax.f32 v4, v12  }
0xf1: {  	v38 =	vld [tilespmem:s0+$0x1B80];
	v5 =	vmax.f32 v5, v33;
	v4 =	vmax.f32 v4, v13  }
0xf2: {  	v39 =	vld [tilespmem:s0+$0x1C00];
	v5 =	vmax.f32 v5, v34;
	v4 =	vmax.f32 v4, v14  }
0xf3: {  	v40 =	vld [tilespmem:s0+$0x1C80];
	v5 =	vmax.f32 v5, v35;
	v4 =	vmax.f32 v4, v15  }
0xf4: {  	v5 =	vmax.f32 v5, v36;
	v41 =	vmax.f32 v4, v16  }
0xf5: {  	v4 =	vld [tilespmem:s30+$0x0];
	v5 =	vmax.f32 v5, v37;
	v42 =	vmax.f32 v41, v17  }
0xf6: {  	v5 =	vmax.f32 v5, v38;
	v43 =	vmax.f32 v42, v18  }
0xf7: {  	v5 =	vmax.f32 v5, v39;
	v7 =	vmax.f32 v43, v19  }
0xf8: {  	v5 =	vmax.f32 v5, v40;
	v7 =	vmul.f32 v7, v3  }
0xf9: {  	v5 =	vmul.f32 v5, v3  }
0xfa: {  	v44 =	vadd.f32 v7, v4  }
0xfb: {  	v5 =	vadd.f32 v5, v4  }
0xfc: {  	v6 =	vmax.f32 v44, $0.0e+00  }
0xfd: {  	v5 =	vmax.f32 v5, $0.0e+00;
	[tilespmem:s0+$0x10100] =	vst v6  }
0xfe: {  	[tilespmem:s6+$0x10100] =	vst v5  }
0xff: {  	v5 =	vld [tilespmem:s0+$0x2100]  }
0x100: {  	v45 =	vld [tilespmem:s0+$0x2180]  }
0x101: {  	v46 =	vld [tilespmem:s0+$0x2200]  }
0x102: {  	v47 =	vld [tilespmem:s0+$0x2280]  }
0x103: {  	v48 =	vld [tilespmem:s0+$0x2300]  }
0x104: {  	v49 =	vld [tilespmem:s0+$0x2380]  }
0x105: {  	v50 =	vld [tilespmem:s0+$0x2400]  }
0x106: {  	v51 =	vld [tilespmem:s0+$0x2480]  }
0x107: {  	v52 =	vld [tilespmem:s0+$0x2900]  }
0x108: {  	v53 =	vld [tilespmem:s0+$0x2980]  }
0x109: {  	v54 =	vld [tilespmem:s0+$0x2A00]  }
0x10a: {  	v55 =	vld [tilespmem:s0+$0x2A80]  }
0x10b: {  	v56 =	vld [tilespmem:s0+$0x2B00]  }
0x10c: {  	v57 =	vld [tilespmem:s0+$0x2B80]  }
0x10d: {  	v58 =	vld [tilespmem:s0+$0x2C00]  }
0x10e: {  	v59 =	vld [tilespmem:s0+$0x2C80]  }
0x10f: {  	v60 =	vld [tilespmem:s0+$0x3100]  }
0x110: {  	v61 =	vld [tilespmem:s0+$0x3180]  }
0x111: {  	v62 =	vld [tilespmem:s0+$0x3200]  }
0x112: {  	v63 =	vld [tilespmem:s0+$0x3280]  }
0x113: {  	v25 =	vld [tilespmem:s0+$0x3300]  }
0x114: {  	v27 =	vld [tilespmem:s0+$0x3380];
	v5 =	vmax.f32 v5, v45  }
0x115: {  	v29 =	vld [tilespmem:s0+$0x3400];
	v28 =	vmax.f32 v60, v61;
	v5 =	vmax.f32 v5, v46  }
0x116: {  	v30 =	vld [tilespmem:s0+$0x3480];
	v7 =	vmax.f32 v28, v62;
	v5 =	vmax.f32 v5, v47  }
0x117: {  	v31 =	vld [tilespmem:s0+$0x3900];
	v7 =	vmax.f32 v7, v63;
	v5 =	vmax.f32 v5, v48  }
0x118: {  	v32 =	vld [tilespmem:s0+$0x3980];
	v7 =	vmax.f32 v7, v25;
	v5 =	vmax.f32 v5, v49  }
0x119: {  	v33 =	vld [tilespmem:s0+$0x3A00];
	v6 =	vmax.f32 v7, v27;
	v5 =	vmax.f32 v5, v50  }
0x11a: {  	v34 =	vld [tilespmem:s0+$0x3A80];
	v6 =	vmax.f32 v6, v29;
	v5 =	vmax.f32 v5, v51  }
0x11b: {  	v35 =	vld [tilespmem:s0+$0x3B00];
	v6 =	vmax.f32 v6, v30;
	v5 =	vmax.f32 v5, v52  }
0x11c: {  	v36 =	vld [tilespmem:s0+$0x3B80];
	v6 =	vmax.f32 v6, v31;
	v5 =	vmax.f32 v5, v53  }
0x11d: {  	v37 =	vld [tilespmem:s0+$0x3C00];
	v6 =	vmax.f32 v6, v32;
	v5 =	vmax.f32 v5, v54  }
0x11e: {  	v38 =	vld [tilespmem:s0+$0x3C80];
	v6 =	vmax.f32 v6, v33;
	v5 =	vmax.f32 v5, v55  }
0x11f: {  	v6 =	vmax.f32 v6, v34;
	v5 =	vmax.f32 v5, v56  }
0x120: {  	v6 =	vmax.f32 v6, v35;
	v5 =	vmax.f32 v5, v57  }
0x121: {  	v6 =	vmax.f32 v6, v36;
	v5 =	vmax.f32 v5, v58  }
0x122: {  	v6 =	vmax.f32 v6, v37;
	v5 =	vmax.f32 v5, v59  }
0x123: {  	v6 =	vmax.f32 v6, v38;
	v5 =	vmul.f32 v5, v3  }
0x124: {  	v6 =	vmul.f32 v6, v3  }
0x125: {  	v5 =	vadd.f32 v5, v4  }
0x126: {  	v6 =	vadd.f32 v6, v4  }
0x127: {  	v5 =	vmax.f32 v5, $0.0e+00  }
0x128: {  	v39 =	vmax.f32 v6, $0.0e+00;
	[tilespmem:s0+$0x10200] =	vst v5  }
0x129: {  	[tilespmem:s12+$0x10100] =	vst v39  }
0x12a: {  	v5 =	vld [tilespmem:s0+$0x4100]  }
0x12b: {  	v40 =	vld [tilespmem:s0+$0x4180]  }
0x12c: {  	v41 =	vld [tilespmem:s0+$0x4200]  }
0x12d: {  	v42 =	vld [tilespmem:s0+$0x4280]  }
0x12e: {  	v43 =	vld [tilespmem:s0+$0x4300]  }
0x12f: {  	v44 =	vld [tilespmem:s0+$0x4380]  }
0x130: {  	v45 =	vld [tilespmem:s0+$0x4400]  }
0x131: {  	v46 =	vld [tilespmem:s0+$0x4480]  }
0x132: {  	v47 =	vld [tilespmem:s0+$0x4900]  }
0x133: {  	v48 =	vld [tilespmem:s0+$0x4980]  }
0x134: {  	v49 =	vld [tilespmem:s0+$0x4A00]  }
0x135: {  	v50 =	vld [tilespmem:s0+$0x4A80]  }
0x136: {  	v51 =	vld [tilespmem:s0+$0x4B00]  }
0x137: {  	v52 =	vld [tilespmem:s0+$0x4B80]  }
0x138: {  	v53 =	vld [tilespmem:s0+$0x4C00]  }
0x139: {  	v54 =	vld [tilespmem:s0+$0x4C80]  }
0x13a: {  	v55 =	vld [tilespmem:s0+$0x5100]  }
0x13b: {  	v56 =	vld [tilespmem:s0+$0x5180]  }
0x13c: {  	v57 =	vld [tilespmem:s0+$0x5200]  }
0x13d: {  	v58 =	vld [tilespmem:s0+$0x5280]  }
0x13e: {  	v59 =	vld [tilespmem:s0+$0x5300]  }
0x13f: {  	v60 =	vld [tilespmem:s0+$0x5380];
	v5 =	vmax.f32 v5, v40  }
0x140: {  	v62 =	vld [tilespmem:s0+$0x5400];
	v61 =	vmax.f32 v55, v56;
	v5 =	vmax.f32 v5, v41  }
0x141: {  	v63 =	vld [tilespmem:s0+$0x5480];
	v7 =	vmax.f32 v61, v57;
	v5 =	vmax.f32 v5, v42  }
0x142: {  	v22 =	vld [tilespmem:s0+$0x5900];
	v7 =	vmax.f32 v7, v58;
	v5 =	vmax.f32 v5, v43  }
0x143: {  	v23 =	vld [tilespmem:s0+$0x5980];
	v7 =	vmax.f32 v7, v59;
	v5 =	vmax.f32 v5, v44  }
0x144: {  	v24 =	vld [tilespmem:s0+$0x5A00];
	v6 =	vmax.f32 v7, v60;
	v5 =	vmax.f32 v5, v45  }
0x145: {  	v25 =	vld [tilespmem:s0+$0x5A80];
	v6 =	vmax.f32 v6, v62;
	v5 =	vmax.f32 v5, v46  }
0x146: {  	v26 =	vld [tilespmem:s0+$0x5B00];
	v6 =	vmax.f32 v6, v63;
	v5 =	vmax.f32 v5, v47  }
0x147: {  	v27 =	vld [tilespmem:s0+$0x5B80];
	v6 =	vmax.f32 v6, v22;
	v5 =	vmax.f32 v5, v48  }
0x148: {  	v28 =	vld [tilespmem:s0+$0x5C00];
	v6 =	vmax.f32 v6, v23;
	v5 =	vmax.f32 v5, v49  }
0x149: {  	v29 =	vld [tilespmem:s0+$0x5C80];
	v6 =	vmax.f32 v6, v24;
	v5 =	vmax.f32 v5, v50  }
0x14a: {  	v6 =	vmax.f32 v6, v25;
	v5 =	vmax.f32 v5, v51  }
0x14b: {  	v6 =	vmax.f32 v6, v26;
	v5 =	vmax.f32 v5, v52  }
0x14c: {  	v6 =	vmax.f32 v6, v27;
	v5 =	vmax.f32 v5, v53  }
0x14d: {  	v6 =	vmax.f32 v6, v28;
	v5 =	vmax.f32 v5, v54  }
0x14e: {  	v6 =	vmax.f32 v6, v29;
	v5 =	vmul.f32 v5, v3  }
0x14f: {  	v6 =	vmul.f32 v6, v3  }
0x150: {  	v5 =	vadd.f32 v5, v4  }
0x151: {  	v6 =	vadd.f32 v6, v4  }
0x152: {  	v5 =	vmax.f32 v5, $0.0e+00  }
0x153: {  	v30 =	vmax.f32 v6, $0.0e+00;
	[tilespmem:s0+$0x10300] =	vst v5  }
0x154: {  	[tilespmem:s10+$0x10100] =	vst v30  }
0x155: {  	v5 =	vld [tilespmem:s0+$0x6100]  }
0x156: {  	v31 =	vld [tilespmem:s0+$0x6180]  }
0x157: {  	v32 =	vld [tilespmem:s0+$0x6200]  }
0x158: {  	v33 =	vld [tilespmem:s0+$0x6280]  }
0x159: {  	v34 =	vld [tilespmem:s0+$0x6300]  }
0x15a: {  	v35 =	vld [tilespmem:s0+$0x6380]  }
0x15b: {  	v36 =	vld [tilespmem:s0+$0x6400]  }
0x15c: {  	v37 =	vld [tilespmem:s0+$0x6480]  }
0x15d: {  	v38 =	vld [tilespmem:s0+$0x6900]  }
0x15e: {  	v39 =	vld [tilespmem:s0+$0x6980]  }
0x15f: {  	v40 =	vld [tilespmem:s0+$0x6A00]  }
0x160: {  	v41 =	vld [tilespmem:s0+$0x6A80]  }
0x161: {  	v42 =	vld [tilespmem:s0+$0x6B00]  }
0x162: {  	v43 =	vld [tilespmem:s0+$0x6B80]  }
0x163: {  	v44 =	vld [tilespmem:s0+$0x6C00]  }
0x164: {  	v45 =	vld [tilespmem:s0+$0x6C80]  }
0x165: {  	v46 =	vld [tilespmem:s0+$0x7100]  }
0x166: {  	v47 =	vld [tilespmem:s0+$0x7180]  }
0x167: {  	v48 =	vld [tilespmem:s0+$0x7200]  }
0x168: {  	v49 =	vld [tilespmem:s0+$0x7280]  }
0x169: {  	v50 =	vld [tilespmem:s0+$0x7300]  }
0x16a: {  	v51 =	vld [tilespmem:s0+$0x7380];
	v5 =	vmax.f32 v5, v31  }
0x16b: {  	v53 =	vld [tilespmem:s0+$0x7400];
	v52 =	vmax.f32 v46, v47;
	v5 =	vmax.f32 v5, v32  }
0x16c: {  	v54 =	vld [tilespmem:s0+$0x7480];
	v7 =	vmax.f32 v52, v48;
	v5 =	vmax.f32 v5, v33  }
0x16d: {  	v55 =	vld [tilespmem:s0+$0x7900];
	v7 =	vmax.f32 v7, v49;
	v5 =	vmax.f32 v5, v34  }
0x16e: {  	v56 =	vld [tilespmem:s0+$0x7980];
	v7 =	vmax.f32 v7, v50;
	v5 =	vmax.f32 v5, v35  }
0x16f: {  	v57 =	vld [tilespmem:s0+$0x7A00];
	v6 =	vmax.f32 v7, v51;
	v5 =	vmax.f32 v5, v36  }
0x170: {  	v58 =	vld [tilespmem:s0+$0x7A80];
	v6 =	vmax.f32 v6, v53;
	v5 =	vmax.f32 v5, v37  }
0x171: {  	v59 =	vld [tilespmem:s0+$0x7B00];
	v6 =	vmax.f32 v6, v54;
	v5 =	vmax.f32 v5, v38  }
0x172: {  	v60 =	vld [tilespmem:s0+$0x7B80];
	v6 =	vmax.f32 v6, v55;
	v5 =	vmax.f32 v5, v39  }
0x173: {  	v61 =	vld [tilespmem:s0+$0x7C00];
	v6 =	vmax.f32 v6, v56;
	v5 =	vmax.f32 v5, v40  }
0x174: {  	v62 =	vld [tilespmem:s0+$0x7C80];
	v6 =	vmax.f32 v6, v57;
	v5 =	vmax.f32 v5, v41  }
0x175: {  	v6 =	vmax.f32 v6, v58;
	v5 =	vmax.f32 v5, v42  }
0x176: {  	v6 =	vmax.f32 v6, v59;
	v5 =	vmax.f32 v5, v43  }
0x177: {  	v6 =	vmax.f32 v6, v60;
	v5 =	vmax.f32 v5, v44  }
0x178: {  	v6 =	vmax.f32 v6, v61;
	v5 =	vmax.f32 v5, v45  }
0x179: {  	v6 =	vmax.f32 v6, v62;
	v5 =	vmul.f32 v5, v3  }
0x17a: {  	p0 =	sne.s32 s31, $0xF0;
	v3 =	vmul.f32 v6, v3  }
.Ltmp0:
0x17b: {  	v5 =	vadd.f32 v5, v4;
	(pc) =	sbr.rel @p0 .LBB2_3-.Ltmp0, $4  }
0x17c: {  	v3 =	vadd.f32 v3, v4  }
0x17d: {  	v63 =	vmax.f32 v5, $0.0e+00  }
0x17e: {  	s29 =	sadd.s32 $0x10, s29;
	v3 =	vmax.f32 v3, $0.0e+00;
	[tilespmem:s0+$0x10400] =	vst v63  }
0x17f: {  	s28 =	sadd.s32 $0x80, s28;
	s31 =	sadd.s32 $0x10, s31;
	s30 =	sadd.s32 $0x10, s30;
	[tilespmem:s4+$0x10100] =	vst v3  }
0x180: {  	s0 =	sshll.u32 s26, $0x5  }
0x181: {  	s26 =	simm.s32 $0x0;
	s0 =	sadd.s32 s1, s0  }
0x182: {  	[hbm4b:s0+s26] =	stream.linear.scatter [tilespmem:s22], [sflag:$0x3], $0x800, $0x38;
	[tilespmem:$0x10B00] =	vst v63  }
0x183: {  	_ =	swait.ge [sflag:s11], $0x800  }
0x184: {  	[sflag:s11] =	ssyncset.done $0x0  }
0x185: {  	[sflag:s11] =	ssyncadd.s32 $0xFFFFF800  }
0x186: {  	_ =	swait.ge [sflag:s23], $0x8000  }
0x187: {  	s28 =	simm.s32 $0x10900;
	[sflag:s23] =	ssyncset.done $0x0  }
0x188: {  	s29 =	simm.s32 $0x10A00;
	s30 =	simm.s32 $0x0;
	[sflag:s23] =	ssyncadd.s32 $0xFFFF8000  }
.LBB2_5:
0x189: {  	s0 =	sand.u32 $0x70, s30;
	s6 =	sand.u32 $0x400, s26  }
0x18a: {  	v3 =	vld [tilespmem:s28+$0x0];
	s0 =	sor.u32 s0, s6  }
0x18b: {  	v4 =	vld [tilespmem:s0+$0x8100]  }
0x18c: {  	v6 =	vld [tilespmem:s0+$0x8200]  }
0x18d: {  	v8 =	vld [tilespmem:s0+$0x8300]  }
0x18e: {  	v10 =	vld [tilespmem:s0+$0x8400]  }
0x18f: {  	v12 =	vld [tilespmem:s0+$0x8900]  }
0x190: {  	v13 =	vld [tilespmem:s0+$0x8980]  }
0x191: {  	v14 =	vld [tilespmem:s0+$0x8A00]  }
0x192: {  	v15 =	vld [tilespmem:s0+$0x8A80]  }
0x193: {  	v16 =	vld [tilespmem:s0+$0x8B00]  }
0x194: {  	v17 =	vld [tilespmem:s0+$0x8B80]  }
0x195: {  	v18 =	vld [tilespmem:s0+$0x8C00]  }
0x196: {  	v19 =	vld [tilespmem:s0+$0x8C80]  }
0x197: {  	v20 =	vld [tilespmem:s0+$0x9100]  }
0x198: {  	s4 =	sand.u32 $0xFFFFFC00, s26;
	v21 =	vld [tilespmem:s0+$0x9180]  }
0x199: {  	s4 =	sadd.s32 s4, s30;
	v22 =	vld [tilespmem:s0+$0x9200]  }
0x19a: {  	s6 =	sor.u32 $0x80, s4;
	v23 =	vld [tilespmem:s0+$0x9280]  }
0x19b: {  	v5 =	vld [tilespmem:s6+$0x8100]  }
0x19c: {  	s12 =	sor.u32 $0x180, s4;
	v24 =	vld [tilespmem:s0+$0x9300]  }
0x19d: {  	v7 =	vld [tilespmem:s12+$0x8100]  }
0x19e: {  	s10 =	sor.u32 $0x280, s4;
	v29 =	vld [tilespmem:s0+$0x9380]  }
0x19f: {  	s31 =	sor.u32 s26, s30;
	v9 =	vld [tilespmem:s10+$0x8100]  }
0x1a0: {  	s4 =	sor.u32 $0x380, s31;
	v31 =	vld [tilespmem:s0+$0x9400];
	v4 =	vmax.f32 v4, v5  }
0x1a1: {  	v11 =	vld [tilespmem:s4+$0x8100];
	v30 =	vmax.f32 v20, v21;
	v4 =	vmax.f32 v4, v6  }
0x1a2: {  	v32 =	vld [tilespmem:s0+$0x9480];
	v6 =	vmax.f32 v30, v22;
	v4 =	vmax.f32 v4, v7  }
0x1a3: {  	v33 =	vld [tilespmem:s0+$0x9900];
	v6 =	vmax.f32 v6, v23;
	v4 =	vmax.f32 v4, v8  }
0x1a4: {  	v34 =	vld [tilespmem:s0+$0x9980];
	v6 =	vmax.f32 v6, v24;
	v4 =	vmax.f32 v4, v9  }
0x1a5: {  	v35 =	vld [tilespmem:s0+$0x9A00];
	v5 =	vmax.f32 v6, v29;
	v4 =	vmax.f32 v4, v10  }
0x1a6: {  	v36 =	vld [tilespmem:s0+$0x9A80];
	v5 =	vmax.f32 v5, v31;
	v4 =	vmax.f32 v4, v11  }
0x1a7: {  	v37 =	vld [tilespmem:s0+$0x9B00];
	v5 =	vmax.f32 v5, v32;
	v4 =	vmax.f32 v4, v12  }
0x1a8: {  	v38 =	vld [tilespmem:s0+$0x9B80];
	v5 =	vmax.f32 v5, v33;
	v4 =	vmax.f32 v4, v13  }
0x1a9: {  	v39 =	vld [tilespmem:s0+$0x9C00];
	v5 =	vmax.f32 v5, v34;
	v4 =	vmax.f32 v4, v14  }
0x1aa: {  	v40 =	vld [tilespmem:s0+$0x9C80];
	v5 =	vmax.f32 v5, v35;
	v4 =	vmax.f32 v4, v15  }
0x1ab: {  	v5 =	vmax.f32 v5, v36;
	v41 =	vmax.f32 v4, v16  }
0x1ac: {  	v4 =	vld [tilespmem:s29+$0x0];
	v5 =	vmax.f32 v5, v37;
	v42 =	vmax.f32 v41, v17  }
0x1ad: {  	v5 =	vmax.f32 v5, v38;
	v43 =	vmax.f32 v42, v18  }
0x1ae: {  	v5 =	vmax.f32 v5, v39;
	v7 =	vmax.f32 v43, v19  }
0x1af: {  	v5 =	vmax.f32 v5, v40;
	v7 =	vmul.f32 v7, v3  }
0x1b0: {  	v5 =	vmul.f32 v5, v3  }
0x1b1: {  	v44 =	vadd.f32 v7, v4  }
0x1b2: {  	v5 =	vadd.f32 v5, v4  }
0x1b3: {  	v6 =	vmax.f32 v44, $0.0e+00  }
0x1b4: {  	v5 =	vmax.f32 v5, $0.0e+00;
	[tilespmem:s0+$0x10100] =	vst v6  }
0x1b5: {  	[tilespmem:s6+$0x10100] =	vst v5  }
0x1b6: {  	v5 =	vld [tilespmem:s0+$0xA100]  }
0x1b7: {  	v45 =	vld [tilespmem:s0+$0xA180]  }
0x1b8: {  	v46 =	vld [tilespmem:s0+$0xA200]  }
0x1b9: {  	v47 =	vld [tilespmem:s0+$0xA280]  }
0x1ba: {  	v48 =	vld [tilespmem:s0+$0xA300]  }
0x1bb: {  	v49 =	vld [tilespmem:s0+$0xA380]  }
0x1bc: {  	v50 =	vld [tilespmem:s0+$0xA400]  }
0x1bd: {  	v51 =	vld [tilespmem:s0+$0xA480]  }
0x1be: {  	v52 =	vld [tilespmem:s0+$0xA900]  }
0x1bf: {  	v53 =	vld [tilespmem:s0+$0xA980]  }
0x1c0: {  	v54 =	vld [tilespmem:s0+$0xAA00]  }
0x1c1: {  	v55 =	vld [tilespmem:s0+$0xAA80]  }
0x1c2: {  	v56 =	vld [tilespmem:s0+$0xAB00]  }
0x1c3: {  	v57 =	vld [tilespmem:s0+$0xAB80]  }
0x1c4: {  	v58 =	vld [tilespmem:s0+$0xAC00]  }
0x1c5: {  	v59 =	vld [tilespmem:s0+$0xAC80]  }
0x1c6: {  	v60 =	vld [tilespmem:s0+$0xB100]  }
0x1c7: {  	v61 =	vld [tilespmem:s0+$0xB180]  }
0x1c8: {  	v62 =	vld [tilespmem:s0+$0xB200]  }
0x1c9: {  	v63 =	vld [tilespmem:s0+$0xB280]  }
0x1ca: {  	v25 =	vld [tilespmem:s0+$0xB300]  }
0x1cb: {  	v27 =	vld [tilespmem:s0+$0xB380];
	v5 =	vmax.f32 v5, v45  }
0x1cc: {  	v29 =	vld [tilespmem:s0+$0xB400];
	v28 =	vmax.f32 v60, v61;
	v5 =	vmax.f32 v5, v46  }
0x1cd: {  	v30 =	vld [tilespmem:s0+$0xB480];
	v7 =	vmax.f32 v28, v62;
	v5 =	vmax.f32 v5, v47  }
0x1ce: {  	v31 =	vld [tilespmem:s0+$0xB900];
	v7 =	vmax.f32 v7, v63;
	v5 =	vmax.f32 v5, v48  }
0x1cf: {  	v32 =	vld [tilespmem:s0+$0xB980];
	v7 =	vmax.f32 v7, v25;
	v5 =	vmax.f32 v5, v49  }
0x1d0: {  	v33 =	vld [tilespmem:s0+$0xBA00];
	v6 =	vmax.f32 v7, v27;
	v5 =	vmax.f32 v5, v50  }
0x1d1: {  	v34 =	vld [tilespmem:s0+$0xBA80];
	v6 =	vmax.f32 v6, v29;
	v5 =	vmax.f32 v5, v51  }
0x1d2: {  	v35 =	vld [tilespmem:s0+$0xBB00];
	v6 =	vmax.f32 v6, v30;
	v5 =	vmax.f32 v5, v52  }
0x1d3: {  	v36 =	vld [tilespmem:s0+$0xBB80];
	v6 =	vmax.f32 v6, v31;
	v5 =	vmax.f32 v5, v53  }
0x1d4: {  	v37 =	vld [tilespmem:s0+$0xBC00];
	v6 =	vmax.f32 v6, v32;
	v5 =	vmax.f32 v5, v54  }
0x1d5: {  	v38 =	vld [tilespmem:s0+$0xBC80];
	v6 =	vmax.f32 v6, v33;
	v5 =	vmax.f32 v5, v55  }
0x1d6: {  	v6 =	vmax.f32 v6, v34;
	v5 =	vmax.f32 v5, v56  }
0x1d7: {  	v6 =	vmax.f32 v6, v35;
	v5 =	vmax.f32 v5, v57  }
0x1d8: {  	v6 =	vmax.f32 v6, v36;
	v5 =	vmax.f32 v5, v58  }
0x1d9: {  	v6 =	vmax.f32 v6, v37;
	v5 =	vmax.f32 v5, v59  }
0x1da: {  	v6 =	vmax.f32 v6, v38;
	v5 =	vmul.f32 v5, v3  }
0x1db: {  	v6 =	vmul.f32 v6, v3  }
0x1dc: {  	v5 =	vadd.f32 v5, v4  }
0x1dd: {  	v6 =	vadd.f32 v6, v4  }
0x1de: {  	v5 =	vmax.f32 v5, $0.0e+00  }
0x1df: {  	v39 =	vmax.f32 v6, $0.0e+00;
	[tilespmem:s0+$0x10200] =	vst v5  }
0x1e0: {  	[tilespmem:s12+$0x10100] =	vst v39  }
0x1e1: {  	v5 =	vld [tilespmem:s0+$0xC100]  }
0x1e2: {  	v40 =	vld [tilespmem:s0+$0xC180]  }
0x1e3: {  	v41 =	vld [tilespmem:s0+$0xC200]  }
0x1e4: {  	v42 =	vld [tilespmem:s0+$0xC280]  }
0x1e5: {  	v43 =	vld [tilespmem:s0+$0xC300]  }
0x1e6: {  	v44 =	vld [tilespmem:s0+$0xC380]  }
0x1e7: {  	v45 =	vld [tilespmem:s0+$0xC400]  }
0x1e8: {  	v46 =	vld [tilespmem:s0+$0xC480]  }
0x1e9: {  	v47 =	vld [tilespmem:s0+$0xC900]  }
0x1ea: {  	v48 =	vld [tilespmem:s0+$0xC980]  }
0x1eb: {  	v49 =	vld [tilespmem:s0+$0xCA00]  }
0x1ec: {  	v50 =	vld [tilespmem:s0+$0xCA80]  }
0x1ed: {  	v51 =	vld [tilespmem:s0+$0xCB00]  }
0x1ee: {  	v52 =	vld [tilespmem:s0+$0xCB80]  }
0x1ef: {  	v53 =	vld [tilespmem:s0+$0xCC00]  }
0x1f0: {  	v54 =	vld [tilespmem:s0+$0xCC80]  }
0x1f1: {  	v55 =	vld [tilespmem:s0+$0xD100]  }
0x1f2: {  	v56 =	vld [tilespmem:s0+$0xD180]  }
0x1f3: {  	v57 =	vld [tilespmem:s0+$0xD200]  }
0x1f4: {  	v58 =	vld [tilespmem:s0+$0xD280]  }
0x1f5: {  	v59 =	vld [tilespmem:s0+$0xD300]  }
0x1f6: {  	v60 =	vld [tilespmem:s0+$0xD380];
	v5 =	vmax.f32 v5, v40  }
0x1f7: {  	v62 =	vld [tilespmem:s0+$0xD400];
	v61 =	vmax.f32 v55, v56;
	v5 =	vmax.f32 v5, v41  }
0x1f8: {  	v63 =	vld [tilespmem:s0+$0xD480];
	v7 =	vmax.f32 v61, v57;
	v5 =	vmax.f32 v5, v42  }
0x1f9: {  	v22 =	vld [tilespmem:s0+$0xD900];
	v7 =	vmax.f32 v7, v58;
	v5 =	vmax.f32 v5, v43  }
0x1fa: {  	v23 =	vld [tilespmem:s0+$0xD980];
	v7 =	vmax.f32 v7, v59;
	v5 =	vmax.f32 v5, v44  }
0x1fb: {  	v24 =	vld [tilespmem:s0+$0xDA00];
	v6 =	vmax.f32 v7, v60;
	v5 =	vmax.f32 v5, v45  }
0x1fc: {  	v25 =	vld [tilespmem:s0+$0xDA80];
	v6 =	vmax.f32 v6, v62;
	v5 =	vmax.f32 v5, v46  }
0x1fd: {  	v26 =	vld [tilespmem:s0+$0xDB00];
	v6 =	vmax.f32 v6, v63;
	v5 =	vmax.f32 v5, v47  }
0x1fe: {  	v27 =	vld [tilespmem:s0+$0xDB80];
	v6 =	vmax.f32 v6, v22;
	v5 =	vmax.f32 v5, v48  }
0x1ff: {  	v28 =	vld [tilespmem:s0+$0xDC00];
	v6 =	vmax.f32 v6, v23;
	v5 =	vmax.f32 v5, v49  }
0x200: {  	v29 =	vld [tilespmem:s0+$0xDC80];
	v6 =	vmax.f32 v6, v24;
	v5 =	vmax.f32 v5, v50  }
0x201: {  	v6 =	vmax.f32 v6, v25;
	v5 =	vmax.f32 v5, v51  }
0x202: {  	v6 =	vmax.f32 v6, v26;
	v5 =	vmax.f32 v5, v52  }
0x203: {  	v6 =	vmax.f32 v6, v27;
	v5 =	vmax.f32 v5, v53  }
0x204: {  	v6 =	vmax.f32 v6, v28;
	v5 =	vmax.f32 v5, v54  }
0x205: {  	v6 =	vmax.f32 v6, v29;
	v5 =	vmul.f32 v5, v3  }
0x206: {  	v6 =	vmul.f32 v6, v3  }
0x207: {  	v5 =	vadd.f32 v5, v4  }
0x208: {  	v6 =	vadd.f32 v6, v4  }
0x209: {  	v5 =	vmax.f32 v5, $0.0e+00  }
0x20a: {  	v30 =	vmax.f32 v6, $0.0e+00;
	[tilespmem:s0+$0x10300] =	vst v5  }
0x20b: {  	[tilespmem:s10+$0x10100] =	vst v30  }
0x20c: {  	v5 =	vld [tilespmem:s0+$0xE100]  }
0x20d: {  	v31 =	vld [tilespmem:s0+$0xE180]  }
0x20e: {  	v32 =	vld [tilespmem:s0+$0xE200]  }
0x20f: {  	v33 =	vld [tilespmem:s0+$0xE280]  }
0x210: {  	v34 =	vld [tilespmem:s0+$0xE300]  }
0x211: {  	v35 =	vld [tilespmem:s0+$0xE380]  }
0x212: {  	v36 =	vld [tilespmem:s0+$0xE400]  }
0x213: {  	v37 =	vld [tilespmem:s0+$0xE480]  }
0x214: {  	v38 =	vld [tilespmem:s0+$0xE900]  }
0x215: {  	v39 =	vld [tilespmem:s0+$0xE980]  }
0x216: {  	v40 =	vld [tilespmem:s0+$0xEA00]  }
0x217: {  	v41 =	vld [tilespmem:s0+$0xEA80]  }
0x218: {  	v42 =	vld [tilespmem:s0+$0xEB00]  }
0x219: {  	v43 =	vld [tilespmem:s0+$0xEB80]  }
0x21a: {  	v44 =	vld [tilespmem:s0+$0xEC00]  }
0x21b: {  	v45 =	vld [tilespmem:s0+$0xEC80]  }
0x21c: {  	v46 =	vld [tilespmem:s0+$0xF100]  }
0x21d: {  	v47 =	vld [tilespmem:s0+$0xF180]  }
0x21e: {  	v48 =	vld [tilespmem:s0+$0xF200]  }
0x21f: {  	v49 =	vld [tilespmem:s0+$0xF280]  }
0x220: {  	v50 =	vld [tilespmem:s0+$0xF300]  }
0x221: {  	v51 =	vld [tilespmem:s0+$0xF380];
	v5 =	vmax.f32 v5, v31  }
0x222: {  	v53 =	vld [tilespmem:s0+$0xF400];
	v52 =	vmax.f32 v46, v47;
	v5 =	vmax.f32 v5, v32  }
0x223: {  	v54 =	vld [tilespmem:s0+$0xF480];
	v7 =	vmax.f32 v52, v48;
	v5 =	vmax.f32 v5, v33  }
0x224: {  	v55 =	vld [tilespmem:s0+$0xF900];
	v7 =	vmax.f32 v7, v49;
	v5 =	vmax.f32 v5, v34  }
0x225: {  	v56 =	vld [tilespmem:s0+$0xF980];
	v7 =	vmax.f32 v7, v50;
	v5 =	vmax.f32 v5, v35  }
0x226: {  	v57 =	vld [tilespmem:s0+$0xFA00];
	v6 =	vmax.f32 v7, v51;
	v5 =	vmax.f32 v5, v36  }
0x227: {  	v58 =	vld [tilespmem:s0+$0xFA80];
	v6 =	vmax.f32 v6, v53;
	v5 =	vmax.f32 v5, v37  }
0x228: {  	v59 =	vld [tilespmem:s0+$0xFB00];
	v6 =	vmax.f32 v6, v54;
	v5 =	vmax.f32 v5, v38  }
0x229: {  	v60 =	vld [tilespmem:s0+$0xFB80];
	v6 =	vmax.f32 v6, v55;
	v5 =	vmax.f32 v5, v39  }
0x22a: {  	v61 =	vld [tilespmem:s0+$0xFC00];
	v6 =	vmax.f32 v6, v56;
	v5 =	vmax.f32 v5, v40  }
0x22b: {  	v62 =	vld [tilespmem:s0+$0xFC80];
	v6 =	vmax.f32 v6, v57;
	v5 =	vmax.f32 v5, v41  }
0x22c: {  	v6 =	vmax.f32 v6, v58;
	v5 =	vmax.f32 v5, v42  }
0x22d: {  	v6 =	vmax.f32 v6, v59;
	v5 =	vmax.f32 v5, v43  }
0x22e: {  	v6 =	vmax.f32 v6, v60;
	v5 =	vmax.f32 v5, v44  }
0x22f: {  	v6 =	vmax.f32 v6, v61;
	v5 =	vmax.f32 v5, v45  }
0x230: {  	v6 =	vmax.f32 v6, v62;
	v5 =	vmul.f32 v5, v3  }
0x231: {  	p0 =	sne.s32 s30, $0xF0;
	v3 =	vmul.f32 v6, v3  }
.Ltmp1:
0x232: {  	v5 =	vadd.f32 v5, v4;
	(pc) =	sbr.rel @p0 .LBB2_5-.Ltmp1, $4  }
0x233: {  	v3 =	vadd.f32 v3, v4  }
0x234: {  	v63 =	vmax.f32 v5, $0.0e+00  }
0x235: {  	s26 =	sadd.s32 $0x80, s26;
	v3 =	vmax.f32 v3, $0.0e+00;
	[tilespmem:s0+$0x10400] =	vst v63  }
0x236: {  	s28 =	sadd.s32 $0x10, s28;
	s30 =	sadd.s32 $0x10, s30;
	s29 =	sadd.s32 $0x10, s29;
	[tilespmem:s4+$0x10100] =	vst v3  }
0x237: {  	s24 =	sadd.s32 $0x1, s24  }
0x238: {  	s0 =	sshll.u32 s25, $0x5;
	p0 =	sne.s32 s24, $0x10  }
.Ltmp2:
0x239: {  	s0 =	sadd.s32 s1, s0;
	(pc) =	sbr.rel @p0 .LBB2_2-.Ltmp2, $4  }
0x23a: {  	[hbm4b:s0+s2] =	stream.linear.scatter [tilespmem:s22], [sflag:$0x3], $0x800, $0x38;
	[tilespmem:$0x10B00] =	vst v63  }
0x23b: {  	_ =	swait.ge [sflag:s11], $0x800  }
0x23c: {  	[sflag:s11] =	ssyncset.done $0x0  }
0x23d: {  	[sflag:s11] =	ssyncadd.s32 $0xFFFFF800  }
0x23e: {  	s4 =	rddreg [dreg:$0x6]  }
0x23f: {  	s0 =	rddreg [dreg:$0x5];
	s4 =	sadd.s32 $0x1, s4  }
0x240: {  	p0 =	sne.s32 s4, s0  }
.Ltmp3:
0x241: {  	_ = 	snop;
	(pc) =	sbr.rel @p0 .LBB2_1-.Ltmp3, $1  }
0x242: {  	_ =	sdelay $0x3  }
0x243: {  	_ =	sfence.sel $0x180000  }
0x244: {  	[bflag:$0x0] =	sbarrier.arrive $0xFFFF  }
0x245: {  	_ =	strace $0x90000047  }
0x246: {  	s0 =	stileid.u32;
	[bflag:$0x2] =	sbarrier.arrive $0xFFFF  }
0x247: {  	p0 =	sne.s32 s0, $0x0;
	s0 =	rddreg [dreg:$0x2]  }
0x248: {  	s0 =	sadd.s32 @!p0 $0x100000, s0  }
0x249: {  	[sflag:s0] =	ssyncadd.tile.s32 @!p0 $0x1;
	_ =	shalt  }
.Lfunc_end2:
_tile_overlayer_lowered:
.L_overlay_start_2:
0x24a: {  	(tag) =	ssettag $0x2  }
0x24b: {  	s0 =	rddreg [dreg:$0x0];
	s2 =	stileid.u32  }
0x24c: {  	s1 =	rddreg [dreg:$0x1];
	p0 =	sne.s32 s2, $0x0  }
0x24d: {  	s3 =	rddreg [dreg:$0x2];
	[bflag:$0x3] =	sbarrier.arrive $0xFFFF;
	s2 =	simm.s32 @!p0 $0x1C03  }
0x24e: {  	[timem:s3], [sflag:s2] =	dma.local @!p0 [hbm:s0], s1  }
0x24f: {  	s0 =	simm.s32 @!p0 $0x3  }
0x250: {  	_ =	swait.ge @!p0 [sflag:s0], s1  }
0x251: {  	s1 =	ssub.s32 @!p0 $0x0, s1;
	[sflag:s0] =	ssyncset.done @!p0 $0x0  }
0x252: {  	[sflag:s0] =	ssyncadd.s32 @!p0 s1  }
0x253: {  	[bflag:$0x3] =	sbarrier.arrive $0xFFFF  }
0x254: {  	_ =	shalt  }

</sc_bundles>
